<compile_context>
chip_gen: v7x
topology: tpu7x:2x2x1
jax: 0.10.2.dev20260603
libtpu: 0.0.44.dev20260713+nightly
codegen_flags: <defaults>
</compile_context>

<pallas_src>
import functools

import jax
import jax.numpy as jnp
import numpy as np
from jax import lax
from jax.experimental import pallas as pl
from jax.experimental.pallas import tpu as pltpu
from jax.experimental.pallas import tpu_sc as plsc

_VOCAB = 100000
_D = 64
_SEQ = 200
_BATCH = 4096
_TOKENS = _BATCH * _SEQ
_NC, _NS, _L = 2, 16, 16
_NW = _NC * _NS
_TOK_PER_W = _TOKENS // _NW
_CT = 200
_NCHUNK = _TOK_PER_W // _CT
_NBUF = 4
_LEAD = 2
_NG = _NCHUNK // _NBUF


def _pe_table() -> np.ndarray:
    position = np.arange(_SEQ, dtype=np.float32)[:, None]
    div = np.exp(np.arange(0, _D, 2, dtype=np.float32) * -(np.log(10000.0) / _D))
    pe = np.zeros((_SEQ, _D), np.float32)
    pe[:, 0::2] = np.sin(position * div)
    pe[:, 1::2] = np.cos(position * div)
    return np.tile(pe, (_CT // _SEQ, 1))


_PE = _pe_table()


@functools.partial(
    pl.kernel,
    mesh=plsc.VectorSubcoreMesh(core_axis_name="c", subcore_axis_name="s"),
    out_type=jax.ShapeDtypeStruct((_TOKENS, 128), jnp.float32),
    scratch_types=[
        pltpu.VMEM((_NCHUNK, _CT), jnp.int32),
        pltpu.VMEM((_NBUF, _CT, _D), jnp.float32),
        pltpu.VMEM((_CT, _D), jnp.float32),
        pltpu.SemaphoreType.DMA((_NBUF,)),
        pltpu.SemaphoreType.DMA((_NBUF,)),
    ],
    compiler_params=pltpu.CompilerParams(use_tc_tiling_on_sc=False),
)
def _emb_kernel(x_hbm, w_hbm, pe_hbm, out_hbm, idx_v, rows_v, pe_v, sem_g, sem_o):
    wid = lax.axis_index("s") * _NC + lax.axis_index("c")
    base = wid * _TOK_PER_W

    pltpu.sync_copy(x_hbm.at[wid], idx_v)
    pltpu.sync_copy(pe_hbm, pe_v)

    def start_gather(c, slot):
        pltpu.async_copy(w_hbm.at[idx_v.at[c]], rows_v.at[slot], sem_g.at[slot])

    def wait_gather(c, slot):
        pltpu.make_async_copy(
            w_hbm.at[idx_v.at[c]], rows_v.at[slot], sem_g.at[slot]).wait()

    def start_out(c, slot):
        pltpu.async_copy(
            rows_v.at[slot],
            out_hbm.at[pl.ds(base + c * _CT, _CT), pl.ds(0, _D)],
            sem_o.at[slot])

    def wait_out(c, slot):
        pltpu.make_async_copy(
            rows_v.at[slot],
            out_hbm.at[pl.ds(base + c * _CT, _CT), pl.ds(0, _D)],
            sem_o.at[slot]).wait()

    def add_pe(slot):
        def add_body(i, acc):
            for k in range(_D // _L):
                sl = pl.ds(k * _L, _L)
                rows_v[slot, i, sl] += pe_v[i, sl]
            return acc
        lax.fori_loop(0, _CT, add_body, 0)

    def emit(c, b, do_wait_out, do_prefetch):
        pslot = (b + _LEAD) % _NBUF
        if do_wait_out:
            wait_out(c - _LEAD, pslot)
        if do_prefetch:
            start_gather(c + _LEAD, pslot)
        wait_gather(c, b)
        add_pe(b)
        start_out(c, b)

    for c0 in range(_LEAD):
        start_gather(c0, c0 % _NBUF)

    for b in range(_NBUF):
        emit(b, b, do_wait_out=(b >= _LEAD), do_prefetch=True)

    def group_body(g, acc):
        c0 = g * _NBUF
        for b in range(_NBUF):
            emit(c0 + b, b, do_wait_out=True, do_prefetch=True)
        return acc

    lax.fori_loop(1, _NG - 1, group_body, 0)

    cl = (_NG - 1) * _NBUF
    for b in range(_NBUF):
        pref = cl + b + _LEAD < _NCHUNK
        emit(cl + b, b, do_wait_out=pref, do_prefetch=pref)

    for b in range(_NBUF):
        wait_out(cl + b, b)


def kernel(x, W):
    xr = x.reshape(_NW, _NCHUNK, _CT).astype(jnp.int32)
    out = _emb_kernel(xr, W, jnp.asarray(_PE))
    return out.reshape(_BATCH, _SEQ, 128)[:, :, :_D]

# --- scband reference (transcript-rebuilt; emitter-appended) ---
"""Pipeline reference for scband-embedding-layer-29729763622966 (READ-ONLY COPY).

The authoritative reference and input builder live on the scoring server;
editing this copy changes nothing except your own understanding.
"""

import jax, jax.numpy as jnp
import numpy as np

VOCAB = 100000
EMBED_DIM = 64
MAX_SEQ_LEN = 200
BATCH = 4096
SEQ_LEN = 200
PAD_IDX = 0


def _positional_encoding(max_seq_len, embed_dim):
    position = jnp.arange(0, max_seq_len, dtype=jnp.float32)[:, None]
    div_term = jnp.exp(jnp.arange(0, embed_dim, 2, dtype=jnp.float32) * -(np.log(10000.0) / embed_dim))
    pe = jnp.zeros((max_seq_len, embed_dim), dtype=jnp.float32)
    pe = pe.at[:, 0::2].set(jnp.sin(position * div_term))
    pe = pe.at[:, 1::2].set(jnp.cos(position * div_term))
    return pe[None, :, :]


def setup_inputs(seed: int = 0) -> dict:
    key = jax.random.key(seed)
    k1, k2 = jax.random.split(key)
    x = jax.random.randint(k1, (BATCH, SEQ_LEN), 0, VOCAB, dtype=jnp.int64 if jax.config.jax_enable_x64 else jnp.int32)
    W = jax.random.normal(k2, (VOCAB, EMBED_DIM), dtype=jnp.float32) * 0.02
    # padding_idx row initialized to zero (torch nn.Embedding padding_idx semantics)
    W = W.at[PAD_IDX].set(0.0)
    return {"x": x, "W": W}


def reference(x, W):
    seq_len = x.shape[1]
    token_emb = jnp.take(W, x, axis=0)  # [B, S, D] gather (embedding lookup)
    pos_emb = _positional_encoding(MAX_SEQ_LEN, EMBED_DIM)[:, :seq_len, :]
    return token_emb + pos_emb

if __name__ == "__main__":
    import jax
    _d = setup_inputs()
    print(jax.jit(kernel)(*tuple(_d.values())))

</pallas_src>

<mosaic_0001>
#map = affine_map<(d0, d1) -> (0, 0, 0)>
#map1 = affine_map<(d0, d1) -> (0, 0)>
module attributes {stable_mosaic.version = 14 : i64} {
  func.func @_emb_kernel(%arg0: i32, %arg1: i32, %arg2: memref<32x128x200xi32, #tpu.memory_space<hbm>>, %arg3: memref<100000x64xf32, #tpu.memory_space<hbm>>, %arg4: memref<200x64xf32, #tpu.memory_space<hbm>>, %arg5: memref<819200x128xf32, #tpu.memory_space<hbm>>, %arg6: memref<128x200xi32, #tpu.memory_space<vmem>>, %arg7: memref<4x200x64xf32, #tpu.memory_space<vmem>>, %arg8: memref<200x64xf32, #tpu.memory_space<vmem>>, %arg9: memref<4x!tpu.dma_semaphore, #tpu.memory_space<semaphore_mem>>, %arg10: memref<4x!tpu.dma_semaphore, #tpu.memory_space<semaphore_mem>>) attributes {dimension_semantics = [#tpu.dimension_semantics<core_parallel>, #tpu.dimension_semantics<subcore_parallel>], iteration_bounds = array<i64: 2, 16>, scalar_prefetch = 0 : i64, scratch_operands = 5 : i64, tpu.core_type = #tpu.core_type<sc_vector_subcore>, window_params = [{transform_indices = #map}, {transform_indices = #map1}, {transform_indices = #map1}, {transform_indices = #map1}]} {
    %mul3A = arith.constant 2 : i32
    %mul3A_0 = arith.muli %arg1, %mul3A : i32
    %add3A = arith.addi %mul3A_0, %arg0 : i32
    %mul3A_1 = arith.constant 25600 : i32
    %mul3A_2 = arith.muli %add3A, %mul3A_1 : i32
    "tpu.region"() ({
      %run_scoped3A = tpu.sem_alloc : memref<!tpu.dma_semaphore, #tpu.memory_space<semaphore_mem>>
      %dma_start3A_582 = arith.constant 0 : i32
      %dma_start3A_583 = arith.constant 0 : i32
      %dma_start3A_584 = tpu.memref_slice %arg2[%add3A, %dma_start3A_582, %dma_start3A_583] : memref<32x128x200xi32, #tpu.memory_space<hbm>> -> memref<1x128x200xi32, #tpu.memory_space<hbm>>
      %dma_start3A_585 = tpu.memref_squeeze %dma_start3A_584 : memref<1x128x200xi32, #tpu.memory_space<hbm>> -> memref<128x200xi32, #tpu.memory_space<hbm>>
      %dma_start3A_586 = arith.constant 0 : i32
      %dma_start3A_587 = arith.constant 0 : i32
      %dma_start3A_588 = tpu.memref_slice %arg2[%add3A, %dma_start3A_586, %dma_start3A_587] : memref<32x128x200xi32, #tpu.memory_space<hbm>> -> memref<1x128x200xi32, #tpu.memory_space<hbm>>
      %dma_start3A_589 = tpu.memref_squeeze %dma_start3A_588 : memref<1x128x200xi32, #tpu.memory_space<hbm>> -> memref<128x200xi32, #tpu.memory_space<hbm>>
      tpu.enqueue_dma source(%dma_start3A_589 : memref<128x200xi32, #tpu.memory_space<hbm>>) target(%arg6 : memref<128x200xi32, #tpu.memory_space<vmem>>) target_semaphore(%run_scoped3A : memref<!tpu.dma_semaphore, #tpu.memory_space<semaphore_mem>>)
      %dma_wait3A_590 = arith.constant 0 : i32
      %dma_wait3A_591 = arith.constant 0 : i32
      %dma_wait3A_592 = tpu.memref_slice %arg2[%add3A, %dma_wait3A_590, %dma_wait3A_591] : memref<32x128x200xi32, #tpu.memory_space<hbm>> -> memref<1x128x200xi32, #tpu.memory_space<hbm>>
      %dma_wait3A_593 = tpu.memref_squeeze %dma_wait3A_592 : memref<1x128x200xi32, #tpu.memory_space<hbm>> -> memref<128x200xi32, #tpu.memory_space<hbm>>
      %dma_wait3A_594 = arith.constant 0 : i32
      %dma_wait3A_595 = arith.constant 0 : i32
      %dma_wait3A_596 = tpu.memref_slice %arg2[%add3A, %dma_wait3A_594, %dma_wait3A_595] : memref<32x128x200xi32, #tpu.memory_space<hbm>> -> memref<1x128x200xi32, #tpu.memory_space<hbm>>
      %dma_wait3A_597 = tpu.memref_squeeze %dma_wait3A_596 : memref<1x128x200xi32, #tpu.memory_space<hbm>> -> memref<128x200xi32, #tpu.memory_space<hbm>>
      tpu.wait_dma2 semaphore(%run_scoped3A : memref<!tpu.dma_semaphore, #tpu.memory_space<semaphore_mem>>) src(%dma_wait3A_597 : memref<128x200xi32, #tpu.memory_space<hbm>>) dst(%arg6 : memref<128x200xi32, #tpu.memory_space<vmem>>)
      tpu.yield
    }) : () -> ()
    "tpu.region"() ({
      %run_scoped3A = tpu.sem_alloc : memref<!tpu.dma_semaphore, #tpu.memory_space<semaphore_mem>>
      tpu.enqueue_dma source(%arg4 : memref<200x64xf32, #tpu.memory_space<hbm>>) target(%arg8 : memref<200x64xf32, #tpu.memory_space<vmem>>) target_semaphore(%run_scoped3A : memref<!tpu.dma_semaphore, #tpu.memory_space<semaphore_mem>>)
      tpu.wait_dma2 semaphore(%run_scoped3A : memref<!tpu.dma_semaphore, #tpu.memory_space<semaphore_mem>>) src(%arg4 : memref<200x64xf32, #tpu.memory_space<hbm>>) dst(%arg8 : memref<200x64xf32, #tpu.memory_space<vmem>>)
      tpu.yield
    }) : () -> ()
    %dma_start3A = arith.constant 0 : i32
    %dma_start3A_3 = arith.constant 0 : i32
    %dma_start3A_4 = arith.constant 0 : i32
    %dma_start3A_5 = arith.constant 0 : i32
    %dma_start3A_6 = arith.constant 0 : i32
    %dma_start3A_7 = tpu.memref_slice %arg7[%dma_start3A_3, %dma_start3A_5, %dma_start3A_6] : memref<4x200x64xf32, #tpu.memory_space<vmem>> -> memref<1x200x64xf32, #tpu.memory_space<vmem>>
    %dma_start3A_8 = tpu.memref_squeeze %dma_start3A_7 : memref<1x200x64xf32, #tpu.memory_space<vmem>> -> memref<200x64xf32, #tpu.memory_space<vmem>>
    %dma_start3A_9 = arith.constant 0 : i32
    %dma_start3A_10 = tpu.memref_slice %arg6[%dma_start3A, %dma_start3A_9] : memref<128x200xi32, #tpu.memory_space<vmem>> -> memref<1x200xi32, #tpu.memory_space<vmem>>
    %dma_start3A_11 = tpu.memref_squeeze %dma_start3A_10 : memref<1x200xi32, #tpu.memory_space<vmem>> -> memref<200xi32, #tpu.memory_space<vmem>>
    %dma_start3A_12 = arith.constant 0 : i32
    %dma_start3A_13 = arith.constant 0 : i32
    %dma_start3A_14 = tpu.memref_slice %arg3[%dma_start3A_12, %dma_start3A_13] : memref<100000x64xf32, #tpu.memory_space<hbm>> -> memref<100000x64xf32, #tpu.memory_space<hbm>>
    %dma_start3A_15 = tpu.memref_slice %arg9[%dma_start3A_4] : memref<4x!tpu.dma_semaphore, #tpu.memory_space<semaphore_mem>> -> memref<1x!tpu.dma_semaphore, #tpu.memory_space<semaphore_mem>>
    %dma_start3A_16 = tpu.memref_squeeze %dma_start3A_15 : memref<1x!tpu.dma_semaphore, #tpu.memory_space<semaphore_mem>> -> memref<!tpu.dma_semaphore, #tpu.memory_space<semaphore_mem>>
    tpu.enqueue_indirect_dma source(%dma_start3A_14 : memref<100000x64xf32, #tpu.memory_space<hbm>>) target(%dma_start3A_8 : memref<200x64xf32, #tpu.memory_space<vmem>>) offsets(%dma_start3A_11 : memref<200xi32, #tpu.memory_space<vmem>>) semaphore(%dma_start3A_16 : memref<!tpu.dma_semaphore, #tpu.memory_space<semaphore_mem>>)
    %dma_start3A_17 = arith.constant 1 : i32
    %dma_start3A_18 = arith.constant 1 : i32
    %dma_start3A_19 = arith.constant 1 : i32
    %dma_start3A_20 = arith.constant 0 : i32
    %dma_start3A_21 = arith.constant 0 : i32
    %dma_start3A_22 = tpu.memref_slice %arg7[%dma_start3A_18, %dma_start3A_20, %dma_start3A_21] : memref<4x200x64xf32, #tpu.memory_space<vmem>> -> memref<1x200x64xf32, #tpu.memory_space<vmem>>
    %dma_start3A_23 = tpu.memref_squeeze %dma_start3A_22 : memref<1x200x64xf32, #tpu.memory_space<vmem>> -> memref<200x64xf32, #tpu.memory_space<vmem>>
    %dma_start3A_24 = arith.constant 0 : i32
    %dma_start3A_25 = tpu.memref_slice %arg6[%dma_start3A_17, %dma_start3A_24] : memref<128x200xi32, #tpu.memory_space<vmem>> -> memref<1x200xi32, #tpu.memory_space<vmem>>
    %dma_start3A_26 = tpu.memref_squeeze %dma_start3A_25 : memref<1x200xi32, #tpu.memory_space<vmem>> -> memref<200xi32, #tpu.memory_space<vmem>>
    %dma_start3A_27 = arith.constant 0 : i32
    %dma_start3A_28 = arith.constant 0 : i32
    %dma_start3A_29 = tpu.memref_slice %arg3[%dma_start3A_27, %dma_start3A_28] : memref<100000x64xf32, #tpu.memory_space<hbm>> -> memref<100000x64xf32, #tpu.memory_space<hbm>>
    %dma_start3A_30 = tpu.memref_slice %arg9[%dma_start3A_19] : memref<4x!tpu.dma_semaphore, #tpu.memory_space<semaphore_mem>> -> memref<1x!tpu.dma_semaphore, #tpu.memory_space<semaphore_mem>>
    %dma_start3A_31 = tpu.memref_squeeze %dma_start3A_30 : memref<1x!tpu.dma_semaphore, #tpu.memory_space<semaphore_mem>> -> memref<!tpu.dma_semaphore, #tpu.memory_space<semaphore_mem>>
    tpu.enqueue_indirect_dma source(%dma_start3A_29 : memref<100000x64xf32, #tpu.memory_space<hbm>>) target(%dma_start3A_23 : memref<200x64xf32, #tpu.memory_space<vmem>>) offsets(%dma_start3A_26 : memref<200xi32, #tpu.memory_space<vmem>>) semaphore(%dma_start3A_31 : memref<!tpu.dma_semaphore, #tpu.memory_space<semaphore_mem>>)
    %dma_start3A_32 = arith.constant 2 : i32
    %dma_start3A_33 = arith.constant 2 : i32
    %dma_start3A_34 = arith.constant 2 : i32
    %dma_start3A_35 = arith.constant 0 : i32
    %dma_start3A_36 = arith.constant 0 : i32
    %dma_start3A_37 = tpu.memref_slice %arg7[%dma_start3A_33, %dma_start3A_35, %dma_start3A_36] : memref<4x200x64xf32, #tpu.memory_space<vmem>> -> memref<1x200x64xf32, #tpu.memory_space<vmem>>
    %dma_start3A_38 = tpu.memref_squeeze %dma_start3A_37 : memref<1x200x64xf32, #tpu.memory_space<vmem>> -> memref<200x64xf32, #tpu.memory_space<vmem>>
    %dma_start3A_39 = arith.constant 0 : i32
    %dma_start3A_40 = tpu.memref_slice %arg6[%dma_start3A_32, %dma_start3A_39] : memref<128x200xi32, #tpu.memory_space<vmem>> -> memref<1x200xi32, #tpu.memory_space<vmem>>
    %dma_start3A_41 = tpu.memref_squeeze %dma_start3A_40 : memref<1x200xi32, #tpu.memory_space<vmem>> -> memref<200xi32, #tpu.memory_space<vmem>>
    %dma_start3A_42 = arith.constant 0 : i32
    %dma_start3A_43 = arith.constant 0 : i32
    %dma_start3A_44 = tpu.memref_slice %arg3[%dma_start3A_42, %dma_start3A_43] : memref<100000x64xf32, #tpu.memory_space<hbm>> -> memref<100000x64xf32, #tpu.memory_space<hbm>>
    %dma_start3A_45 = tpu.memref_slice %arg9[%dma_start3A_34] : memref<4x!tpu.dma_semaphore, #tpu.memory_space<semaphore_mem>> -> memref<1x!tpu.dma_semaphore, #tpu.memory_space<semaphore_mem>>
    %dma_start3A_46 = tpu.memref_squeeze %dma_start3A_45 : memref<1x!tpu.dma_semaphore, #tpu.memory_space<semaphore_mem>> -> memref<!tpu.dma_semaphore, #tpu.memory_space<semaphore_mem>>
    tpu.enqueue_indirect_dma source(%dma_start3A_44 : memref<100000x64xf32, #tpu.memory_space<hbm>>) target(%dma_start3A_38 : memref<200x64xf32, #tpu.memory_space<vmem>>) offsets(%dma_start3A_41 : memref<200xi32, #tpu.memory_space<vmem>>) semaphore(%dma_start3A_46 : memref<!tpu.dma_semaphore, #tpu.memory_space<semaphore_mem>>)
    %dma_wait3A = arith.constant 0 : i32
    %dma_wait3A_47 = arith.constant 0 : i32
    %dma_wait3A_48 = arith.constant 0 : i32
    %dma_wait3A_49 = arith.constant 0 : i32
    %dma_wait3A_50 = arith.constant 0 : i32
    %dma_wait3A_51 = tpu.memref_slice %arg7[%dma_wait3A_47, %dma_wait3A_49, %dma_wait3A_50] : memref<4x200x64xf32, #tpu.memory_space<vmem>> -> memref<1x200x64xf32, #tpu.memory_space<vmem>>
    %dma_wait3A_52 = tpu.memref_squeeze %dma_wait3A_51 : memref<1x200x64xf32, #tpu.memory_space<vmem>> -> memref<200x64xf32, #tpu.memory_space<vmem>>
    %dma_wait3A_53 = arith.constant 0 : i32
    %dma_wait3A_54 = tpu.memref_slice %arg6[%dma_wait3A, %dma_wait3A_53] : memref<128x200xi32, #tpu.memory_space<vmem>> -> memref<1x200xi32, #tpu.memory_space<vmem>>
    %dma_wait3A_55 = tpu.memref_squeeze %dma_wait3A_54 : memref<1x200xi32, #tpu.memory_space<vmem>> -> memref<200xi32, #tpu.memory_space<vmem>>
    %dma_wait3A_56 = arith.constant 0 : i32
    %dma_wait3A_57 = arith.constant 0 : i32
    %dma_wait3A_58 = tpu.memref_slice %arg3[%dma_wait3A_56, %dma_wait3A_57] : memref<100000x64xf32, #tpu.memory_space<hbm>> -> memref<100000x64xf32, #tpu.memory_space<hbm>>
    %dma_wait3A_59 = tpu.memref_slice %arg9[%dma_wait3A_48] : memref<4x!tpu.dma_semaphore, #tpu.memory_space<semaphore_mem>> -> memref<1x!tpu.dma_semaphore, #tpu.memory_space<semaphore_mem>>
    %dma_wait3A_60 = tpu.memref_squeeze %dma_wait3A_59 : memref<1x!tpu.dma_semaphore, #tpu.memory_space<semaphore_mem>> -> memref<!tpu.dma_semaphore, #tpu.memory_space<semaphore_mem>>
    tpu.wait_indirect_dma semaphore(%dma_wait3A_60 : memref<!tpu.dma_semaphore, #tpu.memory_space<semaphore_mem>>) src(%dma_wait3A_58 : memref<100000x64xf32, #tpu.memory_space<hbm>>) dst(%dma_wait3A_52 : memref<200x64xf32, #tpu.memory_space<vmem>>)
    %scan3A = arith.constant 0 : i32
    %scan3A_61 = arith.constant 0 : i32
    %scan3A_62 = arith.constant 200 : i32
    %scan3A_63 = arith.addi %scan3A_61, %scan3A_62 : i32
    %scan3A_64 = arith.constant 1 : i32
    scf.for %scan3A_582 = %scan3A_61 to %scan3A_63 step %scan3A_64  : i32 {
      %get3A = arith.constant 0 : i32
      %get3A_583 = arith.index_cast %get3A : i32 to index
      %get3A_584 = arith.index_cast %scan3A_582 : i32 to index
      %get3A_585 = arith.constant 0 : index
      %get3A_586 = tpu.vector_load %arg7[%get3A_583, %get3A_584, %get3A_585] {strides = array<i32>} : memref<4x200x64xf32, #tpu.memory_space<vmem>>, vector<1x1x16xf32>,
      %get3A_587 = vector.shape_cast %get3A_586 : vector<1x1x16xf32> to vector<16xf32>
      %get3A_588 = arith.index_cast %scan3A_582 : i32 to index
      %get3A_589 = arith.constant 0 : index
      %get3A_590 = tpu.vector_load %arg8[%get3A_588, %get3A_589] {strides = array<i32>} : memref<200x64xf32, #tpu.memory_space<vmem>>, vector<1x16xf32>,
      %get3A_591 = vector.shape_cast %get3A_590 : vector<1x16xf32> to vector<16xf32>
      %add3A_592 = arith.addf %get3A_587, %get3A_591 : vector<16xf32>
      %swap3A = arith.constant 0 : i32
      %swap3A_593 = arith.index_cast %swap3A : i32 to index
      %swap3A_594 = arith.index_cast %scan3A_582 : i32 to index
      %swap3A_595 = arith.constant 0 : index
      %swap3A_596 = tpu.vector_load %arg7[%swap3A_593, %swap3A_594, %swap3A_595] {strides = array<i32>} : memref<4x200x64xf32, #tpu.memory_space<vmem>>, vector<1x1x16xf32>,
      %swap3A_597 = vector.shape_cast %swap3A_596 : vector<1x1x16xf32> to vector<16xf32>
      %swap3A_598 = vector.shape_cast %add3A_592 : vector<16xf32> to vector<1x1x16xf32>
      tpu.vector_store %arg7[%swap3A_593, %swap3A_594, %swap3A_595], %swap3A_598 {strides = array<i32>} : memref<4x200x64xf32, #tpu.memory_space<vmem>>, vector<1x1x16xf32>,
      %get3A_599 = arith.constant 0 : i32
      %get3A_600 = arith.index_cast %get3A_599 : i32 to index
      %get3A_601 = arith.index_cast %scan3A_582 : i32 to index
      %get3A_602 = arith.constant 16 : index
      %get3A_603 = tpu.vector_load %arg7[%get3A_600, %get3A_601, %get3A_602] {strides = array<i32>} : memref<4x200x64xf32, #tpu.memory_space<vmem>>, vector<1x1x16xf32>,
      %get3A_604 = vector.shape_cast %get3A_603 : vector<1x1x16xf32> to vector<16xf32>
      %get3A_605 = arith.index_cast %scan3A_582 : i32 to index
      %get3A_606 = arith.constant 16 : index
      %get3A_607 = tpu.vector_load %arg8[%get3A_605, %get3A_606] {strides = array<i32>} : memref<200x64xf32, #tpu.memory_space<vmem>>, vector<1x16xf32>,
      %get3A_608 = vector.shape_cast %get3A_607 : vector<1x16xf32> to vector<16xf32>
      %add3A_609 = arith.addf %get3A_604, %get3A_608 : vector<16xf32>
      %swap3A_610 = arith.constant 0 : i32
      %swap3A_611 = arith.index_cast %swap3A_610 : i32 to index
      %swap3A_612 = arith.index_cast %scan3A_582 : i32 to index
      %swap3A_613 = arith.constant 16 : index
      %swap3A_614 = tpu.vector_load %arg7[%swap3A_611, %swap3A_612, %swap3A_613] {strides = array<i32>} : memref<4x200x64xf32, #tpu.memory_space<vmem>>, vector<1x1x16xf32>,
      %swap3A_615 = vector.shape_cast %swap3A_614 : vector<1x1x16xf32> to vector<16xf32>
      %swap3A_616 = vector.shape_cast %add3A_609 : vector<16xf32> to vector<1x1x16xf32>
      tpu.vector_store %arg7[%swap3A_611, %swap3A_612, %swap3A_613], %swap3A_616 {strides = array<i32>} : memref<4x200x64xf32, #tpu.memory_space<vmem>>, vector<1x1x16xf32>,
      %get3A_617 = arith.constant 0 : i32
      %get3A_618 = arith.index_cast %get3A_617 : i32 to index
      %get3A_619 = arith.index_cast %scan3A_582 : i32 to index
      %get3A_620 = arith.constant 32 : index
      %get3A_621 = tpu.vector_load %arg7[%get3A_618, %get3A_619, %get3A_620] {strides = array<i32>} : memref<4x200x64xf32, #tpu.memory_space<vmem>>, vector<1x1x16xf32>,
      %get3A_622 = vector.shape_cast %get3A_621 : vector<1x1x16xf32> to vector<16xf32>
      %get3A_623 = arith.index_cast %scan3A_582 : i32 to index
      %get3A_624 = arith.constant 32 : index
      %get3A_625 = tpu.vector_load %arg8[%get3A_623, %get3A_624] {strides = array<i32>} : memref<200x64xf32, #tpu.memory_space<vmem>>, vector<1x16xf32>,
      %get3A_626 = vector.shape_cast %get3A_625 : vector<1x16xf32> to vector<16xf32>
      %add3A_627 = arith.addf %get3A_622, %get3A_626 : vector<16xf32>
      %swap3A_628 = arith.constant 0 : i32
      %swap3A_629 = arith.index_cast %swap3A_628 : i32 to index
      %swap3A_630 = arith.index_cast %scan3A_582 : i32 to index
      %swap3A_631 = arith.constant 32 : index
      %swap3A_632 = tpu.vector_load %arg7[%swap3A_629, %swap3A_630, %swap3A_631] {strides = array<i32>} : memref<4x200x64xf32, #tpu.memory_space<vmem>>, vector<1x1x16xf32>,
      %swap3A_633 = vector.shape_cast %swap3A_632 : vector<1x1x16xf32> to vector<16xf32>
      %swap3A_634 = vector.shape_cast %add3A_627 : vector<16xf32> to vector<1x1x16xf32>
      tpu.vector_store %arg7[%swap3A_629, %swap3A_630, %swap3A_631], %swap3A_634 {strides = array<i32>} : memref<4x200x64xf32, #tpu.memory_space<vmem>>, vector<1x1x16xf32>,
      %get3A_635 = arith.constant 0 : i32
      %get3A_636 = arith.index_cast %get3A_635 : i32 to index
      %get3A_637 = arith.index_cast %scan3A_582 : i32 to index
      %get3A_638 = arith.constant 48 : index
      %get3A_639 = tpu.vector_load %arg7[%get3A_636, %get3A_637, %get3A_638] {strides = array<i32>} : memref<4x200x64xf32, #tpu.memory_space<vmem>>, vector<1x1x16xf32>,
      %get3A_640 = vector.shape_cast %get3A_639 : vector<1x1x16xf32> to vector<16xf32>
      %get3A_641 = arith.index_cast %scan3A_582 : i32 to index
      %get3A_642 = arith.constant 48 : index
      %get3A_643 = tpu.vector_load %arg8[%get3A_641, %get3A_642] {strides = array<i32>} : memref<200x64xf32, #tpu.memory_space<vmem>>, vector<1x16xf32>,
      %get3A_644 = vector.shape_cast %get3A_643 : vector<1x16xf32> to vector<16xf32>
      %add3A_645 = arith.addf %get3A_640, %get3A_644 : vector<16xf32>
      %swap3A_646 = arith.constant 0 : i32
      %swap3A_647 = arith.index_cast %swap3A_646 : i32 to index
      %swap3A_648 = arith.index_cast %scan3A_582 : i32 to index
      %swap3A_649 = arith.constant 48 : index
      %swap3A_650 = tpu.vector_load %arg7[%swap3A_647, %swap3A_648, %swap3A_649] {strides = array<i32>} : memref<4x200x64xf32, #tpu.memory_space<vmem>>, vector<1x1x16xf32>,
      %swap3A_651 = vector.shape_cast %swap3A_650 : vector<1x1x16xf32> to vector<16xf32>
      %swap3A_652 = vector.shape_cast %add3A_645 : vector<16xf32> to vector<1x1x16xf32>
      tpu.vector_store %arg7[%swap3A_647, %swap3A_648, %swap3A_649], %swap3A_652 {strides = array<i32>} : memref<4x200x64xf32, #tpu.memory_space<vmem>>, vector<1x1x16xf32>,
    }
    %scan3A_65 = arith.constant 200 : i32
    %add3A_66 = arith.constant 0 : i32
    %add3A_67 = arith.addi %mul3A_2, %add3A_66 : i32
    %dma_start3A_68 = arith.constant 0 : i32
    %dma_start3A_69 = arith.constant 0 : i32
    %dma_start3A_70 = arith.constant 0 : i32
    %dma_start3A_71 = arith.constant 0 : i32
    %dma_start3A_72 = tpu.memref_slice %arg7[%dma_start3A_68, %dma_start3A_70, %dma_start3A_71] : memref<4x200x64xf32, #tpu.memory_space<vmem>> -> memref<1x200x64xf32, #tpu.memory_space<vmem>>
    %dma_start3A_73 = tpu.memref_squeeze %dma_start3A_72 : memref<1x200x64xf32, #tpu.memory_space<vmem>> -> memref<200x64xf32, #tpu.memory_space<vmem>>
    %dma_start3A_74 = arith.constant 0 : i32
    %dma_start3A_75 = tpu.memref_slice %arg5[%add3A_67, %dma_start3A_74] : memref<819200x128xf32, #tpu.memory_space<hbm>> -> memref<200x64xf32, #tpu.memory_space<hbm>>
    %dma_start3A_76 = tpu.memref_slice %arg10[%dma_start3A_69] : memref<4x!tpu.dma_semaphore, #tpu.memory_space<semaphore_mem>> -> memref<1x!tpu.dma_semaphore, #tpu.memory_space<semaphore_mem>>
    %dma_start3A_77 = tpu.memref_squeeze %dma_start3A_76 : memref<1x!tpu.dma_semaphore, #tpu.memory_space<semaphore_mem>> -> memref<!tpu.dma_semaphore, #tpu.memory_space<semaphore_mem>>
    %dma_start3A_78 = arith.constant 0 : i32
    %dma_start3A_79 = tpu.memref_slice %arg5[%add3A_67, %dma_start3A_78] : memref<819200x128xf32, #tpu.memory_space<hbm>> -> memref<200x64xf32, #tpu.memory_space<hbm>>
    %dma_start3A_80 = arith.constant 0 : i32
    %dma_start3A_81 = arith.constant 0 : i32
    %dma_start3A_82 = tpu.memref_slice %arg7[%dma_start3A_68, %dma_start3A_80, %dma_start3A_81] : memref<4x200x64xf32, #tpu.memory_space<vmem>> -> memref<1x200x64xf32, #tpu.memory_space<vmem>>
    %dma_start3A_83 = tpu.memref_squeeze %dma_start3A_82 : memref<1x200x64xf32, #tpu.memory_space<vmem>> -> memref<200x64xf32, #tpu.memory_space<vmem>>
    tpu.enqueue_dma source(%dma_start3A_83 : memref<200x64xf32, #tpu.memory_space<vmem>>) target(%dma_start3A_79 : memref<200x64xf32, #tpu.memory_space<hbm>>) target_semaphore(%dma_start3A_77 : memref<!tpu.dma_semaphore, #tpu.memory_space<semaphore_mem>>)
    %dma_start3A_84 = arith.constant 3 : i32
    %dma_start3A_85 = arith.constant 3 : i32
    %dma_start3A_86 = arith.constant 3 : i32
    %dma_start3A_87 = arith.constant 0 : i32
    %dma_start3A_88 = arith.constant 0 : i32
    %dma_start3A_89 = tpu.memref_slice %arg7[%dma_start3A_85, %dma_start3A_87, %dma_start3A_88] : memref<4x200x64xf32, #tpu.memory_space<vmem>> -> memref<1x200x64xf32, #tpu.memory_space<vmem>>
    %dma_start3A_90 = tpu.memref_squeeze %dma_start3A_89 : memref<1x200x64xf32, #tpu.memory_space<vmem>> -> memref<200x64xf32, #tpu.memory_space<vmem>>
    %dma_start3A_91 = arith.constant 0 : i32
    %dma_start3A_92 = tpu.memref_slice %arg6[%dma_start3A_84, %dma_start3A_91] : memref<128x200xi32, #tpu.memory_space<vmem>> -> memref<1x200xi32, #tpu.memory_space<vmem>>
    %dma_start3A_93 = tpu.memref_squeeze %dma_start3A_92 : memref<1x200xi32, #tpu.memory_space<vmem>> -> memref<200xi32, #tpu.memory_space<vmem>>
    %dma_start3A_94 = arith.constant 0 : i32
    %dma_start3A_95 = arith.constant 0 : i32
    %dma_start3A_96 = tpu.memref_slice %arg3[%dma_start3A_94, %dma_start3A_95] : memref<100000x64xf32, #tpu.memory_space<hbm>> -> memref<100000x64xf32, #tpu.memory_space<hbm>>
    %dma_start3A_97 = tpu.memref_slice %arg9[%dma_start3A_86] : memref<4x!tpu.dma_semaphore, #tpu.memory_space<semaphore_mem>> -> memref<1x!tpu.dma_semaphore, #tpu.memory_space<semaphore_mem>>
    %dma_start3A_98 = tpu.memref_squeeze %dma_start3A_97 : memref<1x!tpu.dma_semaphore, #tpu.memory_space<semaphore_mem>> -> memref<!tpu.dma_semaphore, #tpu.memory_space<semaphore_mem>>
    tpu.enqueue_indirect_dma source(%dma_start3A_96 : memref<100000x64xf32, #tpu.memory_space<hbm>>) target(%dma_start3A_90 : memref<200x64xf32, #tpu.memory_space<vmem>>) offsets(%dma_start3A_93 : memref<200xi32, #tpu.memory_space<vmem>>) semaphore(%dma_start3A_98 : memref<!tpu.dma_semaphore, #tpu.memory_space<semaphore_mem>>)
    %dma_wait3A_99 = arith.constant 1 : i32
    %dma_wait3A_100 = arith.constant 1 : i32
    %dma_wait3A_101 = arith.constant 1 : i32
    %dma_wait3A_102 = arith.constant 0 : i32
    %dma_wait3A_103 = arith.constant 0 : i32
    %dma_wait3A_104 = tpu.memref_slice %arg7[%dma_wait3A_100, %dma_wait3A_102, %dma_wait3A_103] : memref<4x200x64xf32, #tpu.memory_space<vmem>> -> memref<1x200x64xf32, #tpu.memory_space<vmem>>
    %dma_wait3A_105 = tpu.memref_squeeze %dma_wait3A_104 : memref<1x200x64xf32, #tpu.memory_space<vmem>> -> memref<200x64xf32, #tpu.memory_space<vmem>>
    %dma_wait3A_106 = arith.constant 0 : i32
    %dma_wait3A_107 = tpu.memref_slice %arg6[%dma_wait3A_99, %dma_wait3A_106] : memref<128x200xi32, #tpu.memory_space<vmem>> -> memref<1x200xi32, #tpu.memory_space<vmem>>
    %dma_wait3A_108 = tpu.memref_squeeze %dma_wait3A_107 : memref<1x200xi32, #tpu.memory_space<vmem>> -> memref<200xi32, #tpu.memory_space<vmem>>
    %dma_wait3A_109 = arith.constant 0 : i32
    %dma_wait3A_110 = arith.constant 0 : i32
    %dma_wait3A_111 = tpu.memref_slice %arg3[%dma_wait3A_109, %dma_wait3A_110] : memref<100000x64xf32, #tpu.memory_space<hbm>> -> memref<100000x64xf32, #tpu.memory_space<hbm>>
    %dma_wait3A_112 = tpu.memref_slice %arg9[%dma_wait3A_101] : memref<4x!tpu.dma_semaphore, #tpu.memory_space<semaphore_mem>> -> memref<1x!tpu.dma_semaphore, #tpu.memory_space<semaphore_mem>>
    %dma_wait3A_113 = tpu.memref_squeeze %dma_wait3A_112 : memref<1x!tpu.dma_semaphore, #tpu.memory_space<semaphore_mem>> -> memref<!tpu.dma_semaphore, #tpu.memory_space<semaphore_mem>>
    tpu.wait_indirect_dma semaphore(%dma_wait3A_113 : memref<!tpu.dma_semaphore, #tpu.memory_space<semaphore_mem>>) src(%dma_wait3A_111 : memref<100000x64xf32, #tpu.memory_space<hbm>>) dst(%dma_wait3A_105 : memref<200x64xf32, #tpu.memory_space<vmem>>)
    %scan3A_114 = arith.constant 0 : i32
    %scan3A_115 = arith.constant 0 : i32
    %scan3A_116 = arith.constant 200 : i32
    %scan3A_117 = arith.addi %scan3A_115, %scan3A_116 : i32
    %scan3A_118 = arith.constant 1 : i32
    scf.for %scan3A_582 = %scan3A_115 to %scan3A_117 step %scan3A_118  : i32 {
      %get3A = arith.constant 1 : i32
      %get3A_583 = arith.index_cast %get3A : i32 to index
      %get3A_584 = arith.index_cast %scan3A_582 : i32 to index
      %get3A_585 = arith.constant 0 : index
      %get3A_586 = tpu.vector_load %arg7[%get3A_583, %get3A_584, %get3A_585] {strides = array<i32>} : memref<4x200x64xf32, #tpu.memory_space<vmem>>, vector<1x1x16xf32>,
      %get3A_587 = vector.shape_cast %get3A_586 : vector<1x1x16xf32> to vector<16xf32>
      %get3A_588 = arith.index_cast %scan3A_582 : i32 to index
      %get3A_589 = arith.constant 0 : index
      %get3A_590 = tpu.vector_load %arg8[%get3A_588, %get3A_589] {strides = array<i32>} : memref<200x64xf32, #tpu.memory_space<vmem>>, vector<1x16xf32>,
      %get3A_591 = vector.shape_cast %get3A_590 : vector<1x16xf32> to vector<16xf32>
      %add3A_592 = arith.addf %get3A_587, %get3A_591 : vector<16xf32>
      %swap3A = arith.constant 1 : i32
      %swap3A_593 = arith.index_cast %swap3A : i32 to index
      %swap3A_594 = arith.index_cast %scan3A_582 : i32 to index
      %swap3A_595 = arith.constant 0 : index
      %swap3A_596 = tpu.vector_load %arg7[%swap3A_593, %swap3A_594, %swap3A_595] {strides = array<i32>} : memref<4x200x64xf32, #tpu.memory_space<vmem>>, vector<1x1x16xf32>,
      %swap3A_597 = vector.shape_cast %swap3A_596 : vector<1x1x16xf32> to vector<16xf32>
      %swap3A_598 = vector.shape_cast %add3A_592 : vector<16xf32> to vector<1x1x16xf32>
      tpu.vector_store %arg7[%swap3A_593, %swap3A_594, %swap3A_595], %swap3A_598 {strides = array<i32>} : memref<4x200x64xf32, #tpu.memory_space<vmem>>, vector<1x1x16xf32>,
      %get3A_599 = arith.constant 1 : i32
      %get3A_600 = arith.index_cast %get3A_599 : i32 to index
      %get3A_601 = arith.index_cast %scan3A_582 : i32 to index
      %get3A_602 = arith.constant 16 : index
      %get3A_603 = tpu.vector_load %arg7[%get3A_600, %get3A_601, %get3A_602] {strides = array<i32>} : memref<4x200x64xf32, #tpu.memory_space<vmem>>, vector<1x1x16xf32>,
      %get3A_604 = vector.shape_cast %get3A_603 : vector<1x1x16xf32> to vector<16xf32>
      %get3A_605 = arith.index_cast %scan3A_582 : i32 to index
      %get3A_606 = arith.constant 16 : index
      %get3A_607 = tpu.vector_load %arg8[%get3A_605, %get3A_606] {strides = array<i32>} : memref<200x64xf32, #tpu.memory_space<vmem>>, vector<1x16xf32>,
      %get3A_608 = vector.shape_cast %get3A_607 : vector<1x16xf32> to vector<16xf32>
      %add3A_609 = arith.addf %get3A_604, %get3A_608 : vector<16xf32>
      %swap3A_610 = arith.constant 1 : i32
      %swap3A_611 = arith.index_cast %swap3A_610 : i32 to index
      %swap3A_612 = arith.index_cast %scan3A_582 : i32 to index
      %swap3A_613 = arith.constant 16 : index
      %swap3A_614 = tpu.vector_load %arg7[%swap3A_611, %swap3A_612, %swap3A_613] {strides = array<i32>} : memref<4x200x64xf32, #tpu.memory_space<vmem>>, vector<1x1x16xf32>,
      %swap3A_615 = vector.shape_cast %swap3A_614 : vector<1x1x16xf32> to vector<16xf32>
      %swap3A_616 = vector.shape_cast %add3A_609 : vector<16xf32> to vector<1x1x16xf32>
      tpu.vector_store %arg7[%swap3A_611, %swap3A_612, %swap3A_613], %swap3A_616 {strides = array<i32>} : memref<4x200x64xf32, #tpu.memory_space<vmem>>, vector<1x1x16xf32>,
      %get3A_617 = arith.constant 1 : i32
      %get3A_618 = arith.index_cast %get3A_617 : i32 to index
      %get3A_619 = arith.index_cast %scan3A_582 : i32 to index
      %get3A_620 = arith.constant 32 : index
      %get3A_621 = tpu.vector_load %arg7[%get3A_618, %get3A_619, %get3A_620] {strides = array<i32>} : memref<4x200x64xf32, #tpu.memory_space<vmem>>, vector<1x1x16xf32>,
      %get3A_622 = vector.shape_cast %get3A_621 : vector<1x1x16xf32> to vector<16xf32>
      %get3A_623 = arith.index_cast %scan3A_582 : i32 to index
      %get3A_624 = arith.constant 32 : index
      %get3A_625 = tpu.vector_load %arg8[%get3A_623, %get3A_624] {strides = array<i32>} : memref<200x64xf32, #tpu.memory_space<vmem>>, vector<1x16xf32>,
      %get3A_626 = vector.shape_cast %get3A_625 : vector<1x16xf32> to vector<16xf32>
      %add3A_627 = arith.addf %get3A_622, %get3A_626 : vector<16xf32>
      %swap3A_628 = arith.constant 1 : i32
      %swap3A_629 = arith.index_cast %swap3A_628 : i32 to index
      %swap3A_630 = arith.index_cast %scan3A_582 : i32 to index
      %swap3A_631 = arith.constant 32 : index
      %swap3A_632 = tpu.vector_load %arg7[%swap3A_629, %swap3A_630, %swap3A_631] {strides = array<i32>} : memref<4x200x64xf32, #tpu.memory_space<vmem>>, vector<1x1x16xf32>,
      %swap3A_633 = vector.shape_cast %swap3A_632 : vector<1x1x16xf32> to vector<16xf32>
      %swap3A_634 = vector.shape_cast %add3A_627 : vector<16xf32> to vector<1x1x16xf32>
      tpu.vector_store %arg7[%swap3A_629, %swap3A_630, %swap3A_631], %swap3A_634 {strides = array<i32>} : memref<4x200x64xf32, #tpu.memory_space<vmem>>, vector<1x1x16xf32>,
      %get3A_635 = arith.constant 1 : i32
      %get3A_636 = arith.index_cast %get3A_635 : i32 to index
      %get3A_637 = arith.index_cast %scan3A_582 : i32 to index
      %get3A_638 = arith.constant 48 : index
      %get3A_639 = tpu.vector_load %arg7[%get3A_636, %get3A_637, %get3A_638] {strides = array<i32>} : memref<4x200x64xf32, #tpu.memory_space<vmem>>, vector<1x1x16xf32>,
      %get3A_640 = vector.shape_cast %get3A_639 : vector<1x1x16xf32> to vector<16xf32>
      %get3A_641 = arith.index_cast %scan3A_582 : i32 to index
      %get3A_642 = arith.constant 48 : index
      %get3A_643 = tpu.vector_load %arg8[%get3A_641, %get3A_642] {strides = array<i32>} : memref<200x64xf32, #tpu.memory_space<vmem>>, vector<1x16xf32>,
      %get3A_644 = vector.shape_cast %get3A_643 : vector<1x16xf32> to vector<16xf32>
      %add3A_645 = arith.addf %get3A_640, %get3A_644 : vector<16xf32>
      %swap3A_646 = arith.constant 1 : i32
      %swap3A_647 = arith.index_cast %swap3A_646 : i32 to index
      %swap3A_648 = arith.index_cast %scan3A_582 : i32 to index
      %swap3A_649 = arith.constant 48 : index
      %swap3A_650 = tpu.vector_load %arg7[%swap3A_647, %swap3A_648, %swap3A_649] {strides = array<i32>} : memref<4x200x64xf32, #tpu.memory_space<vmem>>, vector<1x1x16xf32>,
      %swap3A_651 = vector.shape_cast %swap3A_650 : vector<1x1x16xf32> to vector<16xf32>
      %swap3A_652 = vector.shape_cast %add3A_645 : vector<16xf32> to vector<1x1x16xf32>
      tpu.vector_store %arg7[%swap3A_647, %swap3A_648, %swap3A_649], %swap3A_652 {strides = array<i32>} : memref<4x200x64xf32, #tpu.memory_space<vmem>>, vector<1x1x16xf32>,
    }
    %scan3A_119 = arith.constant 200 : i32
    %add3A_120 = arith.constant 200 : i32
    %add3A_121 = arith.addi %mul3A_2, %add3A_120 : i32
    %dma_start3A_122 = arith.constant 1 : i32
    %dma_start3A_123 = arith.constant 1 : i32
    %dma_start3A_124 = arith.constant 0 : i32
    %dma_start3A_125 = arith.constant 0 : i32
    %dma_start3A_126 = tpu.memref_slice %arg7[%dma_start3A_122, %dma_start3A_124, %dma_start3A_125] : memref<4x200x64xf32, #tpu.memory_space<vmem>> -> memref<1x200x64xf32, #tpu.memory_space<vmem>>
    %dma_start3A_127 = tpu.memref_squeeze %dma_start3A_126 : memref<1x200x64xf32, #tpu.memory_space<vmem>> -> memref<200x64xf32, #tpu.memory_space<vmem>>
    %dma_start3A_128 = arith.constant 0 : i32
    %dma_start3A_129 = tpu.memref_slice %arg5[%add3A_121, %dma_start3A_128] : memref<819200x128xf32, #tpu.memory_space<hbm>> -> memref<200x64xf32, #tpu.memory_space<hbm>>
    %dma_start3A_130 = tpu.memref_slice %arg10[%dma_start3A_123] : memref<4x!tpu.dma_semaphore, #tpu.memory_space<semaphore_mem>> -> memref<1x!tpu.dma_semaphore, #tpu.memory_space<semaphore_mem>>
    %dma_start3A_131 = tpu.memref_squeeze %dma_start3A_130 : memref<1x!tpu.dma_semaphore, #tpu.memory_space<semaphore_mem>> -> memref<!tpu.dma_semaphore, #tpu.memory_space<semaphore_mem>>
    %dma_start3A_132 = arith.constant 0 : i32
    %dma_start3A_133 = tpu.memref_slice %arg5[%add3A_121, %dma_start3A_132] : memref<819200x128xf32, #tpu.memory_space<hbm>> -> memref<200x64xf32, #tpu.memory_space<hbm>>
    %dma_start3A_134 = arith.constant 0 : i32
    %dma_start3A_135 = arith.constant 0 : i32
    %dma_start3A_136 = tpu.memref_slice %arg7[%dma_start3A_122, %dma_start3A_134, %dma_start3A_135] : memref<4x200x64xf32, #tpu.memory_space<vmem>> -> memref<1x200x64xf32, #tpu.memory_space<vmem>>
    %dma_start3A_137 = tpu.memref_squeeze %dma_start3A_136 : memref<1x200x64xf32, #tpu.memory_space<vmem>> -> memref<200x64xf32, #tpu.memory_space<vmem>>
    tpu.enqueue_dma source(%dma_start3A_137 : memref<200x64xf32, #tpu.memory_space<vmem>>) target(%dma_start3A_133 : memref<200x64xf32, #tpu.memory_space<hbm>>) target_semaphore(%dma_start3A_131 : memref<!tpu.dma_semaphore, #tpu.memory_space<semaphore_mem>>)
    %add3A_138 = arith.constant 0 : i32
    %add3A_139 = arith.addi %mul3A_2, %add3A_138 : i32
    %dma_wait3A_140 = arith.constant 0 : i32
    %dma_wait3A_141 = arith.constant 0 : i32
    %dma_wait3A_142 = arith.constant 0 : i32
    %dma_wait3A_143 = arith.constant 0 : i32
    %dma_wait3A_144 = tpu.memref_slice %arg7[%dma_wait3A_140, %dma_wait3A_142, %dma_wait3A_143] : memref<4x200x64xf32, #tpu.memory_space<vmem>> -> memref<1x200x64xf32, #tpu.memory_space<vmem>>
    %dma_wait3A_145 = tpu.memref_squeeze %dma_wait3A_144 : memref<1x200x64xf32, #tpu.memory_space<vmem>> -> memref<200x64xf32, #tpu.memory_space<vmem>>
    %dma_wait3A_146 = arith.constant 0 : i32
    %dma_wait3A_147 = tpu.memref_slice %arg5[%add3A_139, %dma_wait3A_146] : memref<819200x128xf32, #tpu.memory_space<hbm>> -> memref<200x64xf32, #tpu.memory_space<hbm>>
    %dma_wait3A_148 = tpu.memref_slice %arg10[%dma_wait3A_141] : memref<4x!tpu.dma_semaphore, #tpu.memory_space<semaphore_mem>> -> memref<1x!tpu.dma_semaphore, #tpu.memory_space<semaphore_mem>>
    %dma_wait3A_149 = tpu.memref_squeeze %dma_wait3A_148 : memref<1x!tpu.dma_semaphore, #tpu.memory_space<semaphore_mem>> -> memref<!tpu.dma_semaphore, #tpu.memory_space<semaphore_mem>>
    %dma_wait3A_150 = arith.constant 0 : i32
    %dma_wait3A_151 = tpu.memref_slice %arg5[%add3A_139, %dma_wait3A_150] : memref<819200x128xf32, #tpu.memory_space<hbm>> -> memref<200x64xf32, #tpu.memory_space<hbm>>
    %dma_wait3A_152 = arith.constant 0 : i32
    %dma_wait3A_153 = arith.constant 0 : i32
    %dma_wait3A_154 = tpu.memref_slice %arg7[%dma_wait3A_140, %dma_wait3A_152, %dma_wait3A_153] : memref<4x200x64xf32, #tpu.memory_space<vmem>> -> memref<1x200x64xf32, #tpu.memory_space<vmem>>
    %dma_wait3A_155 = tpu.memref_squeeze %dma_wait3A_154 : memref<1x200x64xf32, #tpu.memory_space<vmem>> -> memref<200x64xf32, #tpu.memory_space<vmem>>
    tpu.wait_dma2 semaphore(%dma_wait3A_149 : memref<!tpu.dma_semaphore, #tpu.memory_space<semaphore_mem>>) src(%dma_wait3A_155 : memref<200x64xf32, #tpu.memory_space<vmem>>) dst(%dma_wait3A_151 : memref<200x64xf32, #tpu.memory_space<hbm>>)
    %dma_start3A_156 = arith.constant 4 : i32
    %dma_start3A_157 = arith.constant 0 : i32
    %dma_start3A_158 = arith.constant 0 : i32
    %dma_start3A_159 = arith.constant 0 : i32
    %dma_start3A_160 = arith.constant 0 : i32
    %dma_start3A_161 = tpu.memref_slice %arg7[%dma_start3A_157, %dma_start3A_159, %dma_start3A_160] : memref<4x200x64xf32, #tpu.memory_space<vmem>> -> memref<1x200x64xf32, #tpu.memory_space<vmem>>
    %dma_start3A_162 = tpu.memref_squeeze %dma_start3A_161 : memref<1x200x64xf32, #tpu.memory_space<vmem>> -> memref<200x64xf32, #tpu.memory_space<vmem>>
    %dma_start3A_163 = arith.constant 0 : i32
    %dma_start3A_164 = tpu.memref_slice %arg6[%dma_start3A_156, %dma_start3A_163] : memref<128x200xi32, #tpu.memory_space<vmem>> -> memref<1x200xi32, #tpu.memory_space<vmem>>
    %dma_start3A_165 = tpu.memref_squeeze %dma_start3A_164 : memref<1x200xi32, #tpu.memory_space<vmem>> -> memref<200xi32, #tpu.memory_space<vmem>>
    %dma_start3A_166 = arith.constant 0 : i32
    %dma_start3A_167 = arith.constant 0 : i32
    %dma_start3A_168 = tpu.memref_slice %arg3[%dma_start3A_166, %dma_start3A_167] : memref<100000x64xf32, #tpu.memory_space<hbm>> -> memref<100000x64xf32, #tpu.memory_space<hbm>>
    %dma_start3A_169 = tpu.memref_slice %arg9[%dma_start3A_158] : memref<4x!tpu.dma_semaphore, #tpu.memory_space<semaphore_mem>> -> memref<1x!tpu.dma_semaphore, #tpu.memory_space<semaphore_mem>>
    %dma_start3A_170 = tpu.memref_squeeze %dma_start3A_169 : memref<1x!tpu.dma_semaphore, #tpu.memory_space<semaphore_mem>> -> memref<!tpu.dma_semaphore, #tpu.memory_space<semaphore_mem>>
    tpu.enqueue_indirect_dma source(%dma_start3A_168 : memref<100000x64xf32, #tpu.memory_space<hbm>>) target(%dma_start3A_162 : memref<200x64xf32, #tpu.memory_space<vmem>>) offsets(%dma_start3A_165 : memref<200xi32, #tpu.memory_space<vmem>>) semaphore(%dma_start3A_170 : memref<!tpu.dma_semaphore, #tpu.memory_space<semaphore_mem>>)
    %dma_wait3A_171 = arith.constant 2 : i32
    %dma_wait3A_172 = arith.constant 2 : i32
    %dma_wait3A_173 = arith.constant 2 : i32
    %dma_wait3A_174 = arith.constant 0 : i32
    %dma_wait3A_175 = arith.constant 0 : i32
    %dma_wait3A_176 = tpu.memref_slice %arg7[%dma_wait3A_172, %dma_wait3A_174, %dma_wait3A_175] : memref<4x200x64xf32, #tpu.memory_space<vmem>> -> memref<1x200x64xf32, #tpu.memory_space<vmem>>
    %dma_wait3A_177 = tpu.memref_squeeze %dma_wait3A_176 : memref<1x200x64xf32, #tpu.memory_space<vmem>> -> memref<200x64xf32, #tpu.memory_space<vmem>>
    %dma_wait3A_178 = arith.constant 0 : i32
    %dma_wait3A_179 = tpu.memref_slice %arg6[%dma_wait3A_171, %dma_wait3A_178] : memref<128x200xi32, #tpu.memory_space<vmem>> -> memref<1x200xi32, #tpu.memory_space<vmem>>
    %dma_wait3A_180 = tpu.memref_squeeze %dma_wait3A_179 : memref<1x200xi32, #tpu.memory_space<vmem>> -> memref<200xi32, #tpu.memory_space<vmem>>
    %dma_wait3A_181 = arith.constant 0 : i32
    %dma_wait3A_182 = arith.constant 0 : i32
    %dma_wait3A_183 = tpu.memref_slice %arg3[%dma_wait3A_181, %dma_wait3A_182] : memref<100000x64xf32, #tpu.memory_space<hbm>> -> memref<100000x64xf32, #tpu.memory_space<hbm>>
    %dma_wait3A_184 = tpu.memref_slice %arg9[%dma_wait3A_173] : memref<4x!tpu.dma_semaphore, #tpu.memory_space<semaphore_mem>> -> memref<1x!tpu.dma_semaphore, #tpu.memory_space<semaphore_mem>>
    %dma_wait3A_185 = tpu.memref_squeeze %dma_wait3A_184 : memref<1x!tpu.dma_semaphore, #tpu.memory_space<semaphore_mem>> -> memref<!tpu.dma_semaphore, #tpu.memory_space<semaphore_mem>>
    tpu.wait_indirect_dma semaphore(%dma_wait3A_185 : memref<!tpu.dma_semaphore, #tpu.memory_space<semaphore_mem>>) src(%dma_wait3A_183 : memref<100000x64xf32, #tpu.memory_space<hbm>>) dst(%dma_wait3A_177 : memref<200x64xf32, #tpu.memory_space<vmem>>)
    %scan3A_186 = arith.constant 0 : i32
    %scan3A_187 = arith.constant 0 : i32
    %scan3A_188 = arith.constant 200 : i32
    %scan3A_189 = arith.addi %scan3A_187, %scan3A_188 : i32
    %scan3A_190 = arith.constant 1 : i32
    scf.for %scan3A_582 = %scan3A_187 to %scan3A_189 step %scan3A_190  : i32 {
      %get3A = arith.constant 2 : i32
      %get3A_583 = arith.index_cast %get3A : i32 to index
      %get3A_584 = arith.index_cast %scan3A_582 : i32 to index
      %get3A_585 = arith.constant 0 : index
      %get3A_586 = tpu.vector_load %arg7[%get3A_583, %get3A_584, %get3A_585] {strides = array<i32>} : memref<4x200x64xf32, #tpu.memory_space<vmem>>, vector<1x1x16xf32>,
      %get3A_587 = vector.shape_cast %get3A_586 : vector<1x1x16xf32> to vector<16xf32>
      %get3A_588 = arith.index_cast %scan3A_582 : i32 to index
      %get3A_589 = arith.constant 0 : index
      %get3A_590 = tpu.vector_load %arg8[%get3A_588, %get3A_589] {strides = array<i32>} : memref<200x64xf32, #tpu.memory_space<vmem>>, vector<1x16xf32>,
      %get3A_591 = vector.shape_cast %get3A_590 : vector<1x16xf32> to vector<16xf32>
      %add3A_592 = arith.addf %get3A_587, %get3A_591 : vector<16xf32>
      %swap3A = arith.constant 2 : i32
      %swap3A_593 = arith.index_cast %swap3A : i32 to index
      %swap3A_594 = arith.index_cast %scan3A_582 : i32 to index
      %swap3A_595 = arith.constant 0 : index
      %swap3A_596 = tpu.vector_load %arg7[%swap3A_593, %swap3A_594, %swap3A_595] {strides = array<i32>} : memref<4x200x64xf32, #tpu.memory_space<vmem>>, vector<1x1x16xf32>,
      %swap3A_597 = vector.shape_cast %swap3A_596 : vector<1x1x16xf32> to vector<16xf32>
      %swap3A_598 = vector.shape_cast %add3A_592 : vector<16xf32> to vector<1x1x16xf32>
      tpu.vector_store %arg7[%swap3A_593, %swap3A_594, %swap3A_595], %swap3A_598 {strides = array<i32>} : memref<4x200x64xf32, #tpu.memory_space<vmem>>, vector<1x1x16xf32>,
      %get3A_599 = arith.constant 2 : i32
      %get3A_600 = arith.index_cast %get3A_599 : i32 to index
      %get3A_601 = arith.index_cast %scan3A_582 : i32 to index
      %get3A_602 = arith.constant 16 : index
      %get3A_603 = tpu.vector_load %arg7[%get3A_600, %get3A_601, %get3A_602] {strides = array<i32>} : memref<4x200x64xf32, #tpu.memory_space<vmem>>, vector<1x1x16xf32>,
      %get3A_604 = vector.shape_cast %get3A_603 : vector<1x1x16xf32> to vector<16xf32>
      %get3A_605 = arith.index_cast %scan3A_582 : i32 to index
      %get3A_606 = arith.constant 16 : index
      %get3A_607 = tpu.vector_load %arg8[%get3A_605, %get3A_606] {strides = array<i32>} : memref<200x64xf32, #tpu.memory_space<vmem>>, vector<1x16xf32>,
      %get3A_608 = vector.shape_cast %get3A_607 : vector<1x16xf32> to vector<16xf32>
      %add3A_609 = arith.addf %get3A_604, %get3A_608 : vector<16xf32>
      %swap3A_610 = arith.constant 2 : i32
      %swap3A_611 = arith.index_cast %swap3A_610 : i32 to index
      %swap3A_612 = arith.index_cast %scan3A_582 : i32 to index
      %swap3A_613 = arith.constant 16 : index
      %swap3A_614 = tpu.vector_load %arg7[%swap3A_611, %swap3A_612, %swap3A_613] {strides = array<i32>} : memref<4x200x64xf32, #tpu.memory_space<vmem>>, vector<1x1x16xf32>,
      %swap3A_615 = vector.shape_cast %swap3A_614 : vector<1x1x16xf32> to vector<16xf32>
      %swap3A_616 = vector.shape_cast %add3A_609 : vector<16xf32> to vector<1x1x16xf32>
      tpu.vector_store %arg7[%swap3A_611, %swap3A_612, %swap3A_613], %swap3A_616 {strides = array<i32>} : memref<4x200x64xf32, #tpu.memory_space<vmem>>, vector<1x1x16xf32>,
      %get3A_617 = arith.constant 2 : i32
      %get3A_618 = arith.index_cast %get3A_617 : i32 to index
      %get3A_619 = arith.index_cast %scan3A_582 : i32 to index
      %get3A_620 = arith.constant 32 : index
      %get3A_621 = tpu.vector_load %arg7[%get3A_618, %get3A_619, %get3A_620] {strides = array<i32>} : memref<4x200x64xf32, #tpu.memory_space<vmem>>, vector<1x1x16xf32>,
      %get3A_622 = vector.shape_cast %get3A_621 : vector<1x1x16xf32> to vector<16xf32>
      %get3A_623 = arith.index_cast %scan3A_582 : i32 to index
      %get3A_624 = arith.constant 32 : index
      %get3A_625 = tpu.vector_load %arg8[%get3A_623, %get3A_624] {strides = array<i32>} : memref<200x64xf32, #tpu.memory_space<vmem>>, vector<1x16xf32>,
      %get3A_626 = vector.shape_cast %get3A_625 : vector<1x16xf32> to vector<16xf32>
      %add3A_627 = arith.addf %get3A_622, %get3A_626 : vector<16xf32>
      %swap3A_628 = arith.constant 2 : i32
      %swap3A_629 = arith.index_cast %swap3A_628 : i32 to index
      %swap3A_630 = arith.index_cast %scan3A_582 : i32 to index
      %swap3A_631 = arith.constant 32 : index
      %swap3A_632 = tpu.vector_load %arg7[%swap3A_629, %swap3A_630, %swap3A_631] {strides = array<i32>} : memref<4x200x64xf32, #tpu.memory_space<vmem>>, vector<1x1x16xf32>,
      %swap3A_633 = vector.shape_cast %swap3A_632 : vector<1x1x16xf32> to vector<16xf32>
      %swap3A_634 = vector.shape_cast %add3A_627 : vector<16xf32> to vector<1x1x16xf32>
      tpu.vector_store %arg7[%swap3A_629, %swap3A_630, %swap3A_631], %swap3A_634 {strides = array<i32>} : memref<4x200x64xf32, #tpu.memory_space<vmem>>, vector<1x1x16xf32>,
      %get3A_635 = arith.constant 2 : i32
      %get3A_636 = arith.index_cast %get3A_635 : i32 to index
      %get3A_637 = arith.index_cast %scan3A_582 : i32 to index
      %get3A_638 = arith.constant 48 : index
      %get3A_639 = tpu.vector_load %arg7[%get3A_636, %get3A_637, %get3A_638] {strides = array<i32>} : memref<4x200x64xf32, #tpu.memory_space<vmem>>, vector<1x1x16xf32>,
      %get3A_640 = vector.shape_cast %get3A_639 : vector<1x1x16xf32> to vector<16xf32>
      %get3A_641 = arith.index_cast %scan3A_582 : i32 to index
      %get3A_642 = arith.constant 48 : index
      %get3A_643 = tpu.vector_load %arg8[%get3A_641, %get3A_642] {strides = array<i32>} : memref<200x64xf32, #tpu.memory_space<vmem>>, vector<1x16xf32>,
      %get3A_644 = vector.shape_cast %get3A_643 : vector<1x16xf32> to vector<16xf32>
      %add3A_645 = arith.addf %get3A_640, %get3A_644 : vector<16xf32>
      %swap3A_646 = arith.constant 2 : i32
      %swap3A_647 = arith.index_cast %swap3A_646 : i32 to index
      %swap3A_648 = arith.index_cast %scan3A_582 : i32 to index
      %swap3A_649 = arith.constant 48 : index
      %swap3A_650 = tpu.vector_load %arg7[%swap3A_647, %swap3A_648, %swap3A_649] {strides = array<i32>} : memref<4x200x64xf32, #tpu.memory_space<vmem>>, vector<1x1x16xf32>,
      %swap3A_651 = vector.shape_cast %swap3A_650 : vector<1x1x16xf32> to vector<16xf32>
      %swap3A_652 = vector.shape_cast %add3A_645 : vector<16xf32> to vector<1x1x16xf32>
      tpu.vector_store %arg7[%swap3A_647, %swap3A_648, %swap3A_649], %swap3A_652 {strides = array<i32>} : memref<4x200x64xf32, #tpu.memory_space<vmem>>, vector<1x1x16xf32>,
    }
    %scan3A_191 = arith.constant 200 : i32
    %add3A_192 = arith.constant 400 : i32
    %add3A_193 = arith.addi %mul3A_2, %add3A_192 : i32
    %dma_start3A_194 = arith.constant 2 : i32
    %dma_start3A_195 = arith.constant 2 : i32
    %dma_start3A_196 = arith.constant 0 : i32
    %dma_start3A_197 = arith.constant 0 : i32
    %dma_start3A_198 = tpu.memref_slice %arg7[%dma_start3A_194, %dma_start3A_196, %dma_start3A_197] : memref<4x200x64xf32, #tpu.memory_space<vmem>> -> memref<1x200x64xf32, #tpu.memory_space<vmem>>
    %dma_start3A_199 = tpu.memref_squeeze %dma_start3A_198 : memref<1x200x64xf32, #tpu.memory_space<vmem>> -> memref<200x64xf32, #tpu.memory_space<vmem>>
    %dma_start3A_200 = arith.constant 0 : i32
    %dma_start3A_201 = tpu.memref_slice %arg5[%add3A_193, %dma_start3A_200] : memref<819200x128xf32, #tpu.memory_space<hbm>> -> memref<200x64xf32, #tpu.memory_space<hbm>>
    %dma_start3A_202 = tpu.memref_slice %arg10[%dma_start3A_195] : memref<4x!tpu.dma_semaphore, #tpu.memory_space<semaphore_mem>> -> memref<1x!tpu.dma_semaphore, #tpu.memory_space<semaphore_mem>>
    %dma_start3A_203 = tpu.memref_squeeze %dma_start3A_202 : memref<1x!tpu.dma_semaphore, #tpu.memory_space<semaphore_mem>> -> memref<!tpu.dma_semaphore, #tpu.memory_space<semaphore_mem>>
    %dma_start3A_204 = arith.constant 0 : i32
    %dma_start3A_205 = tpu.memref_slice %arg5[%add3A_193, %dma_start3A_204] : memref<819200x128xf32, #tpu.memory_space<hbm>> -> memref<200x64xf32, #tpu.memory_space<hbm>>
    %dma_start3A_206 = arith.constant 0 : i32
    %dma_start3A_207 = arith.constant 0 : i32
    %dma_start3A_208 = tpu.memref_slice %arg7[%dma_start3A_194, %dma_start3A_206, %dma_start3A_207] : memref<4x200x64xf32, #tpu.memory_space<vmem>> -> memref<1x200x64xf32, #tpu.memory_space<vmem>>
    %dma_start3A_209 = tpu.memref_squeeze %dma_start3A_208 : memref<1x200x64xf32, #tpu.memory_space<vmem>> -> memref<200x64xf32, #tpu.memory_space<vmem>>
    tpu.enqueue_dma source(%dma_start3A_209 : memref<200x64xf32, #tpu.memory_space<vmem>>) target(%dma_start3A_205 : memref<200x64xf32, #tpu.memory_space<hbm>>) target_semaphore(%dma_start3A_203 : memref<!tpu.dma_semaphore, #tpu.memory_space<semaphore_mem>>)
    %add3A_210 = arith.constant 200 : i32
    %add3A_211 = arith.addi %mul3A_2, %add3A_210 : i32
    %dma_wait3A_212 = arith.constant 1 : i32
    %dma_wait3A_213 = arith.constant 1 : i32
    %dma_wait3A_214 = arith.constant 0 : i32
    %dma_wait3A_215 = arith.constant 0 : i32
    %dma_wait3A_216 = tpu.memref_slice %arg7[%dma_wait3A_212, %dma_wait3A_214, %dma_wait3A_215] : memref<4x200x64xf32, #tpu.memory_space<vmem>> -> memref<1x200x64xf32, #tpu.memory_space<vmem>>
    %dma_wait3A_217 = tpu.memref_squeeze %dma_wait3A_216 : memref<1x200x64xf32, #tpu.memory_space<vmem>> -> memref<200x64xf32, #tpu.memory_space<vmem>>
    %dma_wait3A_218 = arith.constant 0 : i32
    %dma_wait3A_219 = tpu.memref_slice %arg5[%add3A_211, %dma_wait3A_218] : memref<819200x128xf32, #tpu.memory_space<hbm>> -> memref<200x64xf32, #tpu.memory_space<hbm>>
    %dma_wait3A_220 = tpu.memref_slice %arg10[%dma_wait3A_213] : memref<4x!tpu.dma_semaphore, #tpu.memory_space<semaphore_mem>> -> memref<1x!tpu.dma_semaphore, #tpu.memory_space<semaphore_mem>>
    %dma_wait3A_221 = tpu.memref_squeeze %dma_wait3A_220 : memref<1x!tpu.dma_semaphore, #tpu.memory_space<semaphore_mem>> -> memref<!tpu.dma_semaphore, #tpu.memory_space<semaphore_mem>>
    %dma_wait3A_222 = arith.constant 0 : i32
    %dma_wait3A_223 = tpu.memref_slice %arg5[%add3A_211, %dma_wait3A_222] : memref<819200x128xf32, #tpu.memory_space<hbm>> -> memref<200x64xf32, #tpu.memory_space<hbm>>
    %dma_wait3A_224 = arith.constant 0 : i32
    %dma_wait3A_225 = arith.constant 0 : i32
    %dma_wait3A_226 = tpu.memref_slice %arg7[%dma_wait3A_212, %dma_wait3A_224, %dma_wait3A_225] : memref<4x200x64xf32, #tpu.memory_space<vmem>> -> memref<1x200x64xf32, #tpu.memory_space<vmem>>
    %dma_wait3A_227 = tpu.memref_squeeze %dma_wait3A_226 : memref<1x200x64xf32, #tpu.memory_space<vmem>> -> memref<200x64xf32, #tpu.memory_space<vmem>>
    tpu.wait_dma2 semaphore(%dma_wait3A_221 : memref<!tpu.dma_semaphore, #tpu.memory_space<semaphore_mem>>) src(%dma_wait3A_227 : memref<200x64xf32, #tpu.memory_space<vmem>>) dst(%dma_wait3A_223 : memref<200x64xf32, #tpu.memory_space<hbm>>)
    %dma_start3A_228 = arith.constant 5 : i32
    %dma_start3A_229 = arith.constant 1 : i32
    %dma_start3A_230 = arith.constant 1 : i32
    %dma_start3A_231 = arith.constant 0 : i32
    %dma_start3A_232 = arith.constant 0 : i32
    %dma_start3A_233 = tpu.memref_slice %arg7[%dma_start3A_229, %dma_start3A_231, %dma_start3A_232] : memref<4x200x64xf32, #tpu.memory_space<vmem>> -> memref<1x200x64xf32, #tpu.memory_space<vmem>>
    %dma_start3A_234 = tpu.memref_squeeze %dma_start3A_233 : memref<1x200x64xf32, #tpu.memory_space<vmem>> -> memref<200x64xf32, #tpu.memory_space<vmem>>
    %dma_start3A_235 = arith.constant 0 : i32
    %dma_start3A_236 = tpu.memref_slice %arg6[%dma_start3A_228, %dma_start3A_235] : memref<128x200xi32, #tpu.memory_space<vmem>> -> memref<1x200xi32, #tpu.memory_space<vmem>>
    %dma_start3A_237 = tpu.memref_squeeze %dma_start3A_236 : memref<1x200xi32, #tpu.memory_space<vmem>> -> memref<200xi32, #tpu.memory_space<vmem>>
    %dma_start3A_238 = arith.constant 0 : i32
    %dma_start3A_239 = arith.constant 0 : i32
    %dma_start3A_240 = tpu.memref_slice %arg3[%dma_start3A_238, %dma_start3A_239] : memref<100000x64xf32, #tpu.memory_space<hbm>> -> memref<100000x64xf32, #tpu.memory_space<hbm>>
    %dma_start3A_241 = tpu.memref_slice %arg9[%dma_start3A_230] : memref<4x!tpu.dma_semaphore, #tpu.memory_space<semaphore_mem>> -> memref<1x!tpu.dma_semaphore, #tpu.memory_space<semaphore_mem>>
    %dma_start3A_242 = tpu.memref_squeeze %dma_start3A_241 : memref<1x!tpu.dma_semaphore, #tpu.memory_space<semaphore_mem>> -> memref<!tpu.dma_semaphore, #tpu.memory_space<semaphore_mem>>
    tpu.enqueue_indirect_dma source(%dma_start3A_240 : memref<100000x64xf32, #tpu.memory_space<hbm>>) target(%dma_start3A_234 : memref<200x64xf32, #tpu.memory_space<vmem>>) offsets(%dma_start3A_237 : memref<200xi32, #tpu.memory_space<vmem>>) semaphore(%dma_start3A_242 : memref<!tpu.dma_semaphore, #tpu.memory_space<semaphore_mem>>)
    %dma_wait3A_243 = arith.constant 3 : i32
    %dma_wait3A_244 = arith.constant 3 : i32
    %dma_wait3A_245 = arith.constant 3 : i32
    %dma_wait3A_246 = arith.constant 0 : i32
    %dma_wait3A_247 = arith.constant 0 : i32
    %dma_wait3A_248 = tpu.memref_slice %arg7[%dma_wait3A_244, %dma_wait3A_246, %dma_wait3A_247] : memref<4x200x64xf32, #tpu.memory_space<vmem>> -> memref<1x200x64xf32, #tpu.memory_space<vmem>>
    %dma_wait3A_249 = tpu.memref_squeeze %dma_wait3A_248 : memref<1x200x64xf32, #tpu.memory_space<vmem>> -> memref<200x64xf32, #tpu.memory_space<vmem>>
    %dma_wait3A_250 = arith.constant 0 : i32
    %dma_wait3A_251 = tpu.memref_slice %arg6[%dma_wait3A_243, %dma_wait3A_250] : memref<128x200xi32, #tpu.memory_space<vmem>> -> memref<1x200xi32, #tpu.memory_space<vmem>>
    %dma_wait3A_252 = tpu.memref_squeeze %dma_wait3A_251 : memref<1x200xi32, #tpu.memory_space<vmem>> -> memref<200xi32, #tpu.memory_space<vmem>>
    %dma_wait3A_253 = arith.constant 0 : i32
    %dma_wait3A_254 = arith.constant 0 : i32
    %dma_wait3A_255 = tpu.memref_slice %arg3[%dma_wait3A_253, %dma_wait3A_254] : memref<100000x64xf32, #tpu.memory_space<hbm>> -> memref<100000x64xf32, #tpu.memory_space<hbm>>
    %dma_wait3A_256 = tpu.memref_slice %arg9[%dma_wait3A_245] : memref<4x!tpu.dma_semaphore, #tpu.memory_space<semaphore_mem>> -> memref<1x!tpu.dma_semaphore, #tpu.memory_space<semaphore_mem>>
    %dma_wait3A_257 = tpu.memref_squeeze %dma_wait3A_256 : memref<1x!tpu.dma_semaphore, #tpu.memory_space<semaphore_mem>> -> memref<!tpu.dma_semaphore, #tpu.memory_space<semaphore_mem>>
    tpu.wait_indirect_dma semaphore(%dma_wait3A_257 : memref<!tpu.dma_semaphore, #tpu.memory_space<semaphore_mem>>) src(%dma_wait3A_255 : memref<100000x64xf32, #tpu.memory_space<hbm>>) dst(%dma_wait3A_249 : memref<200x64xf32, #tpu.memory_space<vmem>>)
    %scan3A_258 = arith.constant 0 : i32
    %scan3A_259 = arith.constant 0 : i32
    %scan3A_260 = arith.constant 200 : i32
    %scan3A_261 = arith.addi %scan3A_259, %scan3A_260 : i32
    %scan3A_262 = arith.constant 1 : i32
    scf.for %scan3A_582 = %scan3A_259 to %scan3A_261 step %scan3A_262  : i32 {
      %get3A = arith.constant 3 : i32
      %get3A_583 = arith.index_cast %get3A : i32 to index
      %get3A_584 = arith.index_cast %scan3A_582 : i32 to index
      %get3A_585 = arith.constant 0 : index
      %get3A_586 = tpu.vector_load %arg7[%get3A_583, %get3A_584, %get3A_585] {strides = array<i32>} : memref<4x200x64xf32, #tpu.memory_space<vmem>>, vector<1x1x16xf32>,
      %get3A_587 = vector.shape_cast %get3A_586 : vector<1x1x16xf32> to vector<16xf32>
      %get3A_588 = arith.index_cast %scan3A_582 : i32 to index
      %get3A_589 = arith.constant 0 : index
      %get3A_590 = tpu.vector_load %arg8[%get3A_588, %get3A_589] {strides = array<i32>} : memref<200x64xf32, #tpu.memory_space<vmem>>, vector<1x16xf32>,
      %get3A_591 = vector.shape_cast %get3A_590 : vector<1x16xf32> to vector<16xf32>
      %add3A_592 = arith.addf %get3A_587, %get3A_591 : vector<16xf32>
      %swap3A = arith.constant 3 : i32
      %swap3A_593 = arith.index_cast %swap3A : i32 to index
      %swap3A_594 = arith.index_cast %scan3A_582 : i32 to index
      %swap3A_595 = arith.constant 0 : index
      %swap3A_596 = tpu.vector_load %arg7[%swap3A_593, %swap3A_594, %swap3A_595] {strides = array<i32>} : memref<4x200x64xf32, #tpu.memory_space<vmem>>, vector<1x1x16xf32>,
      %swap3A_597 = vector.shape_cast %swap3A_596 : vector<1x1x16xf32> to vector<16xf32>
      %swap3A_598 = vector.shape_cast %add3A_592 : vector<16xf32> to vector<1x1x16xf32>
      tpu.vector_store %arg7[%swap3A_593, %swap3A_594, %swap3A_595], %swap3A_598 {strides = array<i32>} : memref<4x200x64xf32, #tpu.memory_space<vmem>>, vector<1x1x16xf32>,
      %get3A_599 = arith.constant 3 : i32
      %get3A_600 = arith.index_cast %get3A_599 : i32 to index
      %get3A_601 = arith.index_cast %scan3A_582 : i32 to index
      %get3A_602 = arith.constant 16 : index
      %get3A_603 = tpu.vector_load %arg7[%get3A_600, %get3A_601, %get3A_602] {strides = array<i32>} : memref<4x200x64xf32, #tpu.memory_space<vmem>>, vector<1x1x16xf32>,
      %get3A_604 = vector.shape_cast %get3A_603 : vector<1x1x16xf32> to vector<16xf32>
      %get3A_605 = arith.index_cast %scan3A_582 : i32 to index
      %get3A_606 = arith.constant 16 : index
      %get3A_607 = tpu.vector_load %arg8[%get3A_605, %get3A_606] {strides = array<i32>} : memref<200x64xf32, #tpu.memory_space<vmem>>, vector<1x16xf32>,
      %get3A_608 = vector.shape_cast %get3A_607 : vector<1x16xf32> to vector<16xf32>
      %add3A_609 = arith.addf %get3A_604, %get3A_608 : vector<16xf32>
      %swap3A_610 = arith.constant 3 : i32
      %swap3A_611 = arith.index_cast %swap3A_610 : i32 to index
      %swap3A_612 = arith.index_cast %scan3A_582 : i32 to index
      %swap3A_613 = arith.constant 16 : index
      %swap3A_614 = tpu.vector_load %arg7[%swap3A_611, %swap3A_612, %swap3A_613] {strides = array<i32>} : memref<4x200x64xf32, #tpu.memory_space<vmem>>, vector<1x1x16xf32>,
      %swap3A_615 = vector.shape_cast %swap3A_614 : vector<1x1x16xf32> to vector<16xf32>
      %swap3A_616 = vector.shape_cast %add3A_609 : vector<16xf32> to vector<1x1x16xf32>
      tpu.vector_store %arg7[%swap3A_611, %swap3A_612, %swap3A_613], %swap3A_616 {strides = array<i32>} : memref<4x200x64xf32, #tpu.memory_space<vmem>>, vector<1x1x16xf32>,
      %get3A_617 = arith.constant 3 : i32
      %get3A_618 = arith.index_cast %get3A_617 : i32 to index
      %get3A_619 = arith.index_cast %scan3A_582 : i32 to index
      %get3A_620 = arith.constant 32 : index
      %get3A_621 = tpu.vector_load %arg7[%get3A_618, %get3A_619, %get3A_620] {strides = array<i32>} : memref<4x200x64xf32, #tpu.memory_space<vmem>>, vector<1x1x16xf32>,
      %get3A_622 = vector.shape_cast %get3A_621 : vector<1x1x16xf32> to vector<16xf32>
      %get3A_623 = arith.index_cast %scan3A_582 : i32 to index
      %get3A_624 = arith.constant 32 : index
      %get3A_625 = tpu.vector_load %arg8[%get3A_623, %get3A_624] {strides = array<i32>} : memref<200x64xf32, #tpu.memory_space<vmem>>, vector<1x16xf32>,
      %get3A_626 = vector.shape_cast %get3A_625 : vector<1x16xf32> to vector<16xf32>
      %add3A_627 = arith.addf %get3A_622, %get3A_626 : vector<16xf32>
      %swap3A_628 = arith.constant 3 : i32
      %swap3A_629 = arith.index_cast %swap3A_628 : i32 to index
      %swap3A_630 = arith.index_cast %scan3A_582 : i32 to index
      %swap3A_631 = arith.constant 32 : index
      %swap3A_632 = tpu.vector_load %arg7[%swap3A_629, %swap3A_630, %swap3A_631] {strides = array<i32>} : memref<4x200x64xf32, #tpu.memory_space<vmem>>, vector<1x1x16xf32>,
      %swap3A_633 = vector.shape_cast %swap3A_632 : vector<1x1x16xf32> to vector<16xf32>
      %swap3A_634 = vector.shape_cast %add3A_627 : vector<16xf32> to vector<1x1x16xf32>
      tpu.vector_store %arg7[%swap3A_629, %swap3A_630, %swap3A_631], %swap3A_634 {strides = array<i32>} : memref<4x200x64xf32, #tpu.memory_space<vmem>>, vector<1x1x16xf32>,
      %get3A_635 = arith.constant 3 : i32
      %get3A_636 = arith.index_cast %get3A_635 : i32 to index
      %get3A_637 = arith.index_cast %scan3A_582 : i32 to index
      %get3A_638 = arith.constant 48 : index
      %get3A_639 = tpu.vector_load %arg7[%get3A_636, %get3A_637, %get3A_638] {strides = array<i32>} : memref<4x200x64xf32, #tpu.memory_space<vmem>>, vector<1x1x16xf32>,
      %get3A_640 = vector.shape_cast %get3A_639 : vector<1x1x16xf32> to vector<16xf32>
      %get3A_641 = arith.index_cast %scan3A_582 : i32 to index
      %get3A_642 = arith.constant 48 : index
      %get3A_643 = tpu.vector_load %arg8[%get3A_641, %get3A_642] {strides = array<i32>} : memref<200x64xf32, #tpu.memory_space<vmem>>, vector<1x16xf32>,
      %get3A_644 = vector.shape_cast %get3A_643 : vector<1x16xf32> to vector<16xf32>
      %add3A_645 = arith.addf %get3A_640, %get3A_644 : vector<16xf32>
      %swap3A_646 = arith.constant 3 : i32
      %swap3A_647 = arith.index_cast %swap3A_646 : i32 to index
      %swap3A_648 = arith.index_cast %scan3A_582 : i32 to index
      %swap3A_649 = arith.constant 48 : index
      %swap3A_650 = tpu.vector_load %arg7[%swap3A_647, %swap3A_648, %swap3A_649] {strides = array<i32>} : memref<4x200x64xf32, #tpu.memory_space<vmem>>, vector<1x1x16xf32>,
      %swap3A_651 = vector.shape_cast %swap3A_650 : vector<1x1x16xf32> to vector<16xf32>
      %swap3A_652 = vector.shape_cast %add3A_645 : vector<16xf32> to vector<1x1x16xf32>
      tpu.vector_store %arg7[%swap3A_647, %swap3A_648, %swap3A_649], %swap3A_652 {strides = array<i32>} : memref<4x200x64xf32, #tpu.memory_space<vmem>>, vector<1x1x16xf32>,
    }
    %scan3A_263 = arith.constant 200 : i32
    %add3A_264 = arith.constant 600 : i32
    %add3A_265 = arith.addi %mul3A_2, %add3A_264 : i32
    %dma_start3A_266 = arith.constant 3 : i32
    %dma_start3A_267 = arith.constant 3 : i32
    %dma_start3A_268 = arith.constant 0 : i32
    %dma_start3A_269 = arith.constant 0 : i32
    %dma_start3A_270 = tpu.memref_slice %arg7[%dma_start3A_266, %dma_start3A_268, %dma_start3A_269] : memref<4x200x64xf32, #tpu.memory_space<vmem>> -> memref<1x200x64xf32, #tpu.memory_space<vmem>>
    %dma_start3A_271 = tpu.memref_squeeze %dma_start3A_270 : memref<1x200x64xf32, #tpu.memory_space<vmem>> -> memref<200x64xf32, #tpu.memory_space<vmem>>
    %dma_start3A_272 = arith.constant 0 : i32
    %dma_start3A_273 = tpu.memref_slice %arg5[%add3A_265, %dma_start3A_272] : memref<819200x128xf32, #tpu.memory_space<hbm>> -> memref<200x64xf32, #tpu.memory_space<hbm>>
    %dma_start3A_274 = tpu.memref_slice %arg10[%dma_start3A_267] : memref<4x!tpu.dma_semaphore, #tpu.memory_space<semaphore_mem>> -> memref<1x!tpu.dma_semaphore, #tpu.memory_space<semaphore_mem>>
    %dma_start3A_275 = tpu.memref_squeeze %dma_start3A_274 : memref<1x!tpu.dma_semaphore, #tpu.memory_space<semaphore_mem>> -> memref<!tpu.dma_semaphore, #tpu.memory_space<semaphore_mem>>
    %dma_start3A_276 = arith.constant 0 : i32
    %dma_start3A_277 = tpu.memref_slice %arg5[%add3A_265, %dma_start3A_276] : memref<819200x128xf32, #tpu.memory_space<hbm>> -> memref<200x64xf32, #tpu.memory_space<hbm>>
    %dma_start3A_278 = arith.constant 0 : i32
    %dma_start3A_279 = arith.constant 0 : i32
    %dma_start3A_280 = tpu.memref_slice %arg7[%dma_start3A_266, %dma_start3A_278, %dma_start3A_279] : memref<4x200x64xf32, #tpu.memory_space<vmem>> -> memref<1x200x64xf32, #tpu.memory_space<vmem>>
    %dma_start3A_281 = tpu.memref_squeeze %dma_start3A_280 : memref<1x200x64xf32, #tpu.memory_space<vmem>> -> memref<200x64xf32, #tpu.memory_space<vmem>>
    tpu.enqueue_dma source(%dma_start3A_281 : memref<200x64xf32, #tpu.memory_space<vmem>>) target(%dma_start3A_277 : memref<200x64xf32, #tpu.memory_space<hbm>>) target_semaphore(%dma_start3A_275 : memref<!tpu.dma_semaphore, #tpu.memory_space<semaphore_mem>>)
    %scan3A_282 = arith.constant 0 : i32
    %scan3A_283 = arith.constant 1 : i32
    %scan3A_284 = arith.constant 30 : i32
    %scan3A_285 = arith.addi %scan3A_283, %scan3A_284 : i32
    %scan3A_286 = arith.constant 1 : i32
    scf.for %scan3A_582 = %scan3A_283 to %scan3A_285 step %scan3A_286  : i32 {
      %mul3A_583 = arith.constant 4 : i32
      %mul3A_584 = arith.muli %scan3A_582, %mul3A_583 : i32
      %add3A_585 = arith.constant 0 : i32
      %add3A_586 = arith.addi %mul3A_584, %add3A_585 : i32
      %sub3A = arith.constant 2 : i32
      %sub3A_587 = arith.subi %add3A_586, %sub3A : i32
      %mul3A_588 = arith.constant 200 : i32
      %mul3A_589 = arith.muli %sub3A_587, %mul3A_588 : i32
      %add3A_590 = arith.addi %mul3A_2, %mul3A_589 : i32
      %dma_wait3A_591 = arith.constant 2 : i32
      %dma_wait3A_592 = arith.constant 2 : i32
      %dma_wait3A_593 = arith.constant 0 : i32
      %dma_wait3A_594 = arith.constant 0 : i32
      %dma_wait3A_595 = tpu.memref_slice %arg7[%dma_wait3A_591, %dma_wait3A_593, %dma_wait3A_594] : memref<4x200x64xf32, #tpu.memory_space<vmem>> -> memref<1x200x64xf32, #tpu.memory_space<vmem>>
      %dma_wait3A_596 = tpu.memref_squeeze %dma_wait3A_595 : memref<1x200x64xf32, #tpu.memory_space<vmem>> -> memref<200x64xf32, #tpu.memory_space<vmem>>
      %dma_wait3A_597 = arith.constant 0 : i32
      %dma_wait3A_598 = tpu.memref_slice %arg5[%add3A_590, %dma_wait3A_597] : memref<819200x128xf32, #tpu.memory_space<hbm>> -> memref<200x64xf32, #tpu.memory_space<hbm>>
      %dma_wait3A_599 = tpu.memref_slice %arg10[%dma_wait3A_592] : memref<4x!tpu.dma_semaphore, #tpu.memory_space<semaphore_mem>> -> memref<1x!tpu.dma_semaphore, #tpu.memory_space<semaphore_mem>>
      %dma_wait3A_600 = tpu.memref_squeeze %dma_wait3A_599 : memref<1x!tpu.dma_semaphore, #tpu.memory_space<semaphore_mem>> -> memref<!tpu.dma_semaphore, #tpu.memory_space<semaphore_mem>>
      %dma_wait3A_601 = arith.constant 0 : i32
      %dma_wait3A_602 = tpu.memref_slice %arg5[%add3A_590, %dma_wait3A_601] : memref<819200x128xf32, #tpu.memory_space<hbm>> -> memref<200x64xf32, #tpu.memory_space<hbm>>
      %dma_wait3A_603 = arith.constant 0 : i32
      %dma_wait3A_604 = arith.constant 0 : i32
      %dma_wait3A_605 = tpu.memref_slice %arg7[%dma_wait3A_591, %dma_wait3A_603, %dma_wait3A_604] : memref<4x200x64xf32, #tpu.memory_space<vmem>> -> memref<1x200x64xf32, #tpu.memory_space<vmem>>
      %dma_wait3A_606 = tpu.memref_squeeze %dma_wait3A_605 : memref<1x200x64xf32, #tpu.memory_space<vmem>> -> memref<200x64xf32, #tpu.memory_space<vmem>>
      tpu.wait_dma2 semaphore(%dma_wait3A_600 : memref<!tpu.dma_semaphore, #tpu.memory_space<semaphore_mem>>) src(%dma_wait3A_606 : memref<200x64xf32, #tpu.memory_space<vmem>>) dst(%dma_wait3A_602 : memref<200x64xf32, #tpu.memory_space<hbm>>)
      %add3A_607 = arith.constant 2 : i32
      %add3A_608 = arith.addi %add3A_586, %add3A_607 : i32
      %dma_start3A_609 = arith.constant 2 : i32
      %dma_start3A_610 = arith.constant 2 : i32
      %dma_start3A_611 = arith.constant 0 : i32
      %dma_start3A_612 = arith.constant 0 : i32
      %dma_start3A_613 = tpu.memref_slice %arg7[%dma_start3A_609, %dma_start3A_611, %dma_start3A_612] : memref<4x200x64xf32, #tpu.memory_space<vmem>> -> memref<1x200x64xf32, #tpu.memory_space<vmem>>
      %dma_start3A_614 = tpu.memref_squeeze %dma_start3A_613 : memref<1x200x64xf32, #tpu.memory_space<vmem>> -> memref<200x64xf32, #tpu.memory_space<vmem>>
      %dma_start3A_615 = arith.constant 0 : i32
      %dma_start3A_616 = tpu.memref_slice %arg6[%add3A_608, %dma_start3A_615] : memref<128x200xi32, #tpu.memory_space<vmem>> -> memref<1x200xi32, #tpu.memory_space<vmem>>
      %dma_start3A_617 = tpu.memref_squeeze %dma_start3A_616 : memref<1x200xi32, #tpu.memory_space<vmem>> -> memref<200xi32, #tpu.memory_space<vmem>>
      %dma_start3A_618 = arith.constant 0 : i32
      %dma_start3A_619 = arith.constant 0 : i32
      %dma_start3A_620 = tpu.memref_slice %arg3[%dma_start3A_618, %dma_start3A_619] : memref<100000x64xf32, #tpu.memory_space<hbm>> -> memref<100000x64xf32, #tpu.memory_space<hbm>>
      %dma_start3A_621 = tpu.memref_slice %arg9[%dma_start3A_610] : memref<4x!tpu.dma_semaphore, #tpu.memory_space<semaphore_mem>> -> memref<1x!tpu.dma_semaphore, #tpu.memory_space<semaphore_mem>>
      %dma_start3A_622 = tpu.memref_squeeze %dma_start3A_621 : memref<1x!tpu.dma_semaphore, #tpu.memory_space<semaphore_mem>> -> memref<!tpu.dma_semaphore, #tpu.memory_space<semaphore_mem>>
      tpu.enqueue_indirect_dma source(%dma_start3A_620 : memref<100000x64xf32, #tpu.memory_space<hbm>>) target(%dma_start3A_614 : memref<200x64xf32, #tpu.memory_space<vmem>>) offsets(%dma_start3A_617 : memref<200xi32, #tpu.memory_space<vmem>>) semaphore(%dma_start3A_622 : memref<!tpu.dma_semaphore, #tpu.memory_space<semaphore_mem>>)
      %dma_wait3A_623 = arith.constant 0 : i32
      %dma_wait3A_624 = arith.constant 0 : i32
      %dma_wait3A_625 = arith.constant 0 : i32
      %dma_wait3A_626 = arith.constant 0 : i32
      %dma_wait3A_627 = tpu.memref_slice %arg7[%dma_wait3A_623, %dma_wait3A_625, %dma_wait3A_626] : memref<4x200x64xf32, #tpu.memory_space<vmem>> -> memref<1x200x64xf32, #tpu.memory_space<vmem>>
      %dma_wait3A_628 = tpu.memref_squeeze %dma_wait3A_627 : memref<1x200x64xf32, #tpu.memory_space<vmem>> -> memref<200x64xf32, #tpu.memory_space<vmem>>
      %dma_wait3A_629 = arith.constant 0 : i32
      %dma_wait3A_630 = tpu.memref_slice %arg6[%add3A_586, %dma_wait3A_629] : memref<128x200xi32, #tpu.memory_space<vmem>> -> memref<1x200xi32, #tpu.memory_space<vmem>>
      %dma_wait3A_631 = tpu.memref_squeeze %dma_wait3A_630 : memref<1x200xi32, #tpu.memory_space<vmem>> -> memref<200xi32, #tpu.memory_space<vmem>>
      %dma_wait3A_632 = arith.constant 0 : i32
      %dma_wait3A_633 = arith.constant 0 : i32
      %dma_wait3A_634 = tpu.memref_slice %arg3[%dma_wait3A_632, %dma_wait3A_633] : memref<100000x64xf32, #tpu.memory_space<hbm>> -> memref<100000x64xf32, #tpu.memory_space<hbm>>
      %dma_wait3A_635 = tpu.memref_slice %arg9[%dma_wait3A_624] : memref<4x!tpu.dma_semaphore, #tpu.memory_space<semaphore_mem>> -> memref<1x!tpu.dma_semaphore, #tpu.memory_space<semaphore_mem>>
      %dma_wait3A_636 = tpu.memref_squeeze %dma_wait3A_635 : memref<1x!tpu.dma_semaphore, #tpu.memory_space<semaphore_mem>> -> memref<!tpu.dma_semaphore, #tpu.memory_space<semaphore_mem>>
      tpu.wait_indirect_dma semaphore(%dma_wait3A_636 : memref<!tpu.dma_semaphore, #tpu.memory_space<semaphore_mem>>) src(%dma_wait3A_634 : memref<100000x64xf32, #tpu.memory_space<hbm>>) dst(%dma_wait3A_628 : memref<200x64xf32, #tpu.memory_space<vmem>>)
      %scan3A_637 = arith.constant 0 : i32
      %scan3A_638 = arith.constant 0 : i32
      %scan3A_639 = arith.constant 200 : i32
      %scan3A_640 = arith.addi %scan3A_638, %scan3A_639 : i32
      %scan3A_641 = arith.constant 1 : i32
      scf.for %scan3A_896 = %scan3A_638 to %scan3A_640 step %scan3A_641  : i32 {
        %get3A = arith.constant 0 : i32
        %get3A_897 = arith.index_cast %get3A : i32 to index
        %get3A_898 = arith.index_cast %scan3A_896 : i32 to index
        %get3A_899 = arith.constant 0 : index
        %get3A_900 = tpu.vector_load %arg7[%get3A_897, %get3A_898, %get3A_899] {strides = array<i32>} : memref<4x200x64xf32, #tpu.memory_space<vmem>>, vector<1x1x16xf32>,
        %get3A_901 = vector.shape_cast %get3A_900 : vector<1x1x16xf32> to vector<16xf32>
        %get3A_902 = arith.index_cast %scan3A_896 : i32 to index
        %get3A_903 = arith.constant 0 : index
        %get3A_904 = tpu.vector_load %arg8[%get3A_902, %get3A_903] {strides = array<i32>} : memref<200x64xf32, #tpu.memory_space<vmem>>, vector<1x16xf32>,
        %get3A_905 = vector.shape_cast %get3A_904 : vector<1x16xf32> to vector<16xf32>
        %add3A_906 = arith.addf %get3A_901, %get3A_905 : vector<16xf32>
        %swap3A = arith.constant 0 : i32
        %swap3A_907 = arith.index_cast %swap3A : i32 to index
        %swap3A_908 = arith.index_cast %scan3A_896 : i32 to index
        %swap3A_909 = arith.constant 0 : index
        %swap3A_910 = tpu.vector_load %arg7[%swap3A_907, %swap3A_908, %swap3A_909] {strides = array<i32>} : memref<4x200x64xf32, #tpu.memory_space<vmem>>, vector<1x1x16xf32>,
        %swap3A_911 = vector.shape_cast %swap3A_910 : vector<1x1x16xf32> to vector<16xf32>
        %swap3A_912 = vector.shape_cast %add3A_906 : vector<16xf32> to vector<1x1x16xf32>
        tpu.vector_store %arg7[%swap3A_907, %swap3A_908, %swap3A_909], %swap3A_912 {strides = array<i32>} : memref<4x200x64xf32, #tpu.memory_space<vmem>>, vector<1x1x16xf32>,
        %get3A_913 = arith.constant 0 : i32
        %get3A_914 = arith.index_cast %get3A_913 : i32 to index
        %get3A_915 = arith.index_cast %scan3A_896 : i32 to index
        %get3A_916 = arith.constant 16 : index
        %get3A_917 = tpu.vector_load %arg7[%get3A_914, %get3A_915, %get3A_916] {strides = array<i32>} : memref<4x200x64xf32, #tpu.memory_space<vmem>>, vector<1x1x16xf32>,
        %get3A_918 = vector.shape_cast %get3A_917 : vector<1x1x16xf32> to vector<16xf32>
        %get3A_919 = arith.index_cast %scan3A_896 : i32 to index
        %get3A_920 = arith.constant 16 : index
        %get3A_921 = tpu.vector_load %arg8[%get3A_919, %get3A_920] {strides = array<i32>} : memref<200x64xf32, #tpu.memory_space<vmem>>, vector<1x16xf32>,
        %get3A_922 = vector.shape_cast %get3A_921 : vector<1x16xf32> to vector<16xf32>
        %add3A_923 = arith.addf %get3A_918, %get3A_922 : vector<16xf32>
        %swap3A_924 = arith.constant 0 : i32
        %swap3A_925 = arith.index_cast %swap3A_924 : i32 to index
        %swap3A_926 = arith.index_cast %scan3A_896 : i32 to index
        %swap3A_927 = arith.constant 16 : index
        %swap3A_928 = tpu.vector_load %arg7[%swap3A_925, %swap3A_926, %swap3A_927] {strides = array<i32>} : memref<4x200x64xf32, #tpu.memory_space<vmem>>, vector<1x1x16xf32>,
        %swap3A_929 = vector.shape_cast %swap3A_928 : vector<1x1x16xf32> to vector<16xf32>
        %swap3A_930 = vector.shape_cast %add3A_923 : vector<16xf32> to vector<1x1x16xf32>
        tpu.vector_store %arg7[%swap3A_925, %swap3A_926, %swap3A_927], %swap3A_930 {strides = array<i32>} : memref<4x200x64xf32, #tpu.memory_space<vmem>>, vector<1x1x16xf32>,
        %get3A_931 = arith.constant 0 : i32
        %get3A_932 = arith.index_cast %get3A_931 : i32 to index
        %get3A_933 = arith.index_cast %scan3A_896 : i32 to index
        %get3A_934 = arith.constant 32 : index
        %get3A_935 = tpu.vector_load %arg7[%get3A_932, %get3A_933, %get3A_934] {strides = array<i32>} : memref<4x200x64xf32, #tpu.memory_space<vmem>>, vector<1x1x16xf32>,
        %get3A_936 = vector.shape_cast %get3A_935 : vector<1x1x16xf32> to vector<16xf32>
        %get3A_937 = arith.index_cast %scan3A_896 : i32 to index
        %get3A_938 = arith.constant 32 : index
        %get3A_939 = tpu.vector_load %arg8[%get3A_937, %get3A_938] {strides = array<i32>} : memref<200x64xf32, #tpu.memory_space<vmem>>, vector<1x16xf32>,
        %get3A_940 = vector.shape_cast %get3A_939 : vector<1x16xf32> to vector<16xf32>
        %add3A_941 = arith.addf %get3A_936, %get3A_940 : vector<16xf32>
        %swap3A_942 = arith.constant 0 : i32
        %swap3A_943 = arith.index_cast %swap3A_942 : i32 to index
        %swap3A_944 = arith.index_cast %scan3A_896 : i32 to index
        %swap3A_945 = arith.constant 32 : index
        %swap3A_946 = tpu.vector_load %arg7[%swap3A_943, %swap3A_944, %swap3A_945] {strides = array<i32>} : memref<4x200x64xf32, #tpu.memory_space<vmem>>, vector<1x1x16xf32>,
        %swap3A_947 = vector.shape_cast %swap3A_946 : vector<1x1x16xf32> to vector<16xf32>
        %swap3A_948 = vector.shape_cast %add3A_941 : vector<16xf32> to vector<1x1x16xf32>
        tpu.vector_store %arg7[%swap3A_943, %swap3A_944, %swap3A_945], %swap3A_948 {strides = array<i32>} : memref<4x200x64xf32, #tpu.memory_space<vmem>>, vector<1x1x16xf32>,
        %get3A_949 = arith.constant 0 : i32
        %get3A_950 = arith.index_cast %get3A_949 : i32 to index
        %get3A_951 = arith.index_cast %scan3A_896 : i32 to index
        %get3A_952 = arith.constant 48 : index
        %get3A_953 = tpu.vector_load %arg7[%get3A_950, %get3A_951, %get3A_952] {strides = array<i32>} : memref<4x200x64xf32, #tpu.memory_space<vmem>>, vector<1x1x16xf32>,
        %get3A_954 = vector.shape_cast %get3A_953 : vector<1x1x16xf32> to vector<16xf32>
        %get3A_955 = arith.index_cast %scan3A_896 : i32 to index
        %get3A_956 = arith.constant 48 : index
        %get3A_957 = tpu.vector_load %arg8[%get3A_955, %get3A_956] {strides = array<i32>} : memref<200x64xf32, #tpu.memory_space<vmem>>, vector<1x16xf32>,
        %get3A_958 = vector.shape_cast %get3A_957 : vector<1x16xf32> to vector<16xf32>
        %add3A_959 = arith.addf %get3A_954, %get3A_958 : vector<16xf32>
        %swap3A_960 = arith.constant 0 : i32
        %swap3A_961 = arith.index_cast %swap3A_960 : i32 to index
        %swap3A_962 = arith.index_cast %scan3A_896 : i32 to index
        %swap3A_963 = arith.constant 48 : index
        %swap3A_964 = tpu.vector_load %arg7[%swap3A_961, %swap3A_962, %swap3A_963] {strides = array<i32>} : memref<4x200x64xf32, #tpu.memory_space<vmem>>, vector<1x1x16xf32>,
        %swap3A_965 = vector.shape_cast %swap3A_964 : vector<1x1x16xf32> to vector<16xf32>
        %swap3A_966 = vector.shape_cast %add3A_959 : vector<16xf32> to vector<1x1x16xf32>
        tpu.vector_store %arg7[%swap3A_961, %swap3A_962, %swap3A_963], %swap3A_966 {strides = array<i32>} : memref<4x200x64xf32, #tpu.memory_space<vmem>>, vector<1x1x16xf32>,
      }
      %scan3A_642 = arith.constant 200 : i32
      %mul3A_643 = arith.constant 200 : i32
      %mul3A_644 = arith.muli %add3A_586, %mul3A_643 : i32
      %add3A_645 = arith.addi %mul3A_2, %mul3A_644 : i32
      %dma_start3A_646 = arith.constant 0 : i32
      %dma_start3A_647 = arith.constant 0 : i32
      %dma_start3A_648 = arith.constant 0 : i32
      %dma_start3A_649 = arith.constant 0 : i32
      %dma_start3A_650 = tpu.memref_slice %arg7[%dma_start3A_646, %dma_start3A_648, %dma_start3A_649] : memref<4x200x64xf32, #tpu.memory_space<vmem>> -> memref<1x200x64xf32, #tpu.memory_space<vmem>>
      %dma_start3A_651 = tpu.memref_squeeze %dma_start3A_650 : memref<1x200x64xf32, #tpu.memory_space<vmem>> -> memref<200x64xf32, #tpu.memory_space<vmem>>
      %dma_start3A_652 = arith.constant 0 : i32
      %dma_start3A_653 = tpu.memref_slice %arg5[%add3A_645, %dma_start3A_652] : memref<819200x128xf32, #tpu.memory_space<hbm>> -> memref<200x64xf32, #tpu.memory_space<hbm>>
      %dma_start3A_654 = tpu.memref_slice %arg10[%dma_start3A_647] : memref<4x!tpu.dma_semaphore, #tpu.memory_space<semaphore_mem>> -> memref<1x!tpu.dma_semaphore, #tpu.memory_space<semaphore_mem>>
      %dma_start3A_655 = tpu.memref_squeeze %dma_start3A_654 : memref<1x!tpu.dma_semaphore, #tpu.memory_space<semaphore_mem>> -> memref<!tpu.dma_semaphore, #tpu.memory_space<semaphore_mem>>
      %dma_start3A_656 = arith.constant 0 : i32
      %dma_start3A_657 = tpu.memref_slice %arg5[%add3A_645, %dma_start3A_656] : memref<819200x128xf32, #tpu.memory_space<hbm>> -> memref<200x64xf32, #tpu.memory_space<hbm>>
      %dma_start3A_658 = arith.constant 0 : i32
      %dma_start3A_659 = arith.constant 0 : i32
      %dma_start3A_660 = tpu.memref_slice %arg7[%dma_start3A_646, %dma_start3A_658, %dma_start3A_659] : memref<4x200x64xf32, #tpu.memory_space<vmem>> -> memref<1x200x64xf32, #tpu.memory_space<vmem>>
      %dma_start3A_661 = tpu.memref_squeeze %dma_start3A_660 : memref<1x200x64xf32, #tpu.memory_space<vmem>> -> memref<200x64xf32, #tpu.memory_space<vmem>>
      tpu.enqueue_dma source(%dma_start3A_661 : memref<200x64xf32, #tpu.memory_space<vmem>>) target(%dma_start3A_657 : memref<200x64xf32, #tpu.memory_space<hbm>>) target_semaphore(%dma_start3A_655 : memref<!tpu.dma_semaphore, #tpu.memory_space<semaphore_mem>>)
      %add3A_662 = arith.constant 1 : i32
      %add3A_663 = arith.addi %mul3A_584, %add3A_662 : i32
      %sub3A_664 = arith.constant 2 : i32
      %sub3A_665 = arith.subi %add3A_663, %sub3A_664 : i32
      %mul3A_666 = arith.constant 200 : i32
      %mul3A_667 = arith.muli %sub3A_665, %mul3A_666 : i32
      %add3A_668 = arith.addi %mul3A_2, %mul3A_667 : i32
      %dma_wait3A_669 = arith.constant 3 : i32
      %dma_wait3A_670 = arith.constant 3 : i32
      %dma_wait3A_671 = arith.constant 0 : i32
      %dma_wait3A_672 = arith.constant 0 : i32
      %dma_wait3A_673 = tpu.memref_slice %arg7[%dma_wait3A_669, %dma_wait3A_671, %dma_wait3A_672] : memref<4x200x64xf32, #tpu.memory_space<vmem>> -> memref<1x200x64xf32, #tpu.memory_space<vmem>>
      %dma_wait3A_674 = tpu.memref_squeeze %dma_wait3A_673 : memref<1x200x64xf32, #tpu.memory_space<vmem>> -> memref<200x64xf32, #tpu.memory_space<vmem>>
      %dma_wait3A_675 = arith.constant 0 : i32
      %dma_wait3A_676 = tpu.memref_slice %arg5[%add3A_668, %dma_wait3A_675] : memref<819200x128xf32, #tpu.memory_space<hbm>> -> memref<200x64xf32, #tpu.memory_space<hbm>>
      %dma_wait3A_677 = tpu.memref_slice %arg10[%dma_wait3A_670] : memref<4x!tpu.dma_semaphore, #tpu.memory_space<semaphore_mem>> -> memref<1x!tpu.dma_semaphore, #tpu.memory_space<semaphore_mem>>
      %dma_wait3A_678 = tpu.memref_squeeze %dma_wait3A_677 : memref<1x!tpu.dma_semaphore, #tpu.memory_space<semaphore_mem>> -> memref<!tpu.dma_semaphore, #tpu.memory_space<semaphore_mem>>
      %dma_wait3A_679 = arith.constant 0 : i32
      %dma_wait3A_680 = tpu.memref_slice %arg5[%add3A_668, %dma_wait3A_679] : memref<819200x128xf32, #tpu.memory_space<hbm>> -> memref<200x64xf32, #tpu.memory_space<hbm>>
      %dma_wait3A_681 = arith.constant 0 : i32
      %dma_wait3A_682 = arith.constant 0 : i32
      %dma_wait3A_683 = tpu.memref_slice %arg7[%dma_wait3A_669, %dma_wait3A_681, %dma_wait3A_682] : memref<4x200x64xf32, #tpu.memory_space<vmem>> -> memref<1x200x64xf32, #tpu.memory_space<vmem>>
      %dma_wait3A_684 = tpu.memref_squeeze %dma_wait3A_683 : memref<1x200x64xf32, #tpu.memory_space<vmem>> -> memref<200x64xf32, #tpu.memory_space<vmem>>
      tpu.wait_dma2 semaphore(%dma_wait3A_678 : memref<!tpu.dma_semaphore, #tpu.memory_space<semaphore_mem>>) src(%dma_wait3A_684 : memref<200x64xf32, #tpu.memory_space<vmem>>) dst(%dma_wait3A_680 : memref<200x64xf32, #tpu.memory_space<hbm>>)
      %add3A_685 = arith.constant 2 : i32
      %add3A_686 = arith.addi %add3A_663, %add3A_685 : i32
      %dma_start3A_687 = arith.constant 3 : i32
      %dma_start3A_688 = arith.constant 3 : i32
      %dma_start3A_689 = arith.constant 0 : i32
      %dma_start3A_690 = arith.constant 0 : i32
      %dma_start3A_691 = tpu.memref_slice %arg7[%dma_start3A_687, %dma_start3A_689, %dma_start3A_690] : memref<4x200x64xf32, #tpu.memory_space<vmem>> -> memref<1x200x64xf32, #tpu.memory_space<vmem>>
      %dma_start3A_692 = tpu.memref_squeeze %dma_start3A_691 : memref<1x200x64xf32, #tpu.memory_space<vmem>> -> memref<200x64xf32, #tpu.memory_space<vmem>>
      %dma_start3A_693 = arith.constant 0 : i32
      %dma_start3A_694 = tpu.memref_slice %arg6[%add3A_686, %dma_start3A_693] : memref<128x200xi32, #tpu.memory_space<vmem>> -> memref<1x200xi32, #tpu.memory_space<vmem>>
      %dma_start3A_695 = tpu.memref_squeeze %dma_start3A_694 : memref<1x200xi32, #tpu.memory_space<vmem>> -> memref<200xi32, #tpu.memory_space<vmem>>
      %dma_start3A_696 = arith.constant 0 : i32
      %dma_start3A_697 = arith.constant 0 : i32
      %dma_start3A_698 = tpu.memref_slice %arg3[%dma_start3A_696, %dma_start3A_697] : memref<100000x64xf32, #tpu.memory_space<hbm>> -> memref<100000x64xf32, #tpu.memory_space<hbm>>
      %dma_start3A_699 = tpu.memref_slice %arg9[%dma_start3A_688] : memref<4x!tpu.dma_semaphore, #tpu.memory_space<semaphore_mem>> -> memref<1x!tpu.dma_semaphore, #tpu.memory_space<semaphore_mem>>
      %dma_start3A_700 = tpu.memref_squeeze %dma_start3A_699 : memref<1x!tpu.dma_semaphore, #tpu.memory_space<semaphore_mem>> -> memref<!tpu.dma_semaphore, #tpu.memory_space<semaphore_mem>>
      tpu.enqueue_indirect_dma source(%dma_start3A_698 : memref<100000x64xf32, #tpu.memory_space<hbm>>) target(%dma_start3A_692 : memref<200x64xf32, #tpu.memory_space<vmem>>) offsets(%dma_start3A_695 : memref<200xi32, #tpu.memory_space<vmem>>) semaphore(%dma_start3A_700 : memref<!tpu.dma_semaphore, #tpu.memory_space<semaphore_mem>>)
      %dma_wait3A_701 = arith.constant 1 : i32
      %dma_wait3A_702 = arith.constant 1 : i32
      %dma_wait3A_703 = arith.constant 0 : i32
      %dma_wait3A_704 = arith.constant 0 : i32
      %dma_wait3A_705 = tpu.memref_slice %arg7[%dma_wait3A_701, %dma_wait3A_703, %dma_wait3A_704] : memref<4x200x64xf32, #tpu.memory_space<vmem>> -> memref<1x200x64xf32, #tpu.memory_space<vmem>>
      %dma_wait3A_706 = tpu.memref_squeeze %dma_wait3A_705 : memref<1x200x64xf32, #tpu.memory_space<vmem>> -> memref<200x64xf32, #tpu.memory_space<vmem>>
      %dma_wait3A_707 = arith.constant 0 : i32
      %dma_wait3A_708 = tpu.memref_slice %arg6[%add3A_663, %dma_wait3A_707] : memref<128x200xi32, #tpu.memory_space<vmem>> -> memref<1x200xi32, #tpu.memory_space<vmem>>
      %dma_wait3A_709 = tpu.memref_squeeze %dma_wait3A_708 : memref<1x200xi32, #tpu.memory_space<vmem>> -> memref<200xi32, #tpu.memory_space<vmem>>
      %dma_wait3A_710 = arith.constant 0 : i32
      %dma_wait3A_711 = arith.constant 0 : i32
      %dma_wait3A_712 = tpu.memref_slice %arg3[%dma_wait3A_710, %dma_wait3A_711] : memref<100000x64xf32, #tpu.memory_space<hbm>> -> memref<100000x64xf32, #tpu.memory_space<hbm>>
      %dma_wait3A_713 = tpu.memref_slice %arg9[%dma_wait3A_702] : memref<4x!tpu.dma_semaphore, #tpu.memory_space<semaphore_mem>> -> memref<1x!tpu.dma_semaphore, #tpu.memory_space<semaphore_mem>>
      %dma_wait3A_714 = tpu.memref_squeeze %dma_wait3A_713 : memref<1x!tpu.dma_semaphore, #tpu.memory_space<semaphore_mem>> -> memref<!tpu.dma_semaphore, #tpu.memory_space<semaphore_mem>>
      tpu.wait_indirect_dma semaphore(%dma_wait3A_714 : memref<!tpu.dma_semaphore, #tpu.memory_space<semaphore_mem>>) src(%dma_wait3A_712 : memref<100000x64xf32, #tpu.memory_space<hbm>>) dst(%dma_wait3A_706 : memref<200x64xf32, #tpu.memory_space<vmem>>)
      %scan3A_715 = arith.constant 0 : i32
      %scan3A_716 = arith.constant 0 : i32
      %scan3A_717 = arith.constant 200 : i32
      %scan3A_718 = arith.addi %scan3A_716, %scan3A_717 : i32
      %scan3A_719 = arith.constant 1 : i32
      scf.for %scan3A_896 = %scan3A_716 to %scan3A_718 step %scan3A_719  : i32 {
        %get3A = arith.constant 1 : i32
        %get3A_897 = arith.index_cast %get3A : i32 to index
        %get3A_898 = arith.index_cast %scan3A_896 : i32 to index
        %get3A_899 = arith.constant 0 : index
        %get3A_900 = tpu.vector_load %arg7[%get3A_897, %get3A_898, %get3A_899] {strides = array<i32>} : memref<4x200x64xf32, #tpu.memory_space<vmem>>, vector<1x1x16xf32>,
        %get3A_901 = vector.shape_cast %get3A_900 : vector<1x1x16xf32> to vector<16xf32>
        %get3A_902 = arith.index_cast %scan3A_896 : i32 to index
        %get3A_903 = arith.constant 0 : index
        %get3A_904 = tpu.vector_load %arg8[%get3A_902, %get3A_903] {strides = array<i32>} : memref<200x64xf32, #tpu.memory_space<vmem>>, vector<1x16xf32>,
        %get3A_905 = vector.shape_cast %get3A_904 : vector<1x16xf32> to vector<16xf32>
        %add3A_906 = arith.addf %get3A_901, %get3A_905 : vector<16xf32>
        %swap3A = arith.constant 1 : i32
        %swap3A_907 = arith.index_cast %swap3A : i32 to index
        %swap3A_908 = arith.index_cast %scan3A_896 : i32 to index
        %swap3A_909 = arith.constant 0 : index
        %swap3A_910 = tpu.vector_load %arg7[%swap3A_907, %swap3A_908, %swap3A_909] {strides = array<i32>} : memref<4x200x64xf32, #tpu.memory_space<vmem>>, vector<1x1x16xf32>,
        %swap3A_911 = vector.shape_cast %swap3A_910 : vector<1x1x16xf32> to vector<16xf32>
        %swap3A_912 = vector.shape_cast %add3A_906 : vector<16xf32> to vector<1x1x16xf32>
        tpu.vector_store %arg7[%swap3A_907, %swap3A_908, %swap3A_909], %swap3A_912 {strides = array<i32>} : memref<4x200x64xf32, #tpu.memory_space<vmem>>, vector<1x1x16xf32>,
        %get3A_913 = arith.constant 1 : i32
        %get3A_914 = arith.index_cast %get3A_913 : i32 to index
        %get3A_915 = arith.index_cast %scan3A_896 : i32 to index
        %get3A_916 = arith.constant 16 : index
        %get3A_917 = tpu.vector_load %arg7[%get3A_914, %get3A_915, %get3A_916] {strides = array<i32>} : memref<4x200x64xf32, #tpu.memory_space<vmem>>, vector<1x1x16xf32>,
        %get3A_918 = vector.shape_cast %get3A_917 : vector<1x1x16xf32> to vector<16xf32>
        %get3A_919 = arith.index_cast %scan3A_896 : i32 to index
        %get3A_920 = arith.constant 16 : index
        %get3A_921 = tpu.vector_load %arg8[%get3A_919, %get3A_920] {strides = array<i32>} : memref<200x64xf32, #tpu.memory_space<vmem>>, vector<1x16xf32>,
        %get3A_922 = vector.shape_cast %get3A_921 : vector<1x16xf32> to vector<16xf32>
        %add3A_923 = arith.addf %get3A_918, %get3A_922 : vector<16xf32>
        %swap3A_924 = arith.constant 1 : i32
        %swap3A_925 = arith.index_cast %swap3A_924 : i32 to index
        %swap3A_926 = arith.index_cast %scan3A_896 : i32 to index
        %swap3A_927 = arith.constant 16 : index
        %swap3A_928 = tpu.vector_load %arg7[%swap3A_925, %swap3A_926, %swap3A_927] {strides = array<i32>} : memref<4x200x64xf32, #tpu.memory_space<vmem>>, vector<1x1x16xf32>,
        %swap3A_929 = vector.shape_cast %swap3A_928 : vector<1x1x16xf32> to vector<16xf32>
        %swap3A_930 = vector.shape_cast %add3A_923 : vector<16xf32> to vector<1x1x16xf32>
        tpu.vector_store %arg7[%swap3A_925, %swap3A_926, %swap3A_927], %swap3A_930 {strides = array<i32>} : memref<4x200x64xf32, #tpu.memory_space<vmem>>, vector<1x1x16xf32>,
        %get3A_931 = arith.constant 1 : i32
        %get3A_932 = arith.index_cast %get3A_931 : i32 to index
        %get3A_933 = arith.index_cast %scan3A_896 : i32 to index
        %get3A_934 = arith.constant 32 : index
        %get3A_935 = tpu.vector_load %arg7[%get3A_932, %get3A_933, %get3A_934] {strides = array<i32>} : memref<4x200x64xf32, #tpu.memory_space<vmem>>, vector<1x1x16xf32>,
        %get3A_936 = vector.shape_cast %get3A_935 : vector<1x1x16xf32> to vector<16xf32>
        %get3A_937 = arith.index_cast %scan3A_896 : i32 to index
        %get3A_938 = arith.constant 32 : index
        %get3A_939 = tpu.vector_load %arg8[%get3A_937, %get3A_938] {strides = array<i32>} : memref<200x64xf32, #tpu.memory_space<vmem>>, vector<1x16xf32>,
        %get3A_940 = vector.shape_cast %get3A_939 : vector<1x16xf32> to vector<16xf32>
        %add3A_941 = arith.addf %get3A_936, %get3A_940 : vector<16xf32>
        %swap3A_942 = arith.constant 1 : i32
        %swap3A_943 = arith.index_cast %swap3A_942 : i32 to index
        %swap3A_944 = arith.index_cast %scan3A_896 : i32 to index
        %swap3A_945 = arith.constant 32 : index
        %swap3A_946 = tpu.vector_load %arg7[%swap3A_943, %swap3A_944, %swap3A_945] {strides = array<i32>} : memref<4x200x64xf32, #tpu.memory_space<vmem>>, vector<1x1x16xf32>,
        %swap3A_947 = vector.shape_cast %swap3A_946 : vector<1x1x16xf32> to vector<16xf32>
        %swap3A_948 = vector.shape_cast %add3A_941 : vector<16xf32> to vector<1x1x16xf32>
        tpu.vector_store %arg7[%swap3A_943, %swap3A_944, %swap3A_945], %swap3A_948 {strides = array<i32>} : memref<4x200x64xf32, #tpu.memory_space<vmem>>, vector<1x1x16xf32>,
        %get3A_949 = arith.constant 1 : i32
        %get3A_950 = arith.index_cast %get3A_949 : i32 to index
        %get3A_951 = arith.index_cast %scan3A_896 : i32 to index
        %get3A_952 = arith.constant 48 : index
        %get3A_953 = tpu.vector_load %arg7[%get3A_950, %get3A_951, %get3A_952] {strides = array<i32>} : memref<4x200x64xf32, #tpu.memory_space<vmem>>, vector<1x1x16xf32>,
        %get3A_954 = vector.shape_cast %get3A_953 : vector<1x1x16xf32> to vector<16xf32>
        %get3A_955 = arith.index_cast %scan3A_896 : i32 to index
        %get3A_956 = arith.constant 48 : index
        %get3A_957 = tpu.vector_load %arg8[%get3A_955, %get3A_956] {strides = array<i32>} : memref<200x64xf32, #tpu.memory_space<vmem>>, vector<1x16xf32>,
        %get3A_958 = vector.shape_cast %get3A_957 : vector<1x16xf32> to vector<16xf32>
        %add3A_959 = arith.addf %get3A_954, %get3A_958 : vector<16xf32>
        %swap3A_960 = arith.constant 1 : i32
        %swap3A_961 = arith.index_cast %swap3A_960 : i32 to index
        %swap3A_962 = arith.index_cast %scan3A_896 : i32 to index
        %swap3A_963 = arith.constant 48 : index
        %swap3A_964 = tpu.vector_load %arg7[%swap3A_961, %swap3A_962, %swap3A_963] {strides = array<i32>} : memref<4x200x64xf32, #tpu.memory_space<vmem>>, vector<1x1x16xf32>,
        %swap3A_965 = vector.shape_cast %swap3A_964 : vector<1x1x16xf32> to vector<16xf32>
        %swap3A_966 = vector.shape_cast %add3A_959 : vector<16xf32> to vector<1x1x16xf32>
        tpu.vector_store %arg7[%swap3A_961, %swap3A_962, %swap3A_963], %swap3A_966 {strides = array<i32>} : memref<4x200x64xf32, #tpu.memory_space<vmem>>, vector<1x1x16xf32>,
      }
      %scan3A_720 = arith.constant 200 : i32
      %mul3A_721 = arith.constant 200 : i32
      %mul3A_722 = arith.muli %add3A_663, %mul3A_721 : i32
      %add3A_723 = arith.addi %mul3A_2, %mul3A_722 : i32
      %dma_start3A_724 = arith.constant 1 : i32
      %dma_start3A_725 = arith.constant 1 : i32
      %dma_start3A_726 = arith.constant 0 : i32
      %dma_start3A_727 = arith.constant 0 : i32
      %dma_start3A_728 = tpu.memref_slice %arg7[%dma_start3A_724, %dma_start3A_726, %dma_start3A_727] : memref<4x200x64xf32, #tpu.memory_space<vmem>> -> memref<1x200x64xf32, #tpu.memory_space<vmem>>
      %dma_start3A_729 = tpu.memref_squeeze %dma_start3A_728 : memref<1x200x64xf32, #tpu.memory_space<vmem>> -> memref<200x64xf32, #tpu.memory_space<vmem>>
      %dma_start3A_730 = arith.constant 0 : i32
      %dma_start3A_731 = tpu.memref_slice %arg5[%add3A_723, %dma_start3A_730] : memref<819200x128xf32, #tpu.memory_space<hbm>> -> memref<200x64xf32, #tpu.memory_space<hbm>>
      %dma_start3A_732 = tpu.memref_slice %arg10[%dma_start3A_725] : memref<4x!tpu.dma_semaphore, #tpu.memory_space<semaphore_mem>> -> memref<1x!tpu.dma_semaphore, #tpu.memory_space<semaphore_mem>>
      %dma_start3A_733 = tpu.memref_squeeze %dma_start3A_732 : memref<1x!tpu.dma_semaphore, #tpu.memory_space<semaphore_mem>> -> memref<!tpu.dma_semaphore, #tpu.memory_space<semaphore_mem>>
      %dma_start3A_734 = arith.constant 0 : i32
      %dma_start3A_735 = tpu.memref_slice %arg5[%add3A_723, %dma_start3A_734] : memref<819200x128xf32, #tpu.memory_space<hbm>> -> memref<200x64xf32, #tpu.memory_space<hbm>>
      %dma_start3A_736 = arith.constant 0 : i32
      %dma_start3A_737 = arith.constant 0 : i32
      %dma_start3A_738 = tpu.memref_slice %arg7[%dma_start3A_724, %dma_start3A_736, %dma_start3A_737] : memref<4x200x64xf32, #tpu.memory_space<vmem>> -> memref<1x200x64xf32, #tpu.memory_space<vmem>>
      %dma_start3A_739 = tpu.memref_squeeze %dma_start3A_738 : memref<1x200x64xf32, #tpu.memory_space<vmem>> -> memref<200x64xf32, #tpu.memory_space<vmem>>
      tpu.enqueue_dma source(%dma_start3A_739 : memref<200x64xf32, #tpu.memory_space<vmem>>) target(%dma_start3A_735 : memref<200x64xf32, #tpu.memory_space<hbm>>) target_semaphore(%dma_start3A_733 : memref<!tpu.dma_semaphore, #tpu.memory_space<semaphore_mem>>)
      %add3A_740 = arith.constant 2 : i32
      %add3A_741 = arith.addi %mul3A_584, %add3A_740 : i32
      %sub3A_742 = arith.constant 2 : i32
      %sub3A_743 = arith.subi %add3A_741, %sub3A_742 : i32
      %mul3A_744 = arith.constant 200 : i32
      %mul3A_745 = arith.muli %sub3A_743, %mul3A_744 : i32
      %add3A_746 = arith.addi %mul3A_2, %mul3A_745 : i32
      %dma_wait3A_747 = arith.constant 0 : i32
      %dma_wait3A_748 = arith.constant 0 : i32
      %dma_wait3A_749 = arith.constant 0 : i32
      %dma_wait3A_750 = arith.constant 0 : i32
      %dma_wait3A_751 = tpu.memref_slice %arg7[%dma_wait3A_747, %dma_wait3A_749, %dma_wait3A_750] : memref<4x200x64xf32, #tpu.memory_space<vmem>> -> memref<1x200x64xf32, #tpu.memory_space<vmem>>
      %dma_wait3A_752 = tpu.memref_squeeze %dma_wait3A_751 : memref<1x200x64xf32, #tpu.memory_space<vmem>> -> memref<200x64xf32, #tpu.memory_space<vmem>>
      %dma_wait3A_753 = arith.constant 0 : i32
      %dma_wait3A_754 = tpu.memref_slice %arg5[%add3A_746, %dma_wait3A_753] : memref<819200x128xf32, #tpu.memory_space<hbm>> -> memref<200x64xf32, #tpu.memory_space<hbm>>
      %dma_wait3A_755 = tpu.memref_slice %arg10[%dma_wait3A_748] : memref<4x!tpu.dma_semaphore, #tpu.memory_space<semaphore_mem>> -> memref<1x!tpu.dma_semaphore, #tpu.memory_space<semaphore_mem>>
      %dma_wait3A_756 = tpu.memref_squeeze %dma_wait3A_755 : memref<1x!tpu.dma_semaphore, #tpu.memory_space<semaphore_mem>> -> memref<!tpu.dma_semaphore, #tpu.memory_space<semaphore_mem>>
      %dma_wait3A_757 = arith.constant 0 : i32
      %dma_wait3A_758 = tpu.memref_slice %arg5[%add3A_746, %dma_wait3A_757] : memref<819200x128xf32, #tpu.memory_space<hbm>> -> memref<200x64xf32, #tpu.memory_space<hbm>>
      %dma_wait3A_759 = arith.constant 0 : i32
      %dma_wait3A_760 = arith.constant 0 : i32
      %dma_wait3A_761 = tpu.memref_slice %arg7[%dma_wait3A_747, %dma_wait3A_759, %dma_wait3A_760] : memref<4x200x64xf32, #tpu.memory_space<vmem>> -> memref<1x200x64xf32, #tpu.memory_space<vmem>>
      %dma_wait3A_762 = tpu.memref_squeeze %dma_wait3A_761 : memref<1x200x64xf32, #tpu.memory_space<vmem>> -> memref<200x64xf32, #tpu.memory_space<vmem>>
      tpu.wait_dma2 semaphore(%dma_wait3A_756 : memref<!tpu.dma_semaphore, #tpu.memory_space<semaphore_mem>>) src(%dma_wait3A_762 : memref<200x64xf32, #tpu.memory_space<vmem>>) dst(%dma_wait3A_758 : memref<200x64xf32, #tpu.memory_space<hbm>>)
      %add3A_763 = arith.constant 2 : i32
      %add3A_764 = arith.addi %add3A_741, %add3A_763 : i32
      %dma_start3A_765 = arith.constant 0 : i32
      %dma_start3A_766 = arith.constant 0 : i32
      %dma_start3A_767 = arith.constant 0 : i32
      %dma_start3A_768 = arith.constant 0 : i32
      %dma_start3A_769 = tpu.memref_slice %arg7[%dma_start3A_765, %dma_start3A_767, %dma_start3A_768] : memref<4x200x64xf32, #tpu.memory_space<vmem>> -> memref<1x200x64xf32, #tpu.memory_space<vmem>>
      %dma_start3A_770 = tpu.memref_squeeze %dma_start3A_769 : memref<1x200x64xf32, #tpu.memory_space<vmem>> -> memref<200x64xf32, #tpu.memory_space<vmem>>
      %dma_start3A_771 = arith.constant 0 : i32
      %dma_start3A_772 = tpu.memref_slice %arg6[%add3A_764, %dma_start3A_771] : memref<128x200xi32, #tpu.memory_space<vmem>> -> memref<1x200xi32, #tpu.memory_space<vmem>>
      %dma_start3A_773 = tpu.memref_squeeze %dma_start3A_772 : memref<1x200xi32, #tpu.memory_space<vmem>> -> memref<200xi32, #tpu.memory_space<vmem>>
      %dma_start3A_774 = arith.constant 0 : i32
      %dma_start3A_775 = arith.constant 0 : i32
      %dma_start3A_776 = tpu.memref_slice %arg3[%dma_start3A_774, %dma_start3A_775] : memref<100000x64xf32, #tpu.memory_space<hbm>> -> memref<100000x64xf32, #tpu.memory_space<hbm>>
      %dma_start3A_777 = tpu.memref_slice %arg9[%dma_start3A_766] : memref<4x!tpu.dma_semaphore, #tpu.memory_space<semaphore_mem>> -> memref<1x!tpu.dma_semaphore, #tpu.memory_space<semaphore_mem>>
      %dma_start3A_778 = tpu.memref_squeeze %dma_start3A_777 : memref<1x!tpu.dma_semaphore, #tpu.memory_space<semaphore_mem>> -> memref<!tpu.dma_semaphore, #tpu.memory_space<semaphore_mem>>
      tpu.enqueue_indirect_dma source(%dma_start3A_776 : memref<100000x64xf32, #tpu.memory_space<hbm>>) target(%dma_start3A_770 : memref<200x64xf32, #tpu.memory_space<vmem>>) offsets(%dma_start3A_773 : memref<200xi32, #tpu.memory_space<vmem>>) semaphore(%dma_start3A_778 : memref<!tpu.dma_semaphore, #tpu.memory_space<semaphore_mem>>)
      %dma_wait3A_779 = arith.constant 2 : i32
      %dma_wait3A_780 = arith.constant 2 : i32
      %dma_wait3A_781 = arith.constant 0 : i32
      %dma_wait3A_782 = arith.constant 0 : i32
      %dma_wait3A_783 = tpu.memref_slice %arg7[%dma_wait3A_779, %dma_wait3A_781, %dma_wait3A_782] : memref<4x200x64xf32, #tpu.memory_space<vmem>> -> memref<1x200x64xf32, #tpu.memory_space<vmem>>
      %dma_wait3A_784 = tpu.memref_squeeze %dma_wait3A_783 : memref<1x200x64xf32, #tpu.memory_space<vmem>> -> memref<200x64xf32, #tpu.memory_space<vmem>>
      %dma_wait3A_785 = arith.constant 0 : i32
      %dma_wait3A_786 = tpu.memref_slice %arg6[%add3A_741, %dma_wait3A_785] : memref<128x200xi32, #tpu.memory_space<vmem>> -> memref<1x200xi32, #tpu.memory_space<vmem>>
      %dma_wait3A_787 = tpu.memref_squeeze %dma_wait3A_786 : memref<1x200xi32, #tpu.memory_space<vmem>> -> memref<200xi32, #tpu.memory_space<vmem>>
      %dma_wait3A_788 = arith.constant 0 : i32
      %dma_wait3A_789 = arith.constant 0 : i32
      %dma_wait3A_790 = tpu.memref_slice %arg3[%dma_wait3A_788, %dma_wait3A_789] : memref<100000x64xf32, #tpu.memory_space<hbm>> -> memref<100000x64xf32, #tpu.memory_space<hbm>>
      %dma_wait3A_791 = tpu.memref_slice %arg9[%dma_wait3A_780] : memref<4x!tpu.dma_semaphore, #tpu.memory_space<semaphore_mem>> -> memref<1x!tpu.dma_semaphore, #tpu.memory_space<semaphore_mem>>
      %dma_wait3A_792 = tpu.memref_squeeze %dma_wait3A_791 : memref<1x!tpu.dma_semaphore, #tpu.memory_space<semaphore_mem>> -> memref<!tpu.dma_semaphore, #tpu.memory_space<semaphore_mem>>
      tpu.wait_indirect_dma semaphore(%dma_wait3A_792 : memref<!tpu.dma_semaphore, #tpu.memory_space<semaphore_mem>>) src(%dma_wait3A_790 : memref<100000x64xf32, #tpu.memory_space<hbm>>) dst(%dma_wait3A_784 : memref<200x64xf32, #tpu.memory_space<vmem>>)
      %scan3A_793 = arith.constant 0 : i32
      %scan3A_794 = arith.constant 0 : i32
      %scan3A_795 = arith.constant 200 : i32
      %scan3A_796 = arith.addi %scan3A_794, %scan3A_795 : i32
      %scan3A_797 = arith.constant 1 : i32
      scf.for %scan3A_896 = %scan3A_794 to %scan3A_796 step %scan3A_797  : i32 {
        %get3A = arith.constant 2 : i32
        %get3A_897 = arith.index_cast %get3A : i32 to index
        %get3A_898 = arith.index_cast %scan3A_896 : i32 to index
        %get3A_899 = arith.constant 0 : index
        %get3A_900 = tpu.vector_load %arg7[%get3A_897, %get3A_898, %get3A_899] {strides = array<i32>} : memref<4x200x64xf32, #tpu.memory_space<vmem>>, vector<1x1x16xf32>,
        %get3A_901 = vector.shape_cast %get3A_900 : vector<1x1x16xf32> to vector<16xf32>
        %get3A_902 = arith.index_cast %scan3A_896 : i32 to index
        %get3A_903 = arith.constant 0 : index
        %get3A_904 = tpu.vector_load %arg8[%get3A_902, %get3A_903] {strides = array<i32>} : memref<200x64xf32, #tpu.memory_space<vmem>>, vector<1x16xf32>,
        %get3A_905 = vector.shape_cast %get3A_904 : vector<1x16xf32> to vector<16xf32>
        %add3A_906 = arith.addf %get3A_901, %get3A_905 : vector<16xf32>
        %swap3A = arith.constant 2 : i32
        %swap3A_907 = arith.index_cast %swap3A : i32 to index
        %swap3A_908 = arith.index_cast %scan3A_896 : i32 to index
        %swap3A_909 = arith.constant 0 : index
        %swap3A_910 = tpu.vector_load %arg7[%swap3A_907, %swap3A_908, %swap3A_909] {strides = array<i32>} : memref<4x200x64xf32, #tpu.memory_space<vmem>>, vector<1x1x16xf32>,
        %swap3A_911 = vector.shape_cast %swap3A_910 : vector<1x1x16xf32> to vector<16xf32>
        %swap3A_912 = vector.shape_cast %add3A_906 : vector<16xf32> to vector<1x1x16xf32>
        tpu.vector_store %arg7[%swap3A_907, %swap3A_908, %swap3A_909], %swap3A_912 {strides = array<i32>} : memref<4x200x64xf32, #tpu.memory_space<vmem>>, vector<1x1x16xf32>,
        %get3A_913 = arith.constant 2 : i32
        %get3A_914 = arith.index_cast %get3A_913 : i32 to index
        %get3A_915 = arith.index_cast %scan3A_896 : i32 to index
        %get3A_916 = arith.constant 16 : index
        %get3A_917 = tpu.vector_load %arg7[%get3A_914, %get3A_915, %get3A_916] {strides = array<i32>} : memref<4x200x64xf32, #tpu.memory_space<vmem>>, vector<1x1x16xf32>,
        %get3A_918 = vector.shape_cast %get3A_917 : vector<1x1x16xf32> to vector<16xf32>
        %get3A_919 = arith.index_cast %scan3A_896 : i32 to index
        %get3A_920 = arith.constant 16 : index
        %get3A_921 = tpu.vector_load %arg8[%get3A_919, %get3A_920] {strides = array<i32>} : memref<200x64xf32, #tpu.memory_space<vmem>>, vector<1x16xf32>,
        %get3A_922 = vector.shape_cast %get3A_921 : vector<1x16xf32> to vector<16xf32>
        %add3A_923 = arith.addf %get3A_918, %get3A_922 : vector<16xf32>
        %swap3A_924 = arith.constant 2 : i32
        %swap3A_925 = arith.index_cast %swap3A_924 : i32 to index
        %swap3A_926 = arith.index_cast %scan3A_896 : i32 to index
        %swap3A_927 = arith.constant 16 : index
        %swap3A_928 = tpu.vector_load %arg7[%swap3A_925, %swap3A_926, %swap3A_927] {strides = array<i32>} : memref<4x200x64xf32, #tpu.memory_space<vmem>>, vector<1x1x16xf32>,
        %swap3A_929 = vector.shape_cast %swap3A_928 : vector<1x1x16xf32> to vector<16xf32>
        %swap3A_930 = vector.shape_cast %add3A_923 : vector<16xf32> to vector<1x1x16xf32>
        tpu.vector_store %arg7[%swap3A_925, %swap3A_926, %swap3A_927], %swap3A_930 {strides = array<i32>} : memref<4x200x64xf32, #tpu.memory_space<vmem>>, vector<1x1x16xf32>,
        %get3A_931 = arith.constant 2 : i32
        %get3A_932 = arith.index_cast %get3A_931 : i32 to index
        %get3A_933 = arith.index_cast %scan3A_896 : i32 to index
        %get3A_934 = arith.constant 32 : index
        %get3A_935 = tpu.vector_load %arg7[%get3A_932, %get3A_933, %get3A_934] {strides = array<i32>} : memref<4x200x64xf32, #tpu.memory_space<vmem>>, vector<1x1x16xf32>,
        %get3A_936 = vector.shape_cast %get3A_935 : vector<1x1x16xf32> to vector<16xf32>
        %get3A_937 = arith.index_cast %scan3A_896 : i32 to index
        %get3A_938 = arith.constant 32 : index
        %get3A_939 = tpu.vector_load %arg8[%get3A_937, %get3A_938] {strides = array<i32>} : memref<200x64xf32, #tpu.memory_space<vmem>>, vector<1x16xf32>,
        %get3A_940 = vector.shape_cast %get3A_939 : vector<1x16xf32> to vector<16xf32>
        %add3A_941 = arith.addf %get3A_936, %get3A_940 : vector<16xf32>
        %swap3A_942 = arith.constant 2 : i32
        %swap3A_943 = arith.index_cast %swap3A_942 : i32 to index
        %swap3A_944 = arith.index_cast %scan3A_896 : i32 to index
        %swap3A_945 = arith.constant 32 : index
        %swap3A_946 = tpu.vector_load %arg7[%swap3A_943, %swap3A_944, %swap3A_945] {strides = array<i32>} : memref<4x200x64xf32, #tpu.memory_space<vmem>>, vector<1x1x16xf32>,
        %swap3A_947 = vector.shape_cast %swap3A_946 : vector<1x1x16xf32> to vector<16xf32>
        %swap3A_948 = vector.shape_cast %add3A_941 : vector<16xf32> to vector<1x1x16xf32>
        tpu.vector_store %arg7[%swap3A_943, %swap3A_944, %swap3A_945], %swap3A_948 {strides = array<i32>} : memref<4x200x64xf32, #tpu.memory_space<vmem>>, vector<1x1x16xf32>,
        %get3A_949 = arith.constant 2 : i32
        %get3A_950 = arith.index_cast %get3A_949 : i32 to index
        %get3A_951 = arith.index_cast %scan3A_896 : i32 to index
        %get3A_952 = arith.constant 48 : index
        %get3A_953 = tpu.vector_load %arg7[%get3A_950, %get3A_951, %get3A_952] {strides = array<i32>} : memref<4x200x64xf32, #tpu.memory_space<vmem>>, vector<1x1x16xf32>,
        %get3A_954 = vector.shape_cast %get3A_953 : vector<1x1x16xf32> to vector<16xf32>
        %get3A_955 = arith.index_cast %scan3A_896 : i32 to index
        %get3A_956 = arith.constant 48 : index
        %get3A_957 = tpu.vector_load %arg8[%get3A_955, %get3A_956] {strides = array<i32>} : memref<200x64xf32, #tpu.memory_space<vmem>>, vector<1x16xf32>,
        %get3A_958 = vector.shape_cast %get3A_957 : vector<1x16xf32> to vector<16xf32>
        %add3A_959 = arith.addf %get3A_954, %get3A_958 : vector<16xf32>
        %swap3A_960 = arith.constant 2 : i32
        %swap3A_961 = arith.index_cast %swap3A_960 : i32 to index
        %swap3A_962 = arith.index_cast %scan3A_896 : i32 to index
        %swap3A_963 = arith.constant 48 : index
        %swap3A_964 = tpu.vector_load %arg7[%swap3A_961, %swap3A_962, %swap3A_963] {strides = array<i32>} : memref<4x200x64xf32, #tpu.memory_space<vmem>>, vector<1x1x16xf32>,
        %swap3A_965 = vector.shape_cast %swap3A_964 : vector<1x1x16xf32> to vector<16xf32>
        %swap3A_966 = vector.shape_cast %add3A_959 : vector<16xf32> to vector<1x1x16xf32>
        tpu.vector_store %arg7[%swap3A_961, %swap3A_962, %swap3A_963], %swap3A_966 {strides = array<i32>} : memref<4x200x64xf32, #tpu.memory_space<vmem>>, vector<1x1x16xf32>,
      }
      %scan3A_798 = arith.constant 200 : i32
      %mul3A_799 = arith.constant 200 : i32
      %mul3A_800 = arith.muli %add3A_741, %mul3A_799 : i32
      %add3A_801 = arith.addi %mul3A_2, %mul3A_800 : i32
      %dma_start3A_802 = arith.constant 2 : i32
      %dma_start3A_803 = arith.constant 2 : i32
      %dma_start3A_804 = arith.constant 0 : i32
      %dma_start3A_805 = arith.constant 0 : i32
      %dma_start3A_806 = tpu.memref_slice %arg7[%dma_start3A_802, %dma_start3A_804, %dma_start3A_805] : memref<4x200x64xf32, #tpu.memory_space<vmem>> -> memref<1x200x64xf32, #tpu.memory_space<vmem>>
      %dma_start3A_807 = tpu.memref_squeeze %dma_start3A_806 : memref<1x200x64xf32, #tpu.memory_space<vmem>> -> memref<200x64xf32, #tpu.memory_space<vmem>>
      %dma_start3A_808 = arith.constant 0 : i32
      %dma_start3A_809 = tpu.memref_slice %arg5[%add3A_801, %dma_start3A_808] : memref<819200x128xf32, #tpu.memory_space<hbm>> -> memref<200x64xf32, #tpu.memory_space<hbm>>
      %dma_start3A_810 = tpu.memref_slice %arg10[%dma_start3A_803] : memref<4x!tpu.dma_semaphore, #tpu.memory_space<semaphore_mem>> -> memref<1x!tpu.dma_semaphore, #tpu.memory_space<semaphore_mem>>
      %dma_start3A_811 = tpu.memref_squeeze %dma_start3A_810 : memref<1x!tpu.dma_semaphore, #tpu.memory_space<semaphore_mem>> -> memref<!tpu.dma_semaphore, #tpu.memory_space<semaphore_mem>>
      %dma_start3A_812 = arith.constant 0 : i32
      %dma_start3A_813 = tpu.memref_slice %arg5[%add3A_801, %dma_start3A_812] : memref<819200x128xf32, #tpu.memory_space<hbm>> -> memref<200x64xf32, #tpu.memory_space<hbm>>
      %dma_start3A_814 = arith.constant 0 : i32
      %dma_start3A_815 = arith.constant 0 : i32
      %dma_start3A_816 = tpu.memref_slice %arg7[%dma_start3A_802, %dma_start3A_814, %dma_start3A_815] : memref<4x200x64xf32, #tpu.memory_space<vmem>> -> memref<1x200x64xf32, #tpu.memory_space<vmem>>
      %dma_start3A_817 = tpu.memref_squeeze %dma_start3A_816 : memref<1x200x64xf32, #tpu.memory_space<vmem>> -> memref<200x64xf32, #tpu.memory_space<vmem>>
      tpu.enqueue_dma source(%dma_start3A_817 : memref<200x64xf32, #tpu.memory_space<vmem>>) target(%dma_start3A_813 : memref<200x64xf32, #tpu.memory_space<hbm>>) target_semaphore(%dma_start3A_811 : memref<!tpu.dma_semaphore, #tpu.memory_space<semaphore_mem>>)
      %add3A_818 = arith.constant 3 : i32
      %add3A_819 = arith.addi %mul3A_584, %add3A_818 : i32
      %sub3A_820 = arith.constant 2 : i32
      %sub3A_821 = arith.subi %add3A_819, %sub3A_820 : i32
      %mul3A_822 = arith.constant 200 : i32
      %mul3A_823 = arith.muli %sub3A_821, %mul3A_822 : i32
      %add3A_824 = arith.addi %mul3A_2, %mul3A_823 : i32
      %dma_wait3A_825 = arith.constant 1 : i32
      %dma_wait3A_826 = arith.constant 1 : i32
      %dma_wait3A_827 = arith.constant 0 : i32
      %dma_wait3A_828 = arith.constant 0 : i32
      %dma_wait3A_829 = tpu.memref_slice %arg7[%dma_wait3A_825, %dma_wait3A_827, %dma_wait3A_828] : memref<4x200x64xf32, #tpu.memory_space<vmem>> -> memref<1x200x64xf32, #tpu.memory_space<vmem>>
      %dma_wait3A_830 = tpu.memref_squeeze %dma_wait3A_829 : memref<1x200x64xf32, #tpu.memory_space<vmem>> -> memref<200x64xf32, #tpu.memory_space<vmem>>
      %dma_wait3A_831 = arith.constant 0 : i32
      %dma_wait3A_832 = tpu.memref_slice %arg5[%add3A_824, %dma_wait3A_831] : memref<819200x128xf32, #tpu.memory_space<hbm>> -> memref<200x64xf32, #tpu.memory_space<hbm>>
      %dma_wait3A_833 = tpu.memref_slice %arg10[%dma_wait3A_826] : memref<4x!tpu.dma_semaphore, #tpu.memory_space<semaphore_mem>> -> memref<1x!tpu.dma_semaphore, #tpu.memory_space<semaphore_mem>>
      %dma_wait3A_834 = tpu.memref_squeeze %dma_wait3A_833 : memref<1x!tpu.dma_semaphore, #tpu.memory_space<semaphore_mem>> -> memref<!tpu.dma_semaphore, #tpu.memory_space<semaphore_mem>>
      %dma_wait3A_835 = arith.constant 0 : i32
      %dma_wait3A_836 = tpu.memref_slice %arg5[%add3A_824, %dma_wait3A_835] : memref<819200x128xf32, #tpu.memory_space<hbm>> -> memref<200x64xf32, #tpu.memory_space<hbm>>
      %dma_wait3A_837 = arith.constant 0 : i32
      %dma_wait3A_838 = arith.constant 0 : i32
      %dma_wait3A_839 = tpu.memref_slice %arg7[%dma_wait3A_825, %dma_wait3A_837, %dma_wait3A_838] : memref<4x200x64xf32, #tpu.memory_space<vmem>> -> memref<1x200x64xf32, #tpu.memory_space<vmem>>
      %dma_wait3A_840 = tpu.memref_squeeze %dma_wait3A_839 : memref<1x200x64xf32, #tpu.memory_space<vmem>> -> memref<200x64xf32, #tpu.memory_space<vmem>>
      tpu.wait_dma2 semaphore(%dma_wait3A_834 : memref<!tpu.dma_semaphore, #tpu.memory_space<semaphore_mem>>) src(%dma_wait3A_840 : memref<200x64xf32, #tpu.memory_space<vmem>>) dst(%dma_wait3A_836 : memref<200x64xf32, #tpu.memory_space<hbm>>)
      %add3A_841 = arith.constant 2 : i32
      %add3A_842 = arith.addi %add3A_819, %add3A_841 : i32
      %dma_start3A_843 = arith.constant 1 : i32
      %dma_start3A_844 = arith.constant 1 : i32
      %dma_start3A_845 = arith.constant 0 : i32
      %dma_start3A_846 = arith.constant 0 : i32
      %dma_start3A_847 = tpu.memref_slice %arg7[%dma_start3A_843, %dma_start3A_845, %dma_start3A_846] : memref<4x200x64xf32, #tpu.memory_space<vmem>> -> memref<1x200x64xf32, #tpu.memory_space<vmem>>
      %dma_start3A_848 = tpu.memref_squeeze %dma_start3A_847 : memref<1x200x64xf32, #tpu.memory_space<vmem>> -> memref<200x64xf32, #tpu.memory_space<vmem>>
      %dma_start3A_849 = arith.constant 0 : i32
      %dma_start3A_850 = tpu.memref_slice %arg6[%add3A_842, %dma_start3A_849] : memref<128x200xi32, #tpu.memory_space<vmem>> -> memref<1x200xi32, #tpu.memory_space<vmem>>
      %dma_start3A_851 = tpu.memref_squeeze %dma_start3A_850 : memref<1x200xi32, #tpu.memory_space<vmem>> -> memref<200xi32, #tpu.memory_space<vmem>>
      %dma_start3A_852 = arith.constant 0 : i32
      %dma_start3A_853 = arith.constant 0 : i32
      %dma_start3A_854 = tpu.memref_slice %arg3[%dma_start3A_852, %dma_start3A_853] : memref<100000x64xf32, #tpu.memory_space<hbm>> -> memref<100000x64xf32, #tpu.memory_space<hbm>>
      %dma_start3A_855 = tpu.memref_slice %arg9[%dma_start3A_844] : memref<4x!tpu.dma_semaphore, #tpu.memory_space<semaphore_mem>> -> memref<1x!tpu.dma_semaphore, #tpu.memory_space<semaphore_mem>>
      %dma_start3A_856 = tpu.memref_squeeze %dma_start3A_855 : memref<1x!tpu.dma_semaphore, #tpu.memory_space<semaphore_mem>> -> memref<!tpu.dma_semaphore, #tpu.memory_space<semaphore_mem>>
      tpu.enqueue_indirect_dma source(%dma_start3A_854 : memref<100000x64xf32, #tpu.memory_space<hbm>>) target(%dma_start3A_848 : memref<200x64xf32, #tpu.memory_space<vmem>>) offsets(%dma_start3A_851 : memref<200xi32, #tpu.memory_space<vmem>>) semaphore(%dma_start3A_856 : memref<!tpu.dma_semaphore, #tpu.memory_space<semaphore_mem>>)
      %dma_wait3A_857 = arith.constant 3 : i32
      %dma_wait3A_858 = arith.constant 3 : i32
      %dma_wait3A_859 = arith.constant 0 : i32
      %dma_wait3A_860 = arith.constant 0 : i32
      %dma_wait3A_861 = tpu.memref_slice %arg7[%dma_wait3A_857, %dma_wait3A_859, %dma_wait3A_860] : memref<4x200x64xf32, #tpu.memory_space<vmem>> -> memref<1x200x64xf32, #tpu.memory_space<vmem>>
      %dma_wait3A_862 = tpu.memref_squeeze %dma_wait3A_861 : memref<1x200x64xf32, #tpu.memory_space<vmem>> -> memref<200x64xf32, #tpu.memory_space<vmem>>
      %dma_wait3A_863 = arith.constant 0 : i32
      %dma_wait3A_864 = tpu.memref_slice %arg6[%add3A_819, %dma_wait3A_863] : memref<128x200xi32, #tpu.memory_space<vmem>> -> memref<1x200xi32, #tpu.memory_space<vmem>>
      %dma_wait3A_865 = tpu.memref_squeeze %dma_wait3A_864 : memref<1x200xi32, #tpu.memory_space<vmem>> -> memref<200xi32, #tpu.memory_space<vmem>>
      %dma_wait3A_866 = arith.constant 0 : i32
      %dma_wait3A_867 = arith.constant 0 : i32
      %dma_wait3A_868 = tpu.memref_slice %arg3[%dma_wait3A_866, %dma_wait3A_867] : memref<100000x64xf32, #tpu.memory_space<hbm>> -> memref<100000x64xf32, #tpu.memory_space<hbm>>
      %dma_wait3A_869 = tpu.memref_slice %arg9[%dma_wait3A_858] : memref<4x!tpu.dma_semaphore, #tpu.memory_space<semaphore_mem>> -> memref<1x!tpu.dma_semaphore, #tpu.memory_space<semaphore_mem>>
      %dma_wait3A_870 = tpu.memref_squeeze %dma_wait3A_869 : memref<1x!tpu.dma_semaphore, #tpu.memory_space<semaphore_mem>> -> memref<!tpu.dma_semaphore, #tpu.memory_space<semaphore_mem>>
      tpu.wait_indirect_dma semaphore(%dma_wait3A_870 : memref<!tpu.dma_semaphore, #tpu.memory_space<semaphore_mem>>) src(%dma_wait3A_868 : memref<100000x64xf32, #tpu.memory_space<hbm>>) dst(%dma_wait3A_862 : memref<200x64xf32, #tpu.memory_space<vmem>>)
      %scan3A_871 = arith.constant 0 : i32
      %scan3A_872 = arith.constant 0 : i32
      %scan3A_873 = arith.constant 200 : i32
      %scan3A_874 = arith.addi %scan3A_872, %scan3A_873 : i32
      %scan3A_875 = arith.constant 1 : i32
      scf.for %scan3A_896 = %scan3A_872 to %scan3A_874 step %scan3A_875  : i32 {
        %get3A = arith.constant 3 : i32
        %get3A_897 = arith.index_cast %get3A : i32 to index
        %get3A_898 = arith.index_cast %scan3A_896 : i32 to index
        %get3A_899 = arith.constant 0 : index
        %get3A_900 = tpu.vector_load %arg7[%get3A_897, %get3A_898, %get3A_899] {strides = array<i32>} : memref<4x200x64xf32, #tpu.memory_space<vmem>>, vector<1x1x16xf32>,
        %get3A_901 = vector.shape_cast %get3A_900 : vector<1x1x16xf32> to vector<16xf32>
        %get3A_902 = arith.index_cast %scan3A_896 : i32 to index
        %get3A_903 = arith.constant 0 : index
        %get3A_904 = tpu.vector_load %arg8[%get3A_902, %get3A_903] {strides = array<i32>} : memref<200x64xf32, #tpu.memory_space<vmem>>, vector<1x16xf32>,
        %get3A_905 = vector.shape_cast %get3A_904 : vector<1x16xf32> to vector<16xf32>
        %add3A_906 = arith.addf %get3A_901, %get3A_905 : vector<16xf32>
        %swap3A = arith.constant 3 : i32
        %swap3A_907 = arith.index_cast %swap3A : i32 to index
        %swap3A_908 = arith.index_cast %scan3A_896 : i32 to index
        %swap3A_909 = arith.constant 0 : index
        %swap3A_910 = tpu.vector_load %arg7[%swap3A_907, %swap3A_908, %swap3A_909] {strides = array<i32>} : memref<4x200x64xf32, #tpu.memory_space<vmem>>, vector<1x1x16xf32>,
        %swap3A_911 = vector.shape_cast %swap3A_910 : vector<1x1x16xf32> to vector<16xf32>
        %swap3A_912 = vector.shape_cast %add3A_906 : vector<16xf32> to vector<1x1x16xf32>
        tpu.vector_store %arg7[%swap3A_907, %swap3A_908, %swap3A_909], %swap3A_912 {strides = array<i32>} : memref<4x200x64xf32, #tpu.memory_space<vmem>>, vector<1x1x16xf32>,
        %get3A_913 = arith.constant 3 : i32
        %get3A_914 = arith.index_cast %get3A_913 : i32 to index
        %get3A_915 = arith.index_cast %scan3A_896 : i32 to index
        %get3A_916 = arith.constant 16 : index
        %get3A_917 = tpu.vector_load %arg7[%get3A_914, %get3A_915, %get3A_916] {strides = array<i32>} : memref<4x200x64xf32, #tpu.memory_space<vmem>>, vector<1x1x16xf32>,
        %get3A_918 = vector.shape_cast %get3A_917 : vector<1x1x16xf32> to vector<16xf32>
        %get3A_919 = arith.index_cast %scan3A_896 : i32 to index
        %get3A_920 = arith.constant 16 : index
        %get3A_921 = tpu.vector_load %arg8[%get3A_919, %get3A_920] {strides = array<i32>} : memref<200x64xf32, #tpu.memory_space<vmem>>, vector<1x16xf32>,
        %get3A_922 = vector.shape_cast %get3A_921 : vector<1x16xf32> to vector<16xf32>
        %add3A_923 = arith.addf %get3A_918, %get3A_922 : vector<16xf32>
        %swap3A_924 = arith.constant 3 : i32
        %swap3A_925 = arith.index_cast %swap3A_924 : i32 to index
        %swap3A_926 = arith.index_cast %scan3A_896 : i32 to index
        %swap3A_927 = arith.constant 16 : index
        %swap3A_928 = tpu.vector_load %arg7[%swap3A_925, %swap3A_926, %swap3A_927] {strides = array<i32>} : memref<4x200x64xf32, #tpu.memory_space<vmem>>, vector<1x1x16xf32>,
        %swap3A_929 = vector.shape_cast %swap3A_928 : vector<1x1x16xf32> to vector<16xf32>
        %swap3A_930 = vector.shape_cast %add3A_923 : vector<16xf32> to vector<1x1x16xf32>
        tpu.vector_store %arg7[%swap3A_925, %swap3A_926, %swap3A_927], %swap3A_930 {strides = array<i32>} : memref<4x200x64xf32, #tpu.memory_space<vmem>>, vector<1x1x16xf32>,
        %get3A_931 = arith.constant 3 : i32
        %get3A_932 = arith.index_cast %get3A_931 : i32 to index
        %get3A_933 = arith.index_cast %scan3A_896 : i32 to index
        %get3A_934 = arith.constant 32 : index
        %get3A_935 = tpu.vector_load %arg7[%get3A_932, %get3A_933, %get3A_934] {strides = array<i32>} : memref<4x200x64xf32, #tpu.memory_space<vmem>>, vector<1x1x16xf32>,
        %get3A_936 = vector.shape_cast %get3A_935 : vector<1x1x16xf32> to vector<16xf32>
        %get3A_937 = arith.index_cast %scan3A_896 : i32 to index
        %get3A_938 = arith.constant 32 : index
        %get3A_939 = tpu.vector_load %arg8[%get3A_937, %get3A_938] {strides = array<i32>} : memref<200x64xf32, #tpu.memory_space<vmem>>, vector<1x16xf32>,
        %get3A_940 = vector.shape_cast %get3A_939 : vector<1x16xf32> to vector<16xf32>
        %add3A_941 = arith.addf %get3A_936, %get3A_940 : vector<16xf32>
        %swap3A_942 = arith.constant 3 : i32
        %swap3A_943 = arith.index_cast %swap3A_942 : i32 to index
        %swap3A_944 = arith.index_cast %scan3A_896 : i32 to index
        %swap3A_945 = arith.constant 32 : index
        %swap3A_946 = tpu.vector_load %arg7[%swap3A_943, %swap3A_944, %swap3A_945] {strides = array<i32>} : memref<4x200x64xf32, #tpu.memory_space<vmem>>, vector<1x1x16xf32>,
        %swap3A_947 = vector.shape_cast %swap3A_946 : vector<1x1x16xf32> to vector<16xf32>
        %swap3A_948 = vector.shape_cast %add3A_941 : vector<16xf32> to vector<1x1x16xf32>
        tpu.vector_store %arg7[%swap3A_943, %swap3A_944, %swap3A_945], %swap3A_948 {strides = array<i32>} : memref<4x200x64xf32, #tpu.memory_space<vmem>>, vector<1x1x16xf32>,
        %get3A_949 = arith.constant 3 : i32
        %get3A_950 = arith.index_cast %get3A_949 : i32 to index
        %get3A_951 = arith.index_cast %scan3A_896 : i32 to index
        %get3A_952 = arith.constant 48 : index
        %get3A_953 = tpu.vector_load %arg7[%get3A_950, %get3A_951, %get3A_952] {strides = array<i32>} : memref<4x200x64xf32, #tpu.memory_space<vmem>>, vector<1x1x16xf32>,
        %get3A_954 = vector.shape_cast %get3A_953 : vector<1x1x16xf32> to vector<16xf32>
        %get3A_955 = arith.index_cast %scan3A_896 : i32 to index
        %get3A_956 = arith.constant 48 : index
        %get3A_957 = tpu.vector_load %arg8[%get3A_955, %get3A_956] {strides = array<i32>} : memref<200x64xf32, #tpu.memory_space<vmem>>, vector<1x16xf32>,
        %get3A_958 = vector.shape_cast %get3A_957 : vector<1x16xf32> to vector<16xf32>
        %add3A_959 = arith.addf %get3A_954, %get3A_958 : vector<16xf32>
        %swap3A_960 = arith.constant 3 : i32
        %swap3A_961 = arith.index_cast %swap3A_960 : i32 to index
        %swap3A_962 = arith.index_cast %scan3A_896 : i32 to index
        %swap3A_963 = arith.constant 48 : index
        %swap3A_964 = tpu.vector_load %arg7[%swap3A_961, %swap3A_962, %swap3A_963] {strides = array<i32>} : memref<4x200x64xf32, #tpu.memory_space<vmem>>, vector<1x1x16xf32>,
        %swap3A_965 = vector.shape_cast %swap3A_964 : vector<1x1x16xf32> to vector<16xf32>
        %swap3A_966 = vector.shape_cast %add3A_959 : vector<16xf32> to vector<1x1x16xf32>
        tpu.vector_store %arg7[%swap3A_961, %swap3A_962, %swap3A_963], %swap3A_966 {strides = array<i32>} : memref<4x200x64xf32, #tpu.memory_space<vmem>>, vector<1x1x16xf32>,
      }
      %scan3A_876 = arith.constant 200 : i32
      %mul3A_877 = arith.constant 200 : i32
      %mul3A_878 = arith.muli %add3A_819, %mul3A_877 : i32
      %add3A_879 = arith.addi %mul3A_2, %mul3A_878 : i32
      %dma_start3A_880 = arith.constant 3 : i32
      %dma_start3A_881 = arith.constant 3 : i32
      %dma_start3A_882 = arith.constant 0 : i32
      %dma_start3A_883 = arith.constant 0 : i32
      %dma_start3A_884 = tpu.memref_slice %arg7[%dma_start3A_880, %dma_start3A_882, %dma_start3A_883] : memref<4x200x64xf32, #tpu.memory_space<vmem>> -> memref<1x200x64xf32, #tpu.memory_space<vmem>>
      %dma_start3A_885 = tpu.memref_squeeze %dma_start3A_884 : memref<1x200x64xf32, #tpu.memory_space<vmem>> -> memref<200x64xf32, #tpu.memory_space<vmem>>
      %dma_start3A_886 = arith.constant 0 : i32
      %dma_start3A_887 = tpu.memref_slice %arg5[%add3A_879, %dma_start3A_886] : memref<819200x128xf32, #tpu.memory_space<hbm>> -> memref<200x64xf32, #tpu.memory_space<hbm>>
      %dma_start3A_888 = tpu.memref_slice %arg10[%dma_start3A_881] : memref<4x!tpu.dma_semaphore, #tpu.memory_space<semaphore_mem>> -> memref<1x!tpu.dma_semaphore, #tpu.memory_space<semaphore_mem>>
      %dma_start3A_889 = tpu.memref_squeeze %dma_start3A_888 : memref<1x!tpu.dma_semaphore, #tpu.memory_space<semaphore_mem>> -> memref<!tpu.dma_semaphore, #tpu.memory_space<semaphore_mem>>
      %dma_start3A_890 = arith.constant 0 : i32
      %dma_start3A_891 = tpu.memref_slice %arg5[%add3A_879, %dma_start3A_890] : memref<819200x128xf32, #tpu.memory_space<hbm>> -> memref<200x64xf32, #tpu.memory_space<hbm>>
      %dma_start3A_892 = arith.constant 0 : i32
      %dma_start3A_893 = arith.constant 0 : i32
      %dma_start3A_894 = tpu.memref_slice %arg7[%dma_start3A_880, %dma_start3A_892, %dma_start3A_893] : memref<4x200x64xf32, #tpu.memory_space<vmem>> -> memref<1x200x64xf32, #tpu.memory_space<vmem>>
      %dma_start3A_895 = tpu.memref_squeeze %dma_start3A_894 : memref<1x200x64xf32, #tpu.memory_space<vmem>> -> memref<200x64xf32, #tpu.memory_space<vmem>>
      tpu.enqueue_dma source(%dma_start3A_895 : memref<200x64xf32, #tpu.memory_space<vmem>>) target(%dma_start3A_891 : memref<200x64xf32, #tpu.memory_space<hbm>>) target_semaphore(%dma_start3A_889 : memref<!tpu.dma_semaphore, #tpu.memory_space<semaphore_mem>>)
    }
    %scan3A_287 = arith.constant 30 : i32
    %add3A_288 = arith.constant 24400 : i32
    %add3A_289 = arith.addi %mul3A_2, %add3A_288 : i32
    %dma_wait3A_290 = arith.constant 2 : i32
    %dma_wait3A_291 = arith.constant 2 : i32
    %dma_wait3A_292 = arith.constant 0 : i32
    %dma_wait3A_293 = arith.constant 0 : i32
    %dma_wait3A_294 = tpu.memref_slice %arg7[%dma_wait3A_290, %dma_wait3A_292, %dma_wait3A_293] : memref<4x200x64xf32, #tpu.memory_space<vmem>> -> memref<1x200x64xf32, #tpu.memory_space<vmem>>
    %dma_wait3A_295 = tpu.memref_squeeze %dma_wait3A_294 : memref<1x200x64xf32, #tpu.memory_space<vmem>> -> memref<200x64xf32, #tpu.memory_space<vmem>>
    %dma_wait3A_296 = arith.constant 0 : i32
    %dma_wait3A_297 = tpu.memref_slice %arg5[%add3A_289, %dma_wait3A_296] : memref<819200x128xf32, #tpu.memory_space<hbm>> -> memref<200x64xf32, #tpu.memory_space<hbm>>
    %dma_wait3A_298 = tpu.memref_slice %arg10[%dma_wait3A_291] : memref<4x!tpu.dma_semaphore, #tpu.memory_space<semaphore_mem>> -> memref<1x!tpu.dma_semaphore, #tpu.memory_space<semaphore_mem>>
    %dma_wait3A_299 = tpu.memref_squeeze %dma_wait3A_298 : memref<1x!tpu.dma_semaphore, #tpu.memory_space<semaphore_mem>> -> memref<!tpu.dma_semaphore, #tpu.memory_space<semaphore_mem>>
    %dma_wait3A_300 = arith.constant 0 : i32
    %dma_wait3A_301 = tpu.memref_slice %arg5[%add3A_289, %dma_wait3A_300] : memref<819200x128xf32, #tpu.memory_space<hbm>> -> memref<200x64xf32, #tpu.memory_space<hbm>>
    %dma_wait3A_302 = arith.constant 0 : i32
    %dma_wait3A_303 = arith.constant 0 : i32
    %dma_wait3A_304 = tpu.memref_slice %arg7[%dma_wait3A_290, %dma_wait3A_302, %dma_wait3A_303] : memref<4x200x64xf32, #tpu.memory_space<vmem>> -> memref<1x200x64xf32, #tpu.memory_space<vmem>>
    %dma_wait3A_305 = tpu.memref_squeeze %dma_wait3A_304 : memref<1x200x64xf32, #tpu.memory_space<vmem>> -> memref<200x64xf32, #tpu.memory_space<vmem>>
    tpu.wait_dma2 semaphore(%dma_wait3A_299 : memref<!tpu.dma_semaphore, #tpu.memory_space<semaphore_mem>>) src(%dma_wait3A_305 : memref<200x64xf32, #tpu.memory_space<vmem>>) dst(%dma_wait3A_301 : memref<200x64xf32, #tpu.memory_space<hbm>>)
    %dma_start3A_306 = arith.constant 126 : i32
    %dma_start3A_307 = arith.constant 2 : i32
    %dma_start3A_308 = arith.constant 2 : i32
    %dma_start3A_309 = arith.constant 0 : i32
    %dma_start3A_310 = arith.constant 0 : i32
    %dma_start3A_311 = tpu.memref_slice %arg7[%dma_start3A_307, %dma_start3A_309, %dma_start3A_310] : memref<4x200x64xf32, #tpu.memory_space<vmem>> -> memref<1x200x64xf32, #tpu.memory_space<vmem>>
    %dma_start3A_312 = tpu.memref_squeeze %dma_start3A_311 : memref<1x200x64xf32, #tpu.memory_space<vmem>> -> memref<200x64xf32, #tpu.memory_space<vmem>>
    %dma_start3A_313 = arith.constant 0 : i32
    %dma_start3A_314 = tpu.memref_slice %arg6[%dma_start3A_306, %dma_start3A_313] : memref<128x200xi32, #tpu.memory_space<vmem>> -> memref<1x200xi32, #tpu.memory_space<vmem>>
    %dma_start3A_315 = tpu.memref_squeeze %dma_start3A_314 : memref<1x200xi32, #tpu.memory_space<vmem>> -> memref<200xi32, #tpu.memory_space<vmem>>
    %dma_start3A_316 = arith.constant 0 : i32
    %dma_start3A_317 = arith.constant 0 : i32
    %dma_start3A_318 = tpu.memref_slice %arg3[%dma_start3A_316, %dma_start3A_317] : memref<100000x64xf32, #tpu.memory_space<hbm>> -> memref<100000x64xf32, #tpu.memory_space<hbm>>
    %dma_start3A_319 = tpu.memref_slice %arg9[%dma_start3A_308] : memref<4x!tpu.dma_semaphore, #tpu.memory_space<semaphore_mem>> -> memref<1x!tpu.dma_semaphore, #tpu.memory_space<semaphore_mem>>
    %dma_start3A_320 = tpu.memref_squeeze %dma_start3A_319 : memref<1x!tpu.dma_semaphore, #tpu.memory_space<semaphore_mem>> -> memref<!tpu.dma_semaphore, #tpu.memory_space<semaphore_mem>>
    tpu.enqueue_indirect_dma source(%dma_start3A_318 : memref<100000x64xf32, #tpu.memory_space<hbm>>) target(%dma_start3A_312 : memref<200x64xf32, #tpu.memory_space<vmem>>) offsets(%dma_start3A_315 : memref<200xi32, #tpu.memory_space<vmem>>) semaphore(%dma_start3A_320 : memref<!tpu.dma_semaphore, #tpu.memory_space<semaphore_mem>>)
    %dma_wait3A_321 = arith.constant 124 : i32
    %dma_wait3A_322 = arith.constant 0 : i32
    %dma_wait3A_323 = arith.constant 0 : i32
    %dma_wait3A_324 = arith.constant 0 : i32
    %dma_wait3A_325 = arith.constant 0 : i32
    %dma_wait3A_326 = tpu.memref_slice %arg7[%dma_wait3A_322, %dma_wait3A_324, %dma_wait3A_325] : memref<4x200x64xf32, #tpu.memory_space<vmem>> -> memref<1x200x64xf32, #tpu.memory_space<vmem>>
    %dma_wait3A_327 = tpu.memref_squeeze %dma_wait3A_326 : memref<1x200x64xf32, #tpu.memory_space<vmem>> -> memref<200x64xf32, #tpu.memory_space<vmem>>
    %dma_wait3A_328 = arith.constant 0 : i32
    %dma_wait3A_329 = tpu.memref_slice %arg6[%dma_wait3A_321, %dma_wait3A_328] : memref<128x200xi32, #tpu.memory_space<vmem>> -> memref<1x200xi32, #tpu.memory_space<vmem>>
    %dma_wait3A_330 = tpu.memref_squeeze %dma_wait3A_329 : memref<1x200xi32, #tpu.memory_space<vmem>> -> memref<200xi32, #tpu.memory_space<vmem>>
    %dma_wait3A_331 = arith.constant 0 : i32
    %dma_wait3A_332 = arith.constant 0 : i32
    %dma_wait3A_333 = tpu.memref_slice %arg3[%dma_wait3A_331, %dma_wait3A_332] : memref<100000x64xf32, #tpu.memory_space<hbm>> -> memref<100000x64xf32, #tpu.memory_space<hbm>>
    %dma_wait3A_334 = tpu.memref_slice %arg9[%dma_wait3A_323] : memref<4x!tpu.dma_semaphore, #tpu.memory_space<semaphore_mem>> -> memref<1x!tpu.dma_semaphore, #tpu.memory_space<semaphore_mem>>
    %dma_wait3A_335 = tpu.memref_squeeze %dma_wait3A_334 : memref<1x!tpu.dma_semaphore, #tpu.memory_space<semaphore_mem>> -> memref<!tpu.dma_semaphore, #tpu.memory_space<semaphore_mem>>
    tpu.wait_indirect_dma semaphore(%dma_wait3A_335 : memref<!tpu.dma_semaphore, #tpu.memory_space<semaphore_mem>>) src(%dma_wait3A_333 : memref<100000x64xf32, #tpu.memory_space<hbm>>) dst(%dma_wait3A_327 : memref<200x64xf32, #tpu.memory_space<vmem>>)
    %scan3A_336 = arith.constant 0 : i32
    %scan3A_337 = arith.constant 0 : i32
    %scan3A_338 = arith.constant 200 : i32
    %scan3A_339 = arith.addi %scan3A_337, %scan3A_338 : i32
    %scan3A_340 = arith.constant 1 : i32
    scf.for %scan3A_582 = %scan3A_337 to %scan3A_339 step %scan3A_340  : i32 {
      %get3A = arith.constant 0 : i32
      %get3A_583 = arith.index_cast %get3A : i32 to index
      %get3A_584 = arith.index_cast %scan3A_582 : i32 to index
      %get3A_585 = arith.constant 0 : index
      %get3A_586 = tpu.vector_load %arg7[%get3A_583, %get3A_584, %get3A_585] {strides = array<i32>} : memref<4x200x64xf32, #tpu.memory_space<vmem>>, vector<1x1x16xf32>,
      %get3A_587 = vector.shape_cast %get3A_586 : vector<1x1x16xf32> to vector<16xf32>
      %get3A_588 = arith.index_cast %scan3A_582 : i32 to index
      %get3A_589 = arith.constant 0 : index
      %get3A_590 = tpu.vector_load %arg8[%get3A_588, %get3A_589] {strides = array<i32>} : memref<200x64xf32, #tpu.memory_space<vmem>>, vector<1x16xf32>,
      %get3A_591 = vector.shape_cast %get3A_590 : vector<1x16xf32> to vector<16xf32>
      %add3A_592 = arith.addf %get3A_587, %get3A_591 : vector<16xf32>
      %swap3A = arith.constant 0 : i32
      %swap3A_593 = arith.index_cast %swap3A : i32 to index
      %swap3A_594 = arith.index_cast %scan3A_582 : i32 to index
      %swap3A_595 = arith.constant 0 : index
      %swap3A_596 = tpu.vector_load %arg7[%swap3A_593, %swap3A_594, %swap3A_595] {strides = array<i32>} : memref<4x200x64xf32, #tpu.memory_space<vmem>>, vector<1x1x16xf32>,
      %swap3A_597 = vector.shape_cast %swap3A_596 : vector<1x1x16xf32> to vector<16xf32>
      %swap3A_598 = vector.shape_cast %add3A_592 : vector<16xf32> to vector<1x1x16xf32>
      tpu.vector_store %arg7[%swap3A_593, %swap3A_594, %swap3A_595], %swap3A_598 {strides = array<i32>} : memref<4x200x64xf32, #tpu.memory_space<vmem>>, vector<1x1x16xf32>,
      %get3A_599 = arith.constant 0 : i32
      %get3A_600 = arith.index_cast %get3A_599 : i32 to index
      %get3A_601 = arith.index_cast %scan3A_582 : i32 to index
      %get3A_602 = arith.constant 16 : index
      %get3A_603 = tpu.vector_load %arg7[%get3A_600, %get3A_601, %get3A_602] {strides = array<i32>} : memref<4x200x64xf32, #tpu.memory_space<vmem>>, vector<1x1x16xf32>,
      %get3A_604 = vector.shape_cast %get3A_603 : vector<1x1x16xf32> to vector<16xf32>
      %get3A_605 = arith.index_cast %scan3A_582 : i32 to index
      %get3A_606 = arith.constant 16 : index
      %get3A_607 = tpu.vector_load %arg8[%get3A_605, %get3A_606] {strides = array<i32>} : memref<200x64xf32, #tpu.memory_space<vmem>>, vector<1x16xf32>,
      %get3A_608 = vector.shape_cast %get3A_607 : vector<1x16xf32> to vector<16xf32>
      %add3A_609 = arith.addf %get3A_604, %get3A_608 : vector<16xf32>
      %swap3A_610 = arith.constant 0 : i32
      %swap3A_611 = arith.index_cast %swap3A_610 : i32 to index
      %swap3A_612 = arith.index_cast %scan3A_582 : i32 to index
      %swap3A_613 = arith.constant 16 : index
      %swap3A_614 = tpu.vector_load %arg7[%swap3A_611, %swap3A_612, %swap3A_613] {strides = array<i32>} : memref<4x200x64xf32, #tpu.memory_space<vmem>>, vector<1x1x16xf32>,
      %swap3A_615 = vector.shape_cast %swap3A_614 : vector<1x1x16xf32> to vector<16xf32>
      %swap3A_616 = vector.shape_cast %add3A_609 : vector<16xf32> to vector<1x1x16xf32>
      tpu.vector_store %arg7[%swap3A_611, %swap3A_612, %swap3A_613], %swap3A_616 {strides = array<i32>} : memref<4x200x64xf32, #tpu.memory_space<vmem>>, vector<1x1x16xf32>,
      %get3A_617 = arith.constant 0 : i32
      %get3A_618 = arith.index_cast %get3A_617 : i32 to index
      %get3A_619 = arith.index_cast %scan3A_582 : i32 to index
      %get3A_620 = arith.constant 32 : index
      %get3A_621 = tpu.vector_load %arg7[%get3A_618, %get3A_619, %get3A_620] {strides = array<i32>} : memref<4x200x64xf32, #tpu.memory_space<vmem>>, vector<1x1x16xf32>,
      %get3A_622 = vector.shape_cast %get3A_621 : vector<1x1x16xf32> to vector<16xf32>
      %get3A_623 = arith.index_cast %scan3A_582 : i32 to index
      %get3A_624 = arith.constant 32 : index
      %get3A_625 = tpu.vector_load %arg8[%get3A_623, %get3A_624] {strides = array<i32>} : memref<200x64xf32, #tpu.memory_space<vmem>>, vector<1x16xf32>,
      %get3A_626 = vector.shape_cast %get3A_625 : vector<1x16xf32> to vector<16xf32>
      %add3A_627 = arith.addf %get3A_622, %get3A_626 : vector<16xf32>
      %swap3A_628 = arith.constant 0 : i32
      %swap3A_629 = arith.index_cast %swap3A_628 : i32 to index
      %swap3A_630 = arith.index_cast %scan3A_582 : i32 to index
      %swap3A_631 = arith.constant 32 : index
      %swap3A_632 = tpu.vector_load %arg7[%swap3A_629, %swap3A_630, %swap3A_631] {strides = array<i32>} : memref<4x200x64xf32, #tpu.memory_space<vmem>>, vector<1x1x16xf32>,
      %swap3A_633 = vector.shape_cast %swap3A_632 : vector<1x1x16xf32> to vector<16xf32>
      %swap3A_634 = vector.shape_cast %add3A_627 : vector<16xf32> to vector<1x1x16xf32>
      tpu.vector_store %arg7[%swap3A_629, %swap3A_630, %swap3A_631], %swap3A_634 {strides = array<i32>} : memref<4x200x64xf32, #tpu.memory_space<vmem>>, vector<1x1x16xf32>,
      %get3A_635 = arith.constant 0 : i32
      %get3A_636 = arith.index_cast %get3A_635 : i32 to index
      %get3A_637 = arith.index_cast %scan3A_582 : i32 to index
      %get3A_638 = arith.constant 48 : index
      %get3A_639 = tpu.vector_load %arg7[%get3A_636, %get3A_637, %get3A_638] {strides = array<i32>} : memref<4x200x64xf32, #tpu.memory_space<vmem>>, vector<1x1x16xf32>,
      %get3A_640 = vector.shape_cast %get3A_639 : vector<1x1x16xf32> to vector<16xf32>
      %get3A_641 = arith.index_cast %scan3A_582 : i32 to index
      %get3A_642 = arith.constant 48 : index
      %get3A_643 = tpu.vector_load %arg8[%get3A_641, %get3A_642] {strides = array<i32>} : memref<200x64xf32, #tpu.memory_space<vmem>>, vector<1x16xf32>,
      %get3A_644 = vector.shape_cast %get3A_643 : vector<1x16xf32> to vector<16xf32>
      %add3A_645 = arith.addf %get3A_640, %get3A_644 : vector<16xf32>
      %swap3A_646 = arith.constant 0 : i32
      %swap3A_647 = arith.index_cast %swap3A_646 : i32 to index
      %swap3A_648 = arith.index_cast %scan3A_582 : i32 to index
      %swap3A_649 = arith.constant 48 : index
      %swap3A_650 = tpu.vector_load %arg7[%swap3A_647, %swap3A_648, %swap3A_649] {strides = array<i32>} : memref<4x200x64xf32, #tpu.memory_space<vmem>>, vector<1x1x16xf32>,
      %swap3A_651 = vector.shape_cast %swap3A_650 : vector<1x1x16xf32> to vector<16xf32>
      %swap3A_652 = vector.shape_cast %add3A_645 : vector<16xf32> to vector<1x1x16xf32>
      tpu.vector_store %arg7[%swap3A_647, %swap3A_648, %swap3A_649], %swap3A_652 {strides = array<i32>} : memref<4x200x64xf32, #tpu.memory_space<vmem>>, vector<1x1x16xf32>,
    }
    %scan3A_341 = arith.constant 200 : i32
    %add3A_342 = arith.constant 24800 : i32
    %add3A_343 = arith.addi %mul3A_2, %add3A_342 : i32
    %dma_start3A_344 = arith.constant 0 : i32
    %dma_start3A_345 = arith.constant 0 : i32
    %dma_start3A_346 = arith.constant 0 : i32
    %dma_start3A_347 = arith.constant 0 : i32
    %dma_start3A_348 = tpu.memref_slice %arg7[%dma_start3A_344, %dma_start3A_346, %dma_start3A_347] : memref<4x200x64xf32, #tpu.memory_space<vmem>> -> memref<1x200x64xf32, #tpu.memory_space<vmem>>
    %dma_start3A_349 = tpu.memref_squeeze %dma_start3A_348 : memref<1x200x64xf32, #tpu.memory_space<vmem>> -> memref<200x64xf32, #tpu.memory_space<vmem>>
    %dma_start3A_350 = arith.constant 0 : i32
    %dma_start3A_351 = tpu.memref_slice %arg5[%add3A_343, %dma_start3A_350] : memref<819200x128xf32, #tpu.memory_space<hbm>> -> memref<200x64xf32, #tpu.memory_space<hbm>>
    %dma_start3A_352 = tpu.memref_slice %arg10[%dma_start3A_345] : memref<4x!tpu.dma_semaphore, #tpu.memory_space<semaphore_mem>> -> memref<1x!tpu.dma_semaphore, #tpu.memory_space<semaphore_mem>>
    %dma_start3A_353 = tpu.memref_squeeze %dma_start3A_352 : memref<1x!tpu.dma_semaphore, #tpu.memory_space<semaphore_mem>> -> memref<!tpu.dma_semaphore, #tpu.memory_space<semaphore_mem>>
    %dma_start3A_354 = arith.constant 0 : i32
    %dma_start3A_355 = tpu.memref_slice %arg5[%add3A_343, %dma_start3A_354] : memref<819200x128xf32, #tpu.memory_space<hbm>> -> memref<200x64xf32, #tpu.memory_space<hbm>>
    %dma_start3A_356 = arith.constant 0 : i32
    %dma_start3A_357 = arith.constant 0 : i32
    %dma_start3A_358 = tpu.memref_slice %arg7[%dma_start3A_344, %dma_start3A_356, %dma_start3A_357] : memref<4x200x64xf32, #tpu.memory_space<vmem>> -> memref<1x200x64xf32, #tpu.memory_space<vmem>>
    %dma_start3A_359 = tpu.memref_squeeze %dma_start3A_358 : memref<1x200x64xf32, #tpu.memory_space<vmem>> -> memref<200x64xf32, #tpu.memory_space<vmem>>
    tpu.enqueue_dma source(%dma_start3A_359 : memref<200x64xf32, #tpu.memory_space<vmem>>) target(%dma_start3A_355 : memref<200x64xf32, #tpu.memory_space<hbm>>) target_semaphore(%dma_start3A_353 : memref<!tpu.dma_semaphore, #tpu.memory_space<semaphore_mem>>)
    %add3A_360 = arith.constant 24600 : i32
    %add3A_361 = arith.addi %mul3A_2, %add3A_360 : i32
    %dma_wait3A_362 = arith.constant 3 : i32
    %dma_wait3A_363 = arith.constant 3 : i32
    %dma_wait3A_364 = arith.constant 0 : i32
    %dma_wait3A_365 = arith.constant 0 : i32
    %dma_wait3A_366 = tpu.memref_slice %arg7[%dma_wait3A_362, %dma_wait3A_364, %dma_wait3A_365] : memref<4x200x64xf32, #tpu.memory_space<vmem>> -> memref<1x200x64xf32, #tpu.memory_space<vmem>>
    %dma_wait3A_367 = tpu.memref_squeeze %dma_wait3A_366 : memref<1x200x64xf32, #tpu.memory_space<vmem>> -> memref<200x64xf32, #tpu.memory_space<vmem>>
    %dma_wait3A_368 = arith.constant 0 : i32
    %dma_wait3A_369 = tpu.memref_slice %arg5[%add3A_361, %dma_wait3A_368] : memref<819200x128xf32, #tpu.memory_space<hbm>> -> memref<200x64xf32, #tpu.memory_space<hbm>>
    %dma_wait3A_370 = tpu.memref_slice %arg10[%dma_wait3A_363] : memref<4x!tpu.dma_semaphore, #tpu.memory_space<semaphore_mem>> -> memref<1x!tpu.dma_semaphore, #tpu.memory_space<semaphore_mem>>
    %dma_wait3A_371 = tpu.memref_squeeze %dma_wait3A_370 : memref<1x!tpu.dma_semaphore, #tpu.memory_space<semaphore_mem>> -> memref<!tpu.dma_semaphore, #tpu.memory_space<semaphore_mem>>
    %dma_wait3A_372 = arith.constant 0 : i32
    %dma_wait3A_373 = tpu.memref_slice %arg5[%add3A_361, %dma_wait3A_372] : memref<819200x128xf32, #tpu.memory_space<hbm>> -> memref<200x64xf32, #tpu.memory_space<hbm>>
    %dma_wait3A_374 = arith.constant 0 : i32
    %dma_wait3A_375 = arith.constant 0 : i32
    %dma_wait3A_376 = tpu.memref_slice %arg7[%dma_wait3A_362, %dma_wait3A_374, %dma_wait3A_375] : memref<4x200x64xf32, #tpu.memory_space<vmem>> -> memref<1x200x64xf32, #tpu.memory_space<vmem>>
    %dma_wait3A_377 = tpu.memref_squeeze %dma_wait3A_376 : memref<1x200x64xf32, #tpu.memory_space<vmem>> -> memref<200x64xf32, #tpu.memory_space<vmem>>
    tpu.wait_dma2 semaphore(%dma_wait3A_371 : memref<!tpu.dma_semaphore, #tpu.memory_space<semaphore_mem>>) src(%dma_wait3A_377 : memref<200x64xf32, #tpu.memory_space<vmem>>) dst(%dma_wait3A_373 : memref<200x64xf32, #tpu.memory_space<hbm>>)
    %dma_start3A_378 = arith.constant 127 : i32
    %dma_start3A_379 = arith.constant 3 : i32
    %dma_start3A_380 = arith.constant 3 : i32
    %dma_start3A_381 = arith.constant 0 : i32
    %dma_start3A_382 = arith.constant 0 : i32
    %dma_start3A_383 = tpu.memref_slice %arg7[%dma_start3A_379, %dma_start3A_381, %dma_start3A_382] : memref<4x200x64xf32, #tpu.memory_space<vmem>> -> memref<1x200x64xf32, #tpu.memory_space<vmem>>
    %dma_start3A_384 = tpu.memref_squeeze %dma_start3A_383 : memref<1x200x64xf32, #tpu.memory_space<vmem>> -> memref<200x64xf32, #tpu.memory_space<vmem>>
    %dma_start3A_385 = arith.constant 0 : i32
    %dma_start3A_386 = tpu.memref_slice %arg6[%dma_start3A_378, %dma_start3A_385] : memref<128x200xi32, #tpu.memory_space<vmem>> -> memref<1x200xi32, #tpu.memory_space<vmem>>
    %dma_start3A_387 = tpu.memref_squeeze %dma_start3A_386 : memref<1x200xi32, #tpu.memory_space<vmem>> -> memref<200xi32, #tpu.memory_space<vmem>>
    %dma_start3A_388 = arith.constant 0 : i32
    %dma_start3A_389 = arith.constant 0 : i32
    %dma_start3A_390 = tpu.memref_slice %arg3[%dma_start3A_388, %dma_start3A_389] : memref<100000x64xf32, #tpu.memory_space<hbm>> -> memref<100000x64xf32, #tpu.memory_space<hbm>>
    %dma_start3A_391 = tpu.memref_slice %arg9[%dma_start3A_380] : memref<4x!tpu.dma_semaphore, #tpu.memory_space<semaphore_mem>> -> memref<1x!tpu.dma_semaphore, #tpu.memory_space<semaphore_mem>>
    %dma_start3A_392 = tpu.memref_squeeze %dma_start3A_391 : memref<1x!tpu.dma_semaphore, #tpu.memory_space<semaphore_mem>> -> memref<!tpu.dma_semaphore, #tpu.memory_space<semaphore_mem>>
    tpu.enqueue_indirect_dma source(%dma_start3A_390 : memref<100000x64xf32, #tpu.memory_space<hbm>>) target(%dma_start3A_384 : memref<200x64xf32, #tpu.memory_space<vmem>>) offsets(%dma_start3A_387 : memref<200xi32, #tpu.memory_space<vmem>>) semaphore(%dma_start3A_392 : memref<!tpu.dma_semaphore, #tpu.memory_space<semaphore_mem>>)
    %dma_wait3A_393 = arith.constant 125 : i32
    %dma_wait3A_394 = arith.constant 1 : i32
    %dma_wait3A_395 = arith.constant 1 : i32
    %dma_wait3A_396 = arith.constant 0 : i32
    %dma_wait3A_397 = arith.constant 0 : i32
    %dma_wait3A_398 = tpu.memref_slice %arg7[%dma_wait3A_394, %dma_wait3A_396, %dma_wait3A_397] : memref<4x200x64xf32, #tpu.memory_space<vmem>> -> memref<1x200x64xf32, #tpu.memory_space<vmem>>
    %dma_wait3A_399 = tpu.memref_squeeze %dma_wait3A_398 : memref<1x200x64xf32, #tpu.memory_space<vmem>> -> memref<200x64xf32, #tpu.memory_space<vmem>>
    %dma_wait3A_400 = arith.constant 0 : i32
    %dma_wait3A_401 = tpu.memref_slice %arg6[%dma_wait3A_393, %dma_wait3A_400] : memref<128x200xi32, #tpu.memory_space<vmem>> -> memref<1x200xi32, #tpu.memory_space<vmem>>
    %dma_wait3A_402 = tpu.memref_squeeze %dma_wait3A_401 : memref<1x200xi32, #tpu.memory_space<vmem>> -> memref<200xi32, #tpu.memory_space<vmem>>
    %dma_wait3A_403 = arith.constant 0 : i32
    %dma_wait3A_404 = arith.constant 0 : i32
    %dma_wait3A_405 = tpu.memref_slice %arg3[%dma_wait3A_403, %dma_wait3A_404] : memref<100000x64xf32, #tpu.memory_space<hbm>> -> memref<100000x64xf32, #tpu.memory_space<hbm>>
    %dma_wait3A_406 = tpu.memref_slice %arg9[%dma_wait3A_395] : memref<4x!tpu.dma_semaphore, #tpu.memory_space<semaphore_mem>> -> memref<1x!tpu.dma_semaphore, #tpu.memory_space<semaphore_mem>>
    %dma_wait3A_407 = tpu.memref_squeeze %dma_wait3A_406 : memref<1x!tpu.dma_semaphore, #tpu.memory_space<semaphore_mem>> -> memref<!tpu.dma_semaphore, #tpu.memory_space<semaphore_mem>>
    tpu.wait_indirect_dma semaphore(%dma_wait3A_407 : memref<!tpu.dma_semaphore, #tpu.memory_space<semaphore_mem>>) src(%dma_wait3A_405 : memref<100000x64xf32, #tpu.memory_space<hbm>>) dst(%dma_wait3A_399 : memref<200x64xf32, #tpu.memory_space<vmem>>)
    %scan3A_408 = arith.constant 0 : i32
    %scan3A_409 = arith.constant 0 : i32
    %scan3A_410 = arith.constant 200 : i32
    %scan3A_411 = arith.addi %scan3A_409, %scan3A_410 : i32
    %scan3A_412 = arith.constant 1 : i32
    scf.for %scan3A_582 = %scan3A_409 to %scan3A_411 step %scan3A_412  : i32 {
      %get3A = arith.constant 1 : i32
      %get3A_583 = arith.index_cast %get3A : i32 to index
      %get3A_584 = arith.index_cast %scan3A_582 : i32 to index
      %get3A_585 = arith.constant 0 : index
      %get3A_586 = tpu.vector_load %arg7[%get3A_583, %get3A_584, %get3A_585] {strides = array<i32>} : memref<4x200x64xf32, #tpu.memory_space<vmem>>, vector<1x1x16xf32>,
      %get3A_587 = vector.shape_cast %get3A_586 : vector<1x1x16xf32> to vector<16xf32>
      %get3A_588 = arith.index_cast %scan3A_582 : i32 to index
      %get3A_589 = arith.constant 0 : index
      %get3A_590 = tpu.vector_load %arg8[%get3A_588, %get3A_589] {strides = array<i32>} : memref<200x64xf32, #tpu.memory_space<vmem>>, vector<1x16xf32>,
      %get3A_591 = vector.shape_cast %get3A_590 : vector<1x16xf32> to vector<16xf32>
      %add3A_592 = arith.addf %get3A_587, %get3A_591 : vector<16xf32>
      %swap3A = arith.constant 1 : i32
      %swap3A_593 = arith.index_cast %swap3A : i32 to index
      %swap3A_594 = arith.index_cast %scan3A_582 : i32 to index
      %swap3A_595 = arith.constant 0 : index
      %swap3A_596 = tpu.vector_load %arg7[%swap3A_593, %swap3A_594, %swap3A_595] {strides = array<i32>} : memref<4x200x64xf32, #tpu.memory_space<vmem>>, vector<1x1x16xf32>,
      %swap3A_597 = vector.shape_cast %swap3A_596 : vector<1x1x16xf32> to vector<16xf32>
      %swap3A_598 = vector.shape_cast %add3A_592 : vector<16xf32> to vector<1x1x16xf32>
      tpu.vector_store %arg7[%swap3A_593, %swap3A_594, %swap3A_595], %swap3A_598 {strides = array<i32>} : memref<4x200x64xf32, #tpu.memory_space<vmem>>, vector<1x1x16xf32>,
      %get3A_599 = arith.constant 1 : i32
      %get3A_600 = arith.index_cast %get3A_599 : i32 to index
      %get3A_601 = arith.index_cast %scan3A_582 : i32 to index
      %get3A_602 = arith.constant 16 : index
      %get3A_603 = tpu.vector_load %arg7[%get3A_600, %get3A_601, %get3A_602] {strides = array<i32>} : memref<4x200x64xf32, #tpu.memory_space<vmem>>, vector<1x1x16xf32>,
      %get3A_604 = vector.shape_cast %get3A_603 : vector<1x1x16xf32> to vector<16xf32>
      %get3A_605 = arith.index_cast %scan3A_582 : i32 to index
      %get3A_606 = arith.constant 16 : index
      %get3A_607 = tpu.vector_load %arg8[%get3A_605, %get3A_606] {strides = array<i32>} : memref<200x64xf32, #tpu.memory_space<vmem>>, vector<1x16xf32>,
      %get3A_608 = vector.shape_cast %get3A_607 : vector<1x16xf32> to vector<16xf32>
      %add3A_609 = arith.addf %get3A_604, %get3A_608 : vector<16xf32>
      %swap3A_610 = arith.constant 1 : i32
      %swap3A_611 = arith.index_cast %swap3A_610 : i32 to index
      %swap3A_612 = arith.index_cast %scan3A_582 : i32 to index
      %swap3A_613 = arith.constant 16 : index
      %swap3A_614 = tpu.vector_load %arg7[%swap3A_611, %swap3A_612, %swap3A_613] {strides = array<i32>} : memref<4x200x64xf32, #tpu.memory_space<vmem>>, vector<1x1x16xf32>,
      %swap3A_615 = vector.shape_cast %swap3A_614 : vector<1x1x16xf32> to vector<16xf32>
      %swap3A_616 = vector.shape_cast %add3A_609 : vector<16xf32> to vector<1x1x16xf32>
      tpu.vector_store %arg7[%swap3A_611, %swap3A_612, %swap3A_613], %swap3A_616 {strides = array<i32>} : memref<4x200x64xf32, #tpu.memory_space<vmem>>, vector<1x1x16xf32>,
      %get3A_617 = arith.constant 1 : i32
      %get3A_618 = arith.index_cast %get3A_617 : i32 to index
      %get3A_619 = arith.index_cast %scan3A_582 : i32 to index
      %get3A_620 = arith.constant 32 : index
      %get3A_621 = tpu.vector_load %arg7[%get3A_618, %get3A_619, %get3A_620] {strides = array<i32>} : memref<4x200x64xf32, #tpu.memory_space<vmem>>, vector<1x1x16xf32>,
      %get3A_622 = vector.shape_cast %get3A_621 : vector<1x1x16xf32> to vector<16xf32>
      %get3A_623 = arith.index_cast %scan3A_582 : i32 to index
      %get3A_624 = arith.constant 32 : index
      %get3A_625 = tpu.vector_load %arg8[%get3A_623, %get3A_624] {strides = array<i32>} : memref<200x64xf32, #tpu.memory_space<vmem>>, vector<1x16xf32>,
      %get3A_626 = vector.shape_cast %get3A_625 : vector<1x16xf32> to vector<16xf32>
      %add3A_627 = arith.addf %get3A_622, %get3A_626 : vector<16xf32>
      %swap3A_628 = arith.constant 1 : i32
      %swap3A_629 = arith.index_cast %swap3A_628 : i32 to index
      %swap3A_630 = arith.index_cast %scan3A_582 : i32 to index
      %swap3A_631 = arith.constant 32 : index
      %swap3A_632 = tpu.vector_load %arg7[%swap3A_629, %swap3A_630, %swap3A_631] {strides = array<i32>} : memref<4x200x64xf32, #tpu.memory_space<vmem>>, vector<1x1x16xf32>,
      %swap3A_633 = vector.shape_cast %swap3A_632 : vector<1x1x16xf32> to vector<16xf32>
      %swap3A_634 = vector.shape_cast %add3A_627 : vector<16xf32> to vector<1x1x16xf32>
      tpu.vector_store %arg7[%swap3A_629, %swap3A_630, %swap3A_631], %swap3A_634 {strides = array<i32>} : memref<4x200x64xf32, #tpu.memory_space<vmem>>, vector<1x1x16xf32>,
      %get3A_635 = arith.constant 1 : i32
      %get3A_636 = arith.index_cast %get3A_635 : i32 to index
      %get3A_637 = arith.index_cast %scan3A_582 : i32 to index
      %get3A_638 = arith.constant 48 : index
      %get3A_639 = tpu.vector_load %arg7[%get3A_636, %get3A_637, %get3A_638] {strides = array<i32>} : memref<4x200x64xf32, #tpu.memory_space<vmem>>, vector<1x1x16xf32>,
      %get3A_640 = vector.shape_cast %get3A_639 : vector<1x1x16xf32> to vector<16xf32>
      %get3A_641 = arith.index_cast %scan3A_582 : i32 to index
      %get3A_642 = arith.constant 48 : index
      %get3A_643 = tpu.vector_load %arg8[%get3A_641, %get3A_642] {strides = array<i32>} : memref<200x64xf32, #tpu.memory_space<vmem>>, vector<1x16xf32>,
      %get3A_644 = vector.shape_cast %get3A_643 : vector<1x16xf32> to vector<16xf32>
      %add3A_645 = arith.addf %get3A_640, %get3A_644 : vector<16xf32>
      %swap3A_646 = arith.constant 1 : i32
      %swap3A_647 = arith.index_cast %swap3A_646 : i32 to index
      %swap3A_648 = arith.index_cast %scan3A_582 : i32 to index
      %swap3A_649 = arith.constant 48 : index
      %swap3A_650 = tpu.vector_load %arg7[%swap3A_647, %swap3A_648, %swap3A_649] {strides = array<i32>} : memref<4x200x64xf32, #tpu.memory_space<vmem>>, vector<1x1x16xf32>,
      %swap3A_651 = vector.shape_cast %swap3A_650 : vector<1x1x16xf32> to vector<16xf32>
      %swap3A_652 = vector.shape_cast %add3A_645 : vector<16xf32> to vector<1x1x16xf32>
      tpu.vector_store %arg7[%swap3A_647, %swap3A_648, %swap3A_649], %swap3A_652 {strides = array<i32>} : memref<4x200x64xf32, #tpu.memory_space<vmem>>, vector<1x1x16xf32>,
    }
    %scan3A_413 = arith.constant 200 : i32
    %add3A_414 = arith.constant 25000 : i32
    %add3A_415 = arith.addi %mul3A_2, %add3A_414 : i32
    %dma_start3A_416 = arith.constant 1 : i32
    %dma_start3A_417 = arith.constant 1 : i32
    %dma_start3A_418 = arith.constant 0 : i32
    %dma_start3A_419 = arith.constant 0 : i32
    %dma_start3A_420 = tpu.memref_slice %arg7[%dma_start3A_416, %dma_start3A_418, %dma_start3A_419] : memref<4x200x64xf32, #tpu.memory_space<vmem>> -> memref<1x200x64xf32, #tpu.memory_space<vmem>>
    %dma_start3A_421 = tpu.memref_squeeze %dma_start3A_420 : memref<1x200x64xf32, #tpu.memory_space<vmem>> -> memref<200x64xf32, #tpu.memory_space<vmem>>
    %dma_start3A_422 = arith.constant 0 : i32
    %dma_start3A_423 = tpu.memref_slice %arg5[%add3A_415, %dma_start3A_422] : memref<819200x128xf32, #tpu.memory_space<hbm>> -> memref<200x64xf32, #tpu.memory_space<hbm>>
    %dma_start3A_424 = tpu.memref_slice %arg10[%dma_start3A_417] : memref<4x!tpu.dma_semaphore, #tpu.memory_space<semaphore_mem>> -> memref<1x!tpu.dma_semaphore, #tpu.memory_space<semaphore_mem>>
    %dma_start3A_425 = tpu.memref_squeeze %dma_start3A_424 : memref<1x!tpu.dma_semaphore, #tpu.memory_space<semaphore_mem>> -> memref<!tpu.dma_semaphore, #tpu.memory_space<semaphore_mem>>
    %dma_start3A_426 = arith.constant 0 : i32
    %dma_start3A_427 = tpu.memref_slice %arg5[%add3A_415, %dma_start3A_426] : memref<819200x128xf32, #tpu.memory_space<hbm>> -> memref<200x64xf32, #tpu.memory_space<hbm>>
    %dma_start3A_428 = arith.constant 0 : i32
    %dma_start3A_429 = arith.constant 0 : i32
    %dma_start3A_430 = tpu.memref_slice %arg7[%dma_start3A_416, %dma_start3A_428, %dma_start3A_429] : memref<4x200x64xf32, #tpu.memory_space<vmem>> -> memref<1x200x64xf32, #tpu.memory_space<vmem>>
    %dma_start3A_431 = tpu.memref_squeeze %dma_start3A_430 : memref<1x200x64xf32, #tpu.memory_space<vmem>> -> memref<200x64xf32, #tpu.memory_space<vmem>>
    tpu.enqueue_dma source(%dma_start3A_431 : memref<200x64xf32, #tpu.memory_space<vmem>>) target(%dma_start3A_427 : memref<200x64xf32, #tpu.memory_space<hbm>>) target_semaphore(%dma_start3A_425 : memref<!tpu.dma_semaphore, #tpu.memory_space<semaphore_mem>>)
    %dma_wait3A_432 = arith.constant 126 : i32
    %dma_wait3A_433 = arith.constant 2 : i32
    %dma_wait3A_434 = arith.constant 2 : i32
    %dma_wait3A_435 = arith.constant 0 : i32
    %dma_wait3A_436 = arith.constant 0 : i32
    %dma_wait3A_437 = tpu.memref_slice %arg7[%dma_wait3A_433, %dma_wait3A_435, %dma_wait3A_436] : memref<4x200x64xf32, #tpu.memory_space<vmem>> -> memref<1x200x64xf32, #tpu.memory_space<vmem>>
    %dma_wait3A_438 = tpu.memref_squeeze %dma_wait3A_437 : memref<1x200x64xf32, #tpu.memory_space<vmem>> -> memref<200x64xf32, #tpu.memory_space<vmem>>
    %dma_wait3A_439 = arith.constant 0 : i32
    %dma_wait3A_440 = tpu.memref_slice %arg6[%dma_wait3A_432, %dma_wait3A_439] : memref<128x200xi32, #tpu.memory_space<vmem>> -> memref<1x200xi32, #tpu.memory_space<vmem>>
    %dma_wait3A_441 = tpu.memref_squeeze %dma_wait3A_440 : memref<1x200xi32, #tpu.memory_space<vmem>> -> memref<200xi32, #tpu.memory_space<vmem>>
    %dma_wait3A_442 = arith.constant 0 : i32
    %dma_wait3A_443 = arith.constant 0 : i32
    %dma_wait3A_444 = tpu.memref_slice %arg3[%dma_wait3A_442, %dma_wait3A_443] : memref<100000x64xf32, #tpu.memory_space<hbm>> -> memref<100000x64xf32, #tpu.memory_space<hbm>>
    %dma_wait3A_445 = tpu.memref_slice %arg9[%dma_wait3A_434] : memref<4x!tpu.dma_semaphore, #tpu.memory_space<semaphore_mem>> -> memref<1x!tpu.dma_semaphore, #tpu.memory_space<semaphore_mem>>
    %dma_wait3A_446 = tpu.memref_squeeze %dma_wait3A_445 : memref<1x!tpu.dma_semaphore, #tpu.memory_space<semaphore_mem>> -> memref<!tpu.dma_semaphore, #tpu.memory_space<semaphore_mem>>
    tpu.wait_indirect_dma semaphore(%dma_wait3A_446 : memref<!tpu.dma_semaphore, #tpu.memory_space<semaphore_mem>>) src(%dma_wait3A_444 : memref<100000x64xf32, #tpu.memory_space<hbm>>) dst(%dma_wait3A_438 : memref<200x64xf32, #tpu.memory_space<vmem>>)
    %scan3A_447 = arith.constant 0 : i32
    %scan3A_448 = arith.constant 0 : i32
    %scan3A_449 = arith.constant 200 : i32
    %scan3A_450 = arith.addi %scan3A_448, %scan3A_449 : i32
    %scan3A_451 = arith.constant 1 : i32
    scf.for %scan3A_582 = %scan3A_448 to %scan3A_450 step %scan3A_451  : i32 {
      %get3A = arith.constant 2 : i32
      %get3A_583 = arith.index_cast %get3A : i32 to index
      %get3A_584 = arith.index_cast %scan3A_582 : i32 to index
      %get3A_585 = arith.constant 0 : index
      %get3A_586 = tpu.vector_load %arg7[%get3A_583, %get3A_584, %get3A_585] {strides = array<i32>} : memref<4x200x64xf32, #tpu.memory_space<vmem>>, vector<1x1x16xf32>,
      %get3A_587 = vector.shape_cast %get3A_586 : vector<1x1x16xf32> to vector<16xf32>
      %get3A_588 = arith.index_cast %scan3A_582 : i32 to index
      %get3A_589 = arith.constant 0 : index
      %get3A_590 = tpu.vector_load %arg8[%get3A_588, %get3A_589] {strides = array<i32>} : memref<200x64xf32, #tpu.memory_space<vmem>>, vector<1x16xf32>,
      %get3A_591 = vector.shape_cast %get3A_590 : vector<1x16xf32> to vector<16xf32>
      %add3A_592 = arith.addf %get3A_587, %get3A_591 : vector<16xf32>
      %swap3A = arith.constant 2 : i32
      %swap3A_593 = arith.index_cast %swap3A : i32 to index
      %swap3A_594 = arith.index_cast %scan3A_582 : i32 to index
      %swap3A_595 = arith.constant 0 : index
      %swap3A_596 = tpu.vector_load %arg7[%swap3A_593, %swap3A_594, %swap3A_595] {strides = array<i32>} : memref<4x200x64xf32, #tpu.memory_space<vmem>>, vector<1x1x16xf32>,
      %swap3A_597 = vector.shape_cast %swap3A_596 : vector<1x1x16xf32> to vector<16xf32>
      %swap3A_598 = vector.shape_cast %add3A_592 : vector<16xf32> to vector<1x1x16xf32>
      tpu.vector_store %arg7[%swap3A_593, %swap3A_594, %swap3A_595], %swap3A_598 {strides = array<i32>} : memref<4x200x64xf32, #tpu.memory_space<vmem>>, vector<1x1x16xf32>,
      %get3A_599 = arith.constant 2 : i32
      %get3A_600 = arith.index_cast %get3A_599 : i32 to index
      %get3A_601 = arith.index_cast %scan3A_582 : i32 to index
      %get3A_602 = arith.constant 16 : index
      %get3A_603 = tpu.vector_load %arg7[%get3A_600, %get3A_601, %get3A_602] {strides = array<i32>} : memref<4x200x64xf32, #tpu.memory_space<vmem>>, vector<1x1x16xf32>,
      %get3A_604 = vector.shape_cast %get3A_603 : vector<1x1x16xf32> to vector<16xf32>
      %get3A_605 = arith.index_cast %scan3A_582 : i32 to index
      %get3A_606 = arith.constant 16 : index
      %get3A_607 = tpu.vector_load %arg8[%get3A_605, %get3A_606] {strides = array<i32>} : memref<200x64xf32, #tpu.memory_space<vmem>>, vector<1x16xf32>,
      %get3A_608 = vector.shape_cast %get3A_607 : vector<1x16xf32> to vector<16xf32>
      %add3A_609 = arith.addf %get3A_604, %get3A_608 : vector<16xf32>
      %swap3A_610 = arith.constant 2 : i32
      %swap3A_611 = arith.index_cast %swap3A_610 : i32 to index
      %swap3A_612 = arith.index_cast %scan3A_582 : i32 to index
      %swap3A_613 = arith.constant 16 : index
      %swap3A_614 = tpu.vector_load %arg7[%swap3A_611, %swap3A_612, %swap3A_613] {strides = array<i32>} : memref<4x200x64xf32, #tpu.memory_space<vmem>>, vector<1x1x16xf32>,
      %swap3A_615 = vector.shape_cast %swap3A_614 : vector<1x1x16xf32> to vector<16xf32>
      %swap3A_616 = vector.shape_cast %add3A_609 : vector<16xf32> to vector<1x1x16xf32>
      tpu.vector_store %arg7[%swap3A_611, %swap3A_612, %swap3A_613], %swap3A_616 {strides = array<i32>} : memref<4x200x64xf32, #tpu.memory_space<vmem>>, vector<1x1x16xf32>,
      %get3A_617 = arith.constant 2 : i32
      %get3A_618 = arith.index_cast %get3A_617 : i32 to index
      %get3A_619 = arith.index_cast %scan3A_582 : i32 to index
      %get3A_620 = arith.constant 32 : index
      %get3A_621 = tpu.vector_load %arg7[%get3A_618, %get3A_619, %get3A_620] {strides = array<i32>} : memref<4x200x64xf32, #tpu.memory_space<vmem>>, vector<1x1x16xf32>,
      %get3A_622 = vector.shape_cast %get3A_621 : vector<1x1x16xf32> to vector<16xf32>
      %get3A_623 = arith.index_cast %scan3A_582 : i32 to index
      %get3A_624 = arith.constant 32 : index
      %get3A_625 = tpu.vector_load %arg8[%get3A_623, %get3A_624] {strides = array<i32>} : memref<200x64xf32, #tpu.memory_space<vmem>>, vector<1x16xf32>,
      %get3A_626 = vector.shape_cast %get3A_625 : vector<1x16xf32> to vector<16xf32>
      %add3A_627 = arith.addf %get3A_622, %get3A_626 : vector<16xf32>
      %swap3A_628 = arith.constant 2 : i32
      %swap3A_629 = arith.index_cast %swap3A_628 : i32 to index
      %swap3A_630 = arith.index_cast %scan3A_582 : i32 to index
      %swap3A_631 = arith.constant 32 : index
      %swap3A_632 = tpu.vector_load %arg7[%swap3A_629, %swap3A_630, %swap3A_631] {strides = array<i32>} : memref<4x200x64xf32, #tpu.memory_space<vmem>>, vector<1x1x16xf32>,
      %swap3A_633 = vector.shape_cast %swap3A_632 : vector<1x1x16xf32> to vector<16xf32>
      %swap3A_634 = vector.shape_cast %add3A_627 : vector<16xf32> to vector<1x1x16xf32>
      tpu.vector_store %arg7[%swap3A_629, %swap3A_630, %swap3A_631], %swap3A_634 {strides = array<i32>} : memref<4x200x64xf32, #tpu.memory_space<vmem>>, vector<1x1x16xf32>,
      %get3A_635 = arith.constant 2 : i32
      %get3A_636 = arith.index_cast %get3A_635 : i32 to index
      %get3A_637 = arith.index_cast %scan3A_582 : i32 to index
      %get3A_638 = arith.constant 48 : index
      %get3A_639 = tpu.vector_load %arg7[%get3A_636, %get3A_637, %get3A_638] {strides = array<i32>} : memref<4x200x64xf32, #tpu.memory_space<vmem>>, vector<1x1x16xf32>,
      %get3A_640 = vector.shape_cast %get3A_639 : vector<1x1x16xf32> to vector<16xf32>
      %get3A_641 = arith.index_cast %scan3A_582 : i32 to index
      %get3A_642 = arith.constant 48 : index
      %get3A_643 = tpu.vector_load %arg8[%get3A_641, %get3A_642] {strides = array<i32>} : memref<200x64xf32, #tpu.memory_space<vmem>>, vector<1x16xf32>,
      %get3A_644 = vector.shape_cast %get3A_643 : vector<1x16xf32> to vector<16xf32>
      %add3A_645 = arith.addf %get3A_640, %get3A_644 : vector<16xf32>
      %swap3A_646 = arith.constant 2 : i32
      %swap3A_647 = arith.index_cast %swap3A_646 : i32 to index
      %swap3A_648 = arith.index_cast %scan3A_582 : i32 to index
      %swap3A_649 = arith.constant 48 : index
      %swap3A_650 = tpu.vector_load %arg7[%swap3A_647, %swap3A_648, %swap3A_649] {strides = array<i32>} : memref<4x200x64xf32, #tpu.memory_space<vmem>>, vector<1x1x16xf32>,
      %swap3A_651 = vector.shape_cast %swap3A_650 : vector<1x1x16xf32> to vector<16xf32>
      %swap3A_652 = vector.shape_cast %add3A_645 : vector<16xf32> to vector<1x1x16xf32>
      tpu.vector_store %arg7[%swap3A_647, %swap3A_648, %swap3A_649], %swap3A_652 {strides = array<i32>} : memref<4x200x64xf32, #tpu.memory_space<vmem>>, vector<1x1x16xf32>,
    }
    %scan3A_452 = arith.constant 200 : i32
    %add3A_453 = arith.constant 25200 : i32
    %add3A_454 = arith.addi %mul3A_2, %add3A_453 : i32
    %dma_start3A_455 = arith.constant 2 : i32
    %dma_start3A_456 = arith.constant 2 : i32
    %dma_start3A_457 = arith.constant 0 : i32
    %dma_start3A_458 = arith.constant 0 : i32
    %dma_start3A_459 = tpu.memref_slice %arg7[%dma_start3A_455, %dma_start3A_457, %dma_start3A_458] : memref<4x200x64xf32, #tpu.memory_space<vmem>> -> memref<1x200x64xf32, #tpu.memory_space<vmem>>
    %dma_start3A_460 = tpu.memref_squeeze %dma_start3A_459 : memref<1x200x64xf32, #tpu.memory_space<vmem>> -> memref<200x64xf32, #tpu.memory_space<vmem>>
    %dma_start3A_461 = arith.constant 0 : i32
    %dma_start3A_462 = tpu.memref_slice %arg5[%add3A_454, %dma_start3A_461] : memref<819200x128xf32, #tpu.memory_space<hbm>> -> memref<200x64xf32, #tpu.memory_space<hbm>>
    %dma_start3A_463 = tpu.memref_slice %arg10[%dma_start3A_456] : memref<4x!tpu.dma_semaphore, #tpu.memory_space<semaphore_mem>> -> memref<1x!tpu.dma_semaphore, #tpu.memory_space<semaphore_mem>>
    %dma_start3A_464 = tpu.memref_squeeze %dma_start3A_463 : memref<1x!tpu.dma_semaphore, #tpu.memory_space<semaphore_mem>> -> memref<!tpu.dma_semaphore, #tpu.memory_space<semaphore_mem>>
    %dma_start3A_465 = arith.constant 0 : i32
    %dma_start3A_466 = tpu.memref_slice %arg5[%add3A_454, %dma_start3A_465] : memref<819200x128xf32, #tpu.memory_space<hbm>> -> memref<200x64xf32, #tpu.memory_space<hbm>>
    %dma_start3A_467 = arith.constant 0 : i32
    %dma_start3A_468 = arith.constant 0 : i32
    %dma_start3A_469 = tpu.memref_slice %arg7[%dma_start3A_455, %dma_start3A_467, %dma_start3A_468] : memref<4x200x64xf32, #tpu.memory_space<vmem>> -> memref<1x200x64xf32, #tpu.memory_space<vmem>>
    %dma_start3A_470 = tpu.memref_squeeze %dma_start3A_469 : memref<1x200x64xf32, #tpu.memory_space<vmem>> -> memref<200x64xf32, #tpu.memory_space<vmem>>
    tpu.enqueue_dma source(%dma_start3A_470 : memref<200x64xf32, #tpu.memory_space<vmem>>) target(%dma_start3A_466 : memref<200x64xf32, #tpu.memory_space<hbm>>) target_semaphore(%dma_start3A_464 : memref<!tpu.dma_semaphore, #tpu.memory_space<semaphore_mem>>)
    %dma_wait3A_471 = arith.constant 127 : i32
    %dma_wait3A_472 = arith.constant 3 : i32
    %dma_wait3A_473 = arith.constant 3 : i32
    %dma_wait3A_474 = arith.constant 0 : i32
    %dma_wait3A_475 = arith.constant 0 : i32
    %dma_wait3A_476 = tpu.memref_slice %arg7[%dma_wait3A_472, %dma_wait3A_474, %dma_wait3A_475] : memref<4x200x64xf32, #tpu.memory_space<vmem>> -> memref<1x200x64xf32, #tpu.memory_space<vmem>>
    %dma_wait3A_477 = tpu.memref_squeeze %dma_wait3A_476 : memref<1x200x64xf32, #tpu.memory_space<vmem>> -> memref<200x64xf32, #tpu.memory_space<vmem>>
    %dma_wait3A_478 = arith.constant 0 : i32
    %dma_wait3A_479 = tpu.memref_slice %arg6[%dma_wait3A_471, %dma_wait3A_478] : memref<128x200xi32, #tpu.memory_space<vmem>> -> memref<1x200xi32, #tpu.memory_space<vmem>>
    %dma_wait3A_480 = tpu.memref_squeeze %dma_wait3A_479 : memref<1x200xi32, #tpu.memory_space<vmem>> -> memref<200xi32, #tpu.memory_space<vmem>>
    %dma_wait3A_481 = arith.constant 0 : i32
    %dma_wait3A_482 = arith.constant 0 : i32
    %dma_wait3A_483 = tpu.memref_slice %arg3[%dma_wait3A_481, %dma_wait3A_482] : memref<100000x64xf32, #tpu.memory_space<hbm>> -> memref<100000x64xf32, #tpu.memory_space<hbm>>
    %dma_wait3A_484 = tpu.memref_slice %arg9[%dma_wait3A_473] : memref<4x!tpu.dma_semaphore, #tpu.memory_space<semaphore_mem>> -> memref<1x!tpu.dma_semaphore, #tpu.memory_space<semaphore_mem>>
    %dma_wait3A_485 = tpu.memref_squeeze %dma_wait3A_484 : memref<1x!tpu.dma_semaphore, #tpu.memory_space<semaphore_mem>> -> memref<!tpu.dma_semaphore, #tpu.memory_space<semaphore_mem>>
    tpu.wait_indirect_dma semaphore(%dma_wait3A_485 : memref<!tpu.dma_semaphore, #tpu.memory_space<semaphore_mem>>) src(%dma_wait3A_483 : memref<100000x64xf32, #tpu.memory_space<hbm>>) dst(%dma_wait3A_477 : memref<200x64xf32, #tpu.memory_space<vmem>>)
    %scan3A_486 = arith.constant 0 : i32
    %scan3A_487 = arith.constant 0 : i32
    %scan3A_488 = arith.constant 200 : i32
    %scan3A_489 = arith.addi %scan3A_487, %scan3A_488 : i32
    %scan3A_490 = arith.constant 1 : i32
    scf.for %scan3A_582 = %scan3A_487 to %scan3A_489 step %scan3A_490  : i32 {
      %get3A = arith.constant 3 : i32
      %get3A_583 = arith.index_cast %get3A : i32 to index
      %get3A_584 = arith.index_cast %scan3A_582 : i32 to index
      %get3A_585 = arith.constant 0 : index
      %get3A_586 = tpu.vector_load %arg7[%get3A_583, %get3A_584, %get3A_585] {strides = array<i32>} : memref<4x200x64xf32, #tpu.memory_space<vmem>>, vector<1x1x16xf32>,
      %get3A_587 = vector.shape_cast %get3A_586 : vector<1x1x16xf32> to vector<16xf32>
      %get3A_588 = arith.index_cast %scan3A_582 : i32 to index
      %get3A_589 = arith.constant 0 : index
      %get3A_590 = tpu.vector_load %arg8[%get3A_588, %get3A_589] {strides = array<i32>} : memref<200x64xf32, #tpu.memory_space<vmem>>, vector<1x16xf32>,
      %get3A_591 = vector.shape_cast %get3A_590 : vector<1x16xf32> to vector<16xf32>
      %add3A_592 = arith.addf %get3A_587, %get3A_591 : vector<16xf32>
      %swap3A = arith.constant 3 : i32
      %swap3A_593 = arith.index_cast %swap3A : i32 to index
      %swap3A_594 = arith.index_cast %scan3A_582 : i32 to index
      %swap3A_595 = arith.constant 0 : index
      %swap3A_596 = tpu.vector_load %arg7[%swap3A_593, %swap3A_594, %swap3A_595] {strides = array<i32>} : memref<4x200x64xf32, #tpu.memory_space<vmem>>, vector<1x1x16xf32>,
      %swap3A_597 = vector.shape_cast %swap3A_596 : vector<1x1x16xf32> to vector<16xf32>
      %swap3A_598 = vector.shape_cast %add3A_592 : vector<16xf32> to vector<1x1x16xf32>
      tpu.vector_store %arg7[%swap3A_593, %swap3A_594, %swap3A_595], %swap3A_598 {strides = array<i32>} : memref<4x200x64xf32, #tpu.memory_space<vmem>>, vector<1x1x16xf32>,
      %get3A_599 = arith.constant 3 : i32
      %get3A_600 = arith.index_cast %get3A_599 : i32 to index
      %get3A_601 = arith.index_cast %scan3A_582 : i32 to index
      %get3A_602 = arith.constant 16 : index
      %get3A_603 = tpu.vector_load %arg7[%get3A_600, %get3A_601, %get3A_602] {strides = array<i32>} : memref<4x200x64xf32, #tpu.memory_space<vmem>>, vector<1x1x16xf32>,
      %get3A_604 = vector.shape_cast %get3A_603 : vector<1x1x16xf32> to vector<16xf32>
      %get3A_605 = arith.index_cast %scan3A_582 : i32 to index
      %get3A_606 = arith.constant 16 : index
      %get3A_607 = tpu.vector_load %arg8[%get3A_605, %get3A_606] {strides = array<i32>} : memref<200x64xf32, #tpu.memory_space<vmem>>, vector<1x16xf32>,
      %get3A_608 = vector.shape_cast %get3A_607 : vector<1x16xf32> to vector<16xf32>
      %add3A_609 = arith.addf %get3A_604, %get3A_608 : vector<16xf32>
      %swap3A_610 = arith.constant 3 : i32
      %swap3A_611 = arith.index_cast %swap3A_610 : i32 to index
      %swap3A_612 = arith.index_cast %scan3A_582 : i32 to index
      %swap3A_613 = arith.constant 16 : index
      %swap3A_614 = tpu.vector_load %arg7[%swap3A_611, %swap3A_612, %swap3A_613] {strides = array<i32>} : memref<4x200x64xf32, #tpu.memory_space<vmem>>, vector<1x1x16xf32>,
      %swap3A_615 = vector.shape_cast %swap3A_614 : vector<1x1x16xf32> to vector<16xf32>
      %swap3A_616 = vector.shape_cast %add3A_609 : vector<16xf32> to vector<1x1x16xf32>
      tpu.vector_store %arg7[%swap3A_611, %swap3A_612, %swap3A_613], %swap3A_616 {strides = array<i32>} : memref<4x200x64xf32, #tpu.memory_space<vmem>>, vector<1x1x16xf32>,
      %get3A_617 = arith.constant 3 : i32
      %get3A_618 = arith.index_cast %get3A_617 : i32 to index
      %get3A_619 = arith.index_cast %scan3A_582 : i32 to index
      %get3A_620 = arith.constant 32 : index
      %get3A_621 = tpu.vector_load %arg7[%get3A_618, %get3A_619, %get3A_620] {strides = array<i32>} : memref<4x200x64xf32, #tpu.memory_space<vmem>>, vector<1x1x16xf32>,
      %get3A_622 = vector.shape_cast %get3A_621 : vector<1x1x16xf32> to vector<16xf32>
      %get3A_623 = arith.index_cast %scan3A_582 : i32 to index
      %get3A_624 = arith.constant 32 : index
      %get3A_625 = tpu.vector_load %arg8[%get3A_623, %get3A_624] {strides = array<i32>} : memref<200x64xf32, #tpu.memory_space<vmem>>, vector<1x16xf32>,
      %get3A_626 = vector.shape_cast %get3A_625 : vector<1x16xf32> to vector<16xf32>
      %add3A_627 = arith.addf %get3A_622, %get3A_626 : vector<16xf32>
      %swap3A_628 = arith.constant 3 : i32
      %swap3A_629 = arith.index_cast %swap3A_628 : i32 to index
      %swap3A_630 = arith.index_cast %scan3A_582 : i32 to index
      %swap3A_631 = arith.constant 32 : index
      %swap3A_632 = tpu.vector_load %arg7[%swap3A_629, %swap3A_630, %swap3A_631] {strides = array<i32>} : memref<4x200x64xf32, #tpu.memory_space<vmem>>, vector<1x1x16xf32>,
      %swap3A_633 = vector.shape_cast %swap3A_632 : vector<1x1x16xf32> to vector<16xf32>
      %swap3A_634 = vector.shape_cast %add3A_627 : vector<16xf32> to vector<1x1x16xf32>
      tpu.vector_store %arg7[%swap3A_629, %swap3A_630, %swap3A_631], %swap3A_634 {strides = array<i32>} : memref<4x200x64xf32, #tpu.memory_space<vmem>>, vector<1x1x16xf32>,
      %get3A_635 = arith.constant 3 : i32
      %get3A_636 = arith.index_cast %get3A_635 : i32 to index
      %get3A_637 = arith.index_cast %scan3A_582 : i32 to index
      %get3A_638 = arith.constant 48 : index
      %get3A_639 = tpu.vector_load %arg7[%get3A_636, %get3A_637, %get3A_638] {strides = array<i32>} : memref<4x200x64xf32, #tpu.memory_space<vmem>>, vector<1x1x16xf32>,
      %get3A_640 = vector.shape_cast %get3A_639 : vector<1x1x16xf32> to vector<16xf32>
      %get3A_641 = arith.index_cast %scan3A_582 : i32 to index
      %get3A_642 = arith.constant 48 : index
      %get3A_643 = tpu.vector_load %arg8[%get3A_641, %get3A_642] {strides = array<i32>} : memref<200x64xf32, #tpu.memory_space<vmem>>, vector<1x16xf32>,
      %get3A_644 = vector.shape_cast %get3A_643 : vector<1x16xf32> to vector<16xf32>
      %add3A_645 = arith.addf %get3A_640, %get3A_644 : vector<16xf32>
      %swap3A_646 = arith.constant 3 : i32
      %swap3A_647 = arith.index_cast %swap3A_646 : i32 to index
      %swap3A_648 = arith.index_cast %scan3A_582 : i32 to index
      %swap3A_649 = arith.constant 48 : index
      %swap3A_650 = tpu.vector_load %arg7[%swap3A_647, %swap3A_648, %swap3A_649] {strides = array<i32>} : memref<4x200x64xf32, #tpu.memory_space<vmem>>, vector<1x1x16xf32>,
      %swap3A_651 = vector.shape_cast %swap3A_650 : vector<1x1x16xf32> to vector<16xf32>
      %swap3A_652 = vector.shape_cast %add3A_645 : vector<16xf32> to vector<1x1x16xf32>
      tpu.vector_store %arg7[%swap3A_647, %swap3A_648, %swap3A_649], %swap3A_652 {strides = array<i32>} : memref<4x200x64xf32, #tpu.memory_space<vmem>>, vector<1x1x16xf32>,
    }
    %scan3A_491 = arith.constant 200 : i32
    %add3A_492 = arith.constant 25400 : i32
    %add3A_493 = arith.addi %mul3A_2, %add3A_492 : i32
    %dma_start3A_494 = arith.constant 3 : i32
    %dma_start3A_495 = arith.constant 3 : i32
    %dma_start3A_496 = arith.constant 0 : i32
    %dma_start3A_497 = arith.constant 0 : i32
    %dma_start3A_498 = tpu.memref_slice %arg7[%dma_start3A_494, %dma_start3A_496, %dma_start3A_497] : memref<4x200x64xf32, #tpu.memory_space<vmem>> -> memref<1x200x64xf32, #tpu.memory_space<vmem>>
    %dma_start3A_499 = tpu.memref_squeeze %dma_start3A_498 : memref<1x200x64xf32, #tpu.memory_space<vmem>> -> memref<200x64xf32, #tpu.memory_space<vmem>>
    %dma_start3A_500 = arith.constant 0 : i32
    %dma_start3A_501 = tpu.memref_slice %arg5[%add3A_493, %dma_start3A_500] : memref<819200x128xf32, #tpu.memory_space<hbm>> -> memref<200x64xf32, #tpu.memory_space<hbm>>
    %dma_start3A_502 = tpu.memref_slice %arg10[%dma_start3A_495] : memref<4x!tpu.dma_semaphore, #tpu.memory_space<semaphore_mem>> -> memref<1x!tpu.dma_semaphore, #tpu.memory_space<semaphore_mem>>
    %dma_start3A_503 = tpu.memref_squeeze %dma_start3A_502 : memref<1x!tpu.dma_semaphore, #tpu.memory_space<semaphore_mem>> -> memref<!tpu.dma_semaphore, #tpu.memory_space<semaphore_mem>>
    %dma_start3A_504 = arith.constant 0 : i32
    %dma_start3A_505 = tpu.memref_slice %arg5[%add3A_493, %dma_start3A_504] : memref<819200x128xf32, #tpu.memory_space<hbm>> -> memref<200x64xf32, #tpu.memory_space<hbm>>
    %dma_start3A_506 = arith.constant 0 : i32
    %dma_start3A_507 = arith.constant 0 : i32
    %dma_start3A_508 = tpu.memref_slice %arg7[%dma_start3A_494, %dma_start3A_506, %dma_start3A_507] : memref<4x200x64xf32, #tpu.memory_space<vmem>> -> memref<1x200x64xf32, #tpu.memory_space<vmem>>
    %dma_start3A_509 = tpu.memref_squeeze %dma_start3A_508 : memref<1x200x64xf32, #tpu.memory_space<vmem>> -> memref<200x64xf32, #tpu.memory_space<vmem>>
    tpu.enqueue_dma source(%dma_start3A_509 : memref<200x64xf32, #tpu.memory_space<vmem>>) target(%dma_start3A_505 : memref<200x64xf32, #tpu.memory_space<hbm>>) target_semaphore(%dma_start3A_503 : memref<!tpu.dma_semaphore, #tpu.memory_space<semaphore_mem>>)
    %add3A_510 = arith.constant 24800 : i32
    %add3A_511 = arith.addi %mul3A_2, %add3A_510 : i32
    %dma_wait3A_512 = arith.constant 0 : i32
    %dma_wait3A_513 = arith.constant 0 : i32
    %dma_wait3A_514 = arith.constant 0 : i32
    %dma_wait3A_515 = arith.constant 0 : i32
    %dma_wait3A_516 = tpu.memref_slice %arg7[%dma_wait3A_512, %dma_wait3A_514, %dma_wait3A_515] : memref<4x200x64xf32, #tpu.memory_space<vmem>> -> memref<1x200x64xf32, #tpu.memory_space<vmem>>
    %dma_wait3A_517 = tpu.memref_squeeze %dma_wait3A_516 : memref<1x200x64xf32, #tpu.memory_space<vmem>> -> memref<200x64xf32, #tpu.memory_space<vmem>>
    %dma_wait3A_518 = arith.constant 0 : i32
    %dma_wait3A_519 = tpu.memref_slice %arg5[%add3A_511, %dma_wait3A_518] : memref<819200x128xf32, #tpu.memory_space<hbm>> -> memref<200x64xf32, #tpu.memory_space<hbm>>
    %dma_wait3A_520 = tpu.memref_slice %arg10[%dma_wait3A_513] : memref<4x!tpu.dma_semaphore, #tpu.memory_space<semaphore_mem>> -> memref<1x!tpu.dma_semaphore, #tpu.memory_space<semaphore_mem>>
    %dma_wait3A_521 = tpu.memref_squeeze %dma_wait3A_520 : memref<1x!tpu.dma_semaphore, #tpu.memory_space<semaphore_mem>> -> memref<!tpu.dma_semaphore, #tpu.memory_space<semaphore_mem>>
    %dma_wait3A_522 = arith.constant 0 : i32
    %dma_wait3A_523 = tpu.memref_slice %arg5[%add3A_511, %dma_wait3A_522] : memref<819200x128xf32, #tpu.memory_space<hbm>> -> memref<200x64xf32, #tpu.memory_space<hbm>>
    %dma_wait3A_524 = arith.constant 0 : i32
    %dma_wait3A_525 = arith.constant 0 : i32
    %dma_wait3A_526 = tpu.memref_slice %arg7[%dma_wait3A_512, %dma_wait3A_524, %dma_wait3A_525] : memref<4x200x64xf32, #tpu.memory_space<vmem>> -> memref<1x200x64xf32, #tpu.memory_space<vmem>>
    %dma_wait3A_527 = tpu.memref_squeeze %dma_wait3A_526 : memref<1x200x64xf32, #tpu.memory_space<vmem>> -> memref<200x64xf32, #tpu.memory_space<vmem>>
    tpu.wait_dma2 semaphore(%dma_wait3A_521 : memref<!tpu.dma_semaphore, #tpu.memory_space<semaphore_mem>>) src(%dma_wait3A_527 : memref<200x64xf32, #tpu.memory_space<vmem>>) dst(%dma_wait3A_523 : memref<200x64xf32, #tpu.memory_space<hbm>>)
    %add3A_528 = arith.constant 25000 : i32
    %add3A_529 = arith.addi %mul3A_2, %add3A_528 : i32
    %dma_wait3A_530 = arith.constant 1 : i32
    %dma_wait3A_531 = arith.constant 1 : i32
    %dma_wait3A_532 = arith.constant 0 : i32
    %dma_wait3A_533 = arith.constant 0 : i32
    %dma_wait3A_534 = tpu.memref_slice %arg7[%dma_wait3A_530, %dma_wait3A_532, %dma_wait3A_533] : memref<4x200x64xf32, #tpu.memory_space<vmem>> -> memref<1x200x64xf32, #tpu.memory_space<vmem>>
    %dma_wait3A_535 = tpu.memref_squeeze %dma_wait3A_534 : memref<1x200x64xf32, #tpu.memory_space<vmem>> -> memref<200x64xf32, #tpu.memory_space<vmem>>
    %dma_wait3A_536 = arith.constant 0 : i32
    %dma_wait3A_537 = tpu.memref_slice %arg5[%add3A_529, %dma_wait3A_536] : memref<819200x128xf32, #tpu.memory_space<hbm>> -> memref<200x64xf32, #tpu.memory_space<hbm>>
    %dma_wait3A_538 = tpu.memref_slice %arg10[%dma_wait3A_531] : memref<4x!tpu.dma_semaphore, #tpu.memory_space<semaphore_mem>> -> memref<1x!tpu.dma_semaphore, #tpu.memory_space<semaphore_mem>>
    %dma_wait3A_539 = tpu.memref_squeeze %dma_wait3A_538 : memref<1x!tpu.dma_semaphore, #tpu.memory_space<semaphore_mem>> -> memref<!tpu.dma_semaphore, #tpu.memory_space<semaphore_mem>>
    %dma_wait3A_540 = arith.constant 0 : i32
    %dma_wait3A_541 = tpu.memref_slice %arg5[%add3A_529, %dma_wait3A_540] : memref<819200x128xf32, #tpu.memory_space<hbm>> -> memref<200x64xf32, #tpu.memory_space<hbm>>
    %dma_wait3A_542 = arith.constant 0 : i32
    %dma_wait3A_543 = arith.constant 0 : i32
    %dma_wait3A_544 = tpu.memref_slice %arg7[%dma_wait3A_530, %dma_wait3A_542, %dma_wait3A_543] : memref<4x200x64xf32, #tpu.memory_space<vmem>> -> memref<1x200x64xf32, #tpu.memory_space<vmem>>
    %dma_wait3A_545 = tpu.memref_squeeze %dma_wait3A_544 : memref<1x200x64xf32, #tpu.memory_space<vmem>> -> memref<200x64xf32, #tpu.memory_space<vmem>>
    tpu.wait_dma2 semaphore(%dma_wait3A_539 : memref<!tpu.dma_semaphore, #tpu.memory_space<semaphore_mem>>) src(%dma_wait3A_545 : memref<200x64xf32, #tpu.memory_space<vmem>>) dst(%dma_wait3A_541 : memref<200x64xf32, #tpu.memory_space<hbm>>)
    %add3A_546 = arith.constant 25200 : i32
    %add3A_547 = arith.addi %mul3A_2, %add3A_546 : i32
    %dma_wait3A_548 = arith.constant 2 : i32
    %dma_wait3A_549 = arith.constant 2 : i32
    %dma_wait3A_550 = arith.constant 0 : i32
    %dma_wait3A_551 = arith.constant 0 : i32
    %dma_wait3A_552 = tpu.memref_slice %arg7[%dma_wait3A_548, %dma_wait3A_550, %dma_wait3A_551] : memref<4x200x64xf32, #tpu.memory_space<vmem>> -> memref<1x200x64xf32, #tpu.memory_space<vmem>>
    %dma_wait3A_553 = tpu.memref_squeeze %dma_wait3A_552 : memref<1x200x64xf32, #tpu.memory_space<vmem>> -> memref<200x64xf32, #tpu.memory_space<vmem>>
    %dma_wait3A_554 = arith.constant 0 : i32
    %dma_wait3A_555 = tpu.memref_slice %arg5[%add3A_547, %dma_wait3A_554] : memref<819200x128xf32, #tpu.memory_space<hbm>> -> memref<200x64xf32, #tpu.memory_space<hbm>>
    %dma_wait3A_556 = tpu.memref_slice %arg10[%dma_wait3A_549] : memref<4x!tpu.dma_semaphore, #tpu.memory_space<semaphore_mem>> -> memref<1x!tpu.dma_semaphore, #tpu.memory_space<semaphore_mem>>
    %dma_wait3A_557 = tpu.memref_squeeze %dma_wait3A_556 : memref<1x!tpu.dma_semaphore, #tpu.memory_space<semaphore_mem>> -> memref<!tpu.dma_semaphore, #tpu.memory_space<semaphore_mem>>
    %dma_wait3A_558 = arith.constant 0 : i32
    %dma_wait3A_559 = tpu.memref_slice %arg5[%add3A_547, %dma_wait3A_558] : memref<819200x128xf32, #tpu.memory_space<hbm>> -> memref<200x64xf32, #tpu.memory_space<hbm>>
    %dma_wait3A_560 = arith.constant 0 : i32
    %dma_wait3A_561 = arith.constant 0 : i32
    %dma_wait3A_562 = tpu.memref_slice %arg7[%dma_wait3A_548, %dma_wait3A_560, %dma_wait3A_561] : memref<4x200x64xf32, #tpu.memory_space<vmem>> -> memref<1x200x64xf32, #tpu.memory_space<vmem>>
    %dma_wait3A_563 = tpu.memref_squeeze %dma_wait3A_562 : memref<1x200x64xf32, #tpu.memory_space<vmem>> -> memref<200x64xf32, #tpu.memory_space<vmem>>
    tpu.wait_dma2 semaphore(%dma_wait3A_557 : memref<!tpu.dma_semaphore, #tpu.memory_space<semaphore_mem>>) src(%dma_wait3A_563 : memref<200x64xf32, #tpu.memory_space<vmem>>) dst(%dma_wait3A_559 : memref<200x64xf32, #tpu.memory_space<hbm>>)
    %add3A_564 = arith.constant 25400 : i32
    %add3A_565 = arith.addi %mul3A_2, %add3A_564 : i32
    %dma_wait3A_566 = arith.constant 3 : i32
    %dma_wait3A_567 = arith.constant 3 : i32
    %dma_wait3A_568 = arith.constant 0 : i32
    %dma_wait3A_569 = arith.constant 0 : i32
    %dma_wait3A_570 = tpu.memref_slice %arg7[%dma_wait3A_566, %dma_wait3A_568, %dma_wait3A_569] : memref<4x200x64xf32, #tpu.memory_space<vmem>> -> memref<1x200x64xf32, #tpu.memory_space<vmem>>
    %dma_wait3A_571 = tpu.memref_squeeze %dma_wait3A_570 : memref<1x200x64xf32, #tpu.memory_space<vmem>> -> memref<200x64xf32, #tpu.memory_space<vmem>>
    %dma_wait3A_572 = arith.constant 0 : i32
    %dma_wait3A_573 = tpu.memref_slice %arg5[%add3A_565, %dma_wait3A_572] : memref<819200x128xf32, #tpu.memory_space<hbm>> -> memref<200x64xf32, #tpu.memory_space<hbm>>
    %dma_wait3A_574 = tpu.memref_slice %arg10[%dma_wait3A_567] : memref<4x!tpu.dma_semaphore, #tpu.memory_space<semaphore_mem>> -> memref<1x!tpu.dma_semaphore, #tpu.memory_space<semaphore_mem>>
    %dma_wait3A_575 = tpu.memref_squeeze %dma_wait3A_574 : memref<1x!tpu.dma_semaphore, #tpu.memory_space<semaphore_mem>> -> memref<!tpu.dma_semaphore, #tpu.memory_space<semaphore_mem>>
    %dma_wait3A_576 = arith.constant 0 : i32
    %dma_wait3A_577 = tpu.memref_slice %arg5[%add3A_565, %dma_wait3A_576] : memref<819200x128xf32, #tpu.memory_space<hbm>> -> memref<200x64xf32, #tpu.memory_space<hbm>>
    %dma_wait3A_578 = arith.constant 0 : i32
    %dma_wait3A_579 = arith.constant 0 : i32
    %dma_wait3A_580 = tpu.memref_slice %arg7[%dma_wait3A_566, %dma_wait3A_578, %dma_wait3A_579] : memref<4x200x64xf32, #tpu.memory_space<vmem>> -> memref<1x200x64xf32, #tpu.memory_space<vmem>>
    %dma_wait3A_581 = tpu.memref_squeeze %dma_wait3A_580 : memref<1x200x64xf32, #tpu.memory_space<vmem>> -> memref<200x64xf32, #tpu.memory_space<vmem>>
    tpu.wait_dma2 semaphore(%dma_wait3A_575 : memref<!tpu.dma_semaphore, #tpu.memory_space<semaphore_mem>>) src(%dma_wait3A_581 : memref<200x64xf32, #tpu.memory_space<vmem>>) dst(%dma_wait3A_577 : memref<200x64xf32, #tpu.memory_space<hbm>>)
    return
  }
}

</mosaic_0001>

<sc_bundles>
// kernel: kernel.3.cloned.1.call-start
scs
__scs_entry_jumppad:
0x0: {  	(pc) =	sbr.rel $0x88, $3  }
0x1: {  	(tag) =	ssettag $0x0;
	lr =	simm.s32 $0x1  }
0x2: {  	[smem:$0x3F9F] =	sst lr;
	_ =	strace $0xD0000000  }
0x3: {  	_ = 	snop  }
0x4: {  	_ = 	snop  }
0x5: {  	_ = 	snop  }
0x6: {  	_ = 	snop  }
0x7: {  	_ = 	snop  }
__scs_overlays_trampoline_lowered:
0x8: {  	[smem:$0x3FAE] =	sst s0  }
0x9: {  	[smem:$0x3FAF] =	sst s1  }
0xa: {  	[smem:$0x3FB0] =	sst s2  }
0xb: {  	[smem:$0x3FB1] =	sst s3  }
0xc: {  	[smem:$0x3FB2] =	sst s4  }
0xd: {  	[smem:$0x3FB3] =	sst s5  }
0xe: {  	[smem:$0x3FB4] =	sst s6  }
0xf: {  	[smem:$0x3FB5] =	sst s7  }
0x10: {  	[smem:$0x3FB6] =	sst s8  }
0x11: {  	[smem:$0x3FB7] =	sst s9;
	s0 =	simm.s32 @!p0 $0x0  }
0x12: {  	s1 =	sld [smem:$0x3F9D];
	s0 =	simm.s32 @p0 $0x1  }
0x13: {  	[smem:$0x3FB8] =	sst s0;
	s0 =	simm.s32 @!p1 $0x0  }
0x14: {  	s2 =	sld [smem:$0x3F9C];
	s0 =	simm.s32 @p1 $0x1  }
0x15: {  	[smem:$0x3FB9] =	sst s0;
	s0 =	simm.s32 @!p2 $0x0  }
0x16: {  	s3 =	sld [smem:$0x3FDB];
	s0 =	simm.s32 @p2 $0x1  }
0x17: {  	s4 =	simm.s32 $0x1BF5;
	[smem:$0x3FBB] =	sst s0  }
0x18: {  	s0 =	sld [smem:$0x3F9E];
	_ =	swait.ge [sflag:s4], $0x0  }
0x19: {  	s7 =	sld [smem:$0x3F9F]  }
0x1a: {  	s8 =	sadd.s32 $0xFFFFE003, lr  }
0x1b: {  	s9 =	sadd.s32 $0xFFFFFEF7, lr;
	s5 =	simm.s32 $0xFFFFFFFF;
	p2 =	slt.u32 s8, $0xFFFFF086  }
0x1c: {  	p1 =	slt.u32 s9, $0xF7A;
	s5 =	simm.s32 @!p2 $0x0  }
0x1d: {  	s5 =	simm.s32 @p1 $0x1;
	p0 =	seq.s32 s7, s2  }
0x1e: {  	s7 =	smul.u32 @!p0 $0xF7A, s2;
	p2 =	seq.s32 @!p0 s5, $0x0  }
0x1f: {  	s9 =	smul.u32 $0xF7A, s1;
	s8 =	simm.s32 @!p0 $0x1BF5;
	p2 =	por !p2, p0  }
0x20: {  	[sflag:s8] =	ssyncset.s32 @!p0 $0xFFFFF086;
	s6 =	sadd.s32 @!p0 s3, s7;
	s7 =	simm.s32 @!p0 $0x108  }
0x21: {  	s3 =	sadd.s32 s3, s9;
	s6 =	sadd.s32 @!p0 $0x88, s6;
	s7 =	simm.s32 @p2 $0x1082  }
0x22: {  	[simem:s7], [sflag:s8] =	dma.local @!p0 [hbm:s6], $0xF7A  }
0x23: {  	s9 =	sor.u32 $0xD0000000, s2;
	s6 =	simm.s32 $0x108;
	_ =	swait.ge @!p0 [sflag:s8], $0x0  }
0x24: {  	s3 =	sadd.s32 $0x88, s3;
	s6 =	simm.s32 @!p1 $0x1082;
	[sflag:s4] =	ssyncset.s32 $0xFFFFF086  }
0x25: {  	[simem:s6], [sflag:s4] =	dma.local [hbm:s3], $0xF7A  }
0x26: {  	[smem:$0x3F9F] =	sst s1;
	(tag) =	ssettag s2;
	_ =	strace s9  }
0x27: {  	s1 =	sld [smem:$0x3FAF]  }
0x28: {  	s2 =	sld [smem:$0x3FB0]  }
0x29: {  	s4 =	sld [smem:$0x3FB2]  }
0x2a: {  	p0 =	seq.s32 s5, $0x0;
	s5 =	sld [smem:$0x3FB3]  }
0x2b: {  	s6 =	sld [smem:$0x3FB4]  }
0x2c: {  	s7 =	sld [smem:$0x3FB5]  }
0x2d: {  	s3 =	simm.s32 $0x108;
	s8 =	sld [smem:$0x3FB6]  }
0x2e: {  	s3 =	simm.s32 @!p0 $0x1082;
	s9 =	sld [smem:$0x3FB7]  }
0x2f: {  	lr =	sadd.s32 s0, s3;
	s0 =	sld [smem:$0x3FAE]  }
0x30: {  	s3 =	sld [smem:$0x3FB1]  }
0x31: {  	[smem:$0x3FBA] =	sst s10  }
0x32: {  	s10 =	sld [smem:$0x3FB8];
	_ =	sdelay $0x3  }
0x33: {  	p0 =	seq.s32 s10, $0x1;
	s10 =	sld [smem:$0x3FBA];
	_ =	sdelay $0x3  }
0x34: {  	[smem:$0x3FBA] =	sst s10  }
0x35: {  	s10 =	sld [smem:$0x3FB9];
	_ =	sdelay $0x3  }
0x36: {  	p1 =	seq.s32 s10, $0x1;
	s10 =	sld [smem:$0x3FBA];
	_ =	sdelay $0x3  }
0x37: {  	[smem:$0x3FBA] =	sst s10  }
0x38: {  	s10 =	sld [smem:$0x3FBB]  }
0x39: {  	_ = 	snop;
	(pc) =	sbr.ind lr, $3  }
0x3a: {  	_ = 	snop  }
0x3b: {  	_ = 	snop  }
0x3c: {  	p2 =	seq.s32 s10, $0x1;
	s10 =	sld [smem:$0x3FBA]  }
0x3d: {  	_ =	shalt  }
0x3e: {  	_ =	shalt  }
0x3f: {  	_ =	shalt  }
0x40: {  	_ =	shalt  }
0x41: {  	_ =	shalt  }
0x42: {  	_ =	shalt  }
0x43: {  	_ =	shalt  }
0x44: {  	_ =	shalt  }
0x45: {  	_ =	shalt  }
0x46: {  	_ =	shalt  }
0x47: {  	_ =	shalt  }
0x48: {  	_ =	shalt  }
0x49: {  	_ =	shalt  }
0x4a: {  	_ =	shalt  }
0x4b: {  	_ =	shalt  }
0x4c: {  	_ =	shalt  }
0x4d: {  	_ =	shalt  }
0x4e: {  	_ =	shalt  }
0x4f: {  	_ =	shalt  }
0x50: {  	_ =	shalt  }
0x51: {  	_ =	shalt  }
0x52: {  	_ =	shalt  }
0x53: {  	_ =	shalt  }
0x54: {  	_ =	shalt  }
0x55: {  	_ =	shalt  }
0x56: {  	_ =	shalt  }
0x57: {  	_ =	shalt  }
0x58: {  	_ =	shalt  }
0x59: {  	_ =	shalt  }
0x5a: {  	_ =	shalt  }
0x5b: {  	_ =	shalt  }
0x5c: {  	_ =	shalt  }
0x5d: {  	_ =	shalt  }
0x5e: {  	_ =	shalt  }
0x5f: {  	_ =	shalt  }
0x60: {  	_ =	shalt  }
0x61: {  	_ =	shalt  }
0x62: {  	_ =	shalt  }
0x63: {  	_ =	shalt  }
0x64: {  	_ =	shalt  }
0x65: {  	_ =	shalt  }
0x66: {  	_ =	shalt  }
0x67: {  	_ =	shalt  }
0x68: {  	_ =	shalt  }
0x69: {  	_ =	shalt  }
0x6a: {  	_ =	shalt  }
0x6b: {  	_ =	shalt  }
0x6c: {  	_ =	shalt  }
0x6d: {  	_ =	shalt  }
0x6e: {  	_ =	shalt  }
0x6f: {  	_ =	shalt  }
0x70: {  	_ =	shalt  }
0x71: {  	_ =	shalt  }
0x72: {  	_ =	shalt  }
0x73: {  	_ =	shalt  }
0x74: {  	_ =	shalt  }
0x75: {  	_ =	shalt  }
0x76: {  	_ =	shalt  }
0x77: {  	_ =	shalt  }
0x78: {  	_ =	shalt  }
0x79: {  	_ =	shalt  }
0x7a: {  	_ =	shalt  }
0x7b: {  	_ =	shalt  }
0x7c: {  	_ =	shalt  }
0x7d: {  	_ =	shalt  }
0x7e: {  	_ =	shalt  }
0x7f: {  	_ =	shalt  }
0x80: {  	_ =	shalt  }
0x81: {  	_ =	shalt  }
0x82: {  	_ =	shalt  }
0x83: {  	_ =	shalt  }
0x84: {  	_ =	shalt  }
0x85: {  	_ =	shalt  }
0x86: {  	_ =	shalt  }
0x87: {  	_ =	shalt  }
.Lfunc_end0:
.L_simem_size_0:
called_computation.1_lowered:
.L_overlay_start_0:
0x88: {  	s2 =	sld [smem:$0x3FD9]  }
0x89: {  	s3 =	sld [smem:$0x3FFE];
	_ =	sdelay $0x1  }
0x8a: {  	s1 =	srdreg.scid  }
0x8b: {  	s0 =	sand.u32 $0x1, s1  }
0x8c: {  	s16 =	sshll.u32 s0, $0xA;
	s2 =	sadd.s32 s3, s2  }
0x8d: {  	s2 =	sadd.s32 s2, s16  }
0x8e: {  	[smem:$0x3FC6] =	sst s2  }
0x8f: {  	_ = 	snop  }
0x90: {  	(tm) =	ssettm $0x1  }
0x91: {  	s17 =	sld [smem:$0x3FFB];
	_ =	sdelay $0x3  }
0x92: {  	_ =	strace s17  }
0x93: {  	s2 =	sld [smem:$0x3FFC];
	_ =	sdelay $0x3  }
0x94: {  	_ =	strace s2  }
0x95: {  	s2 =	sld [smem:$0x3FFD];
	_ =	sdelay $0x3  }
0x96: {  	_ =	strace s2  }
0x97: {  	_ =	strace $0x8FFFFFFF  }
0x98: {  	s18 =	sld [smem:$0x3FDB];
	_ =	sdelay $0x1  }
0x99: {  	s19 =	simm.s32 $_scs_section_size  }
0x9a: {  	s4 =	simm.s32 $_size__tile_overlayer_lowered;
	s5 =	simm.s32 $_tile_overlayer_lowered  }
0x9b: {  	s22 =	simm.s32 $0x1BFF;
	s21 =	sshll.u32 s5, $0x1;
	s2 =	sadd.s32 s19, s18  }
0x9c: {  	s6 =	simm.s32 $0x0;
	s20 =	sshll.u32 s4, $0x1;
	s4 =	sadd.s32 s21, s2  }
0x9d: {  	[timem:s6], [sflag:s22] =	dma.local [hbm:s4], s20  }
0x9e: {  	_ =	swait.ge [sflag:s22], s20  }
0x9f: {  	s3 =	ssub.s32 $0x0, s20;
	[sflag:s22] =	ssyncset.done $0x0  }
0xa0: {  	[sflag:s22] =	ssyncadd.s32 s3;
	_ =	sdelay $0x1  }
0xa1: {  	s23 =	simm.s32 $0x1B8B  }
0xa2: {  	_ =	swait.ge [sflag:s23], $0x1  }
0xa3: {  	[sflag:s23] =	ssyncset.done $0x0  }
0xa4: {  	s25 =	simm.s32 $0x1B8E;
	s24 =	sld [smem:$0x3FFE];
	[sflag:s23] =	ssyncadd.s32 $0xFFFFFFFF  }
0xa5: {  	s26 =	simm.s32 $execute0_lowered;
	[smem:$0x3FD2] =	sst s25  }
0xa6: {  	s4 =	sshll.u32 s26, $0x1;
	_ =	strace $0x80000046;
	[dreg:$0x1] =	wrdreg $0xFFFFFFFF  }
0xa7: {  	s28 =	simm.s32 $_size_execute0_lowered;
	s2 =	sadd.s32 s2, s4;
	[dreg:$0x0] =	wrdreg $0x0  }
0xa8: {  	s4 =	sshll.u32 s28, $0x1;
	[dreg:$0x2] =	wrdreg s2  }
0xa9: {  	[dreg:$0x3] =	wrdreg s4  }
0xaa: {  	[dreg:$0x4] =	wrdreg $0xC0  }
0xab: {  	_ =	task [dreg:s6], $0x5FFFF  }
0xac: {  	[dreg:$0x1] =	wrdreg $0xFFFFFFFF  }
0xad: {  	[dreg:$0x0] =	wrdreg $0x60  }
0xae: {  	[dreg:$0x2] =	wrdreg s24  }
0xaf: {  	[dreg:$0x3] =	wrdreg $0x9  }
0xb0: {  	_ =	task.clear_ibuf [dreg:s6], $0x4FFFF;
	_ =	strace $0x90000046  }
0xb1: {  	s29 =	simm.s32 $0x9;
	_ =	strace $0x80000048  }
0xb2: {  	_ =	swait.ge [sflag:s29], $0x1  }
0xb3: {  	[sflag:s29] =	ssyncadd.s32 $0xFFFFFFFF  }
0xb4: {  	_ =	strace $0x90000048  }
0xb5: {  	_ =	sfence  }
0xb6: {  	s30 =	sld [smem:$0x0];
	_ =	sdelay $0x2  }
0xb7: {  	s31 =	sshll.u32 s1, $0xD;
	s1 =	sshrl.u32 s1, $0x2  }
0xb8: {  	s3 =	sand.u32 $0x4000, s31;
	s1 =	sadd.s32 s1, s30  }
0xb9: {  	s0 =	sor.u32 s3, s0;
	s1 =	sshll.u32 s1, $0x11  }
0xba: {  	s0 =	sor.u32 s1, s0  }
0xbb: {  	s0 =	sadd.s32 $0x8F2B, s0  }
0xbc: {  	[sflag:s0] =	ssyncadd.remote.s32 $0x1  }
0xbd: {  	_ =	sfence.sel $0xFFFF  }
0xbe: {  	[dreg:$0x0] =	wrdreg $0xFFFFFFFF;
	(pc) =	sbr.abs _section_cstart, $3  }
0xbf: {  	[dreg:$0x1] =	wrdreg $0xFFFFFFFF  }
0xc0: {  	_ =	task.clear_ibuf [dreg:s6], $0x2FFFF;
	_ =	strace $0x9FFFFFFF  }
0xc1: {  	(tm) =	ssettm $0x7FFFFFFF  }
tec
execute0_lowered:
.L_overlay_start_1:
0x0: {  	(tag) =	ssettag $0x1  }
0x1: {  	s0 =	srdreg.scid;
	s1 =	stileid.u32  }
0x2: {  	s6 =	rddreg [dreg:$0x0];
	s3 =	simm.s32 $0x0;
	s18 =	simm.s32 $0x9  }
0x3: {  	s28 =	simm.s32 $0x80;
	s0 =	sand.u32 $0x1, s0;
	s1 =	sshll.u32 s1, $0x1  }
0x4: {  	s30 =	simm.s32 $0xFA00;
	s31 =	simm.s32 $0x2;
	s1 =	sor.u32 s0, s1  }
0x5: {  	s19 =	simm.s32 $0x3;
	s29 =	simm.s32 $0x7;
	s2 =	smul.u32 $0x6400, s1  }
0x6: {  	[smem:$0x7FF] =	sst s3;
	s0 =	ssub.s32 $0x2, s0;
	s7 =	smul.u32 $0x64000, s1  }
0x7: {  	s5 =	sadd.s32 $0xDD600, s6;
	s9 =	sshrl.u32 s0, $0x1;
	s1 =	smul.u32 $0x320000, s1  }
0x8: {  	_ =	strace $0x80000047;
	s0 =	ssub.s32 s0, s9;
	s4 =	sshrl.u32 s2, $0x3  }
0x9: {  	s7 =	sadd.s32 s5, s7;
	s1 =	sshrl.u32 s1, $0x3;
	s12 =	sor.u32 $0xC8, s2  }
0xa: {  	s8 =	sadd.s32 s4, s6;
	s4 =	sadd.s32 $0x1A000, s6;
	s6 =	sadd.s32 $0x800, s6  }
0xb: {  	s17 =	smax.u32 s0, $0x1;
	s21 =	sadd.s32 $0xC80, s7;
	[dreg:$0x2] =	wrdreg s6  }
0xc: {  	s0 =	simm.s32 $0x4;
	s22 =	sadd.s32 $0x1900, s7;
	[dreg:$0x4] =	wrdreg s21  }
0xd: {  	s23 =	sadd.s32 $0x2580, s7;
	s1 =	sadd.s32 s5, s1;
	[dreg:$0x5] =	wrdreg s22  }
0xe: {  	s20 =	sadd.s32 $0x1000, s8;
	[dreg:$0x6] =	wrdreg s23;
	s24 =	sadd.s32 $0x60E00, s1  }
0xf: {  	s25 =	sadd.s32 $0x61A80, s1;
	s26 =	sadd.s32 $0x62700, s1;
	[dreg:$0x3] =	wrdreg s20  }
0x10: {  	s1 =	sadd.s32 $0x63380, s1;
	s21 =	simm.s32 $0x6400;
	[dreg:$0x7] =	wrdreg s24  }
0x11: {  	s22 =	simm.s32 $0x9600;
	s23 =	simm.s32 $0x6;
	[dreg:$0x8] =	wrdreg s25  }
0x12: {  	s6 =	simm.s32 $0x8;
	s8 =	simm.s32 $0x0;
	[dreg:$0x9] =	wrdreg s26  }
0x13: {  	[dreg:$0xa] =	wrdreg s1;
	s20 =	simm.s32 $0xC8;
	s24 =	simm.s32 $0xC800  }
0x14: {  	s25 =	simm.s32 $0x1;
	s26 =	simm.s32 $0x40;
	s1 =	simm.s32 $0x5  }
.LBB2_1:
0x15: {  	s9 =	rddreg [dreg:$0x3]  }
0x16: {  	[tilespmem:s3], [sflag:$0x9] =	stream.linear.gather [hbm4b:s9+s3], $0x6400, $0x38;
	[tilespmem:$0x15E00] =	vst v63  }
0x17: {  	_ =	swait.ge [sflag:s18], $0x6400  }
0x18: {  	[sflag:s18] =	ssyncset.done $0x0  }
0x19: {  	s10 =	simm.s32 $0x12C00;
	s15 =	rddreg [dreg:$0x2];
	[sflag:s18] =	ssyncadd.s32 $0xFFFF9C00  }
0x1a: {  	[tilespmem:s10], [sflag:$0x9] =	stream.linear.gather [hbm4b:s15+s3], $0x3200, $0x38;
	[tilespmem:$0x15E00] =	vst v63  }
0x1b: {  	_ =	swait.ge [sflag:s18], $0x3200  }
0x1c: {  	[sflag:s18] =	ssyncset.done $0x0  }
0x1d: {  	[sflag:s18] =	ssyncadd.s32 $0xFFFFCE00  }
0x1e: {  	[tilespmem:s21], [sflag:$0x1] =	stream.indirect.gather [hbm4b:s4+s20], $0x40, s3, s20, $0xb8;
	[tilespmem:$0x15E00] =	vst v63  }
0x1f: {  	_ = 	snop  }
0x20: {  	[tilespmem:s22], [sflag:$0x2] =	stream.indirect.gather [hbm4b:s4+s20], $0x40, s20, s20, $0xb8;
	[tilespmem:$0x15E00] =	vst v63  }
0x21: {  	s16 =	simm.s32 $0x190  }
0x22: {  	[tilespmem:s24], [sflag:$0x3] =	stream.indirect.gather [hbm4b:s4+s20], $0x40, s16, s20, $0xb8;
	[tilespmem:$0x15E00] =	vst v63  }
0x23: {  	_ =	swait.ge [sflag:s25], $0x3200  }
0x24: {  	[sflag:s25] =	ssyncset.done $0x0  }
0x25: {  	s9 =	simm.s32 $0x0;
	[sflag:s25] =	ssyncadd.s32 $0xFFFFCE00  }
0x26: {  	v5 =	vld [tilespmem:s9+$0x12C00]  }
0x27: {  	v6 =	vld [tilespmem:s9+$0x12C10]  }
0x28: {  	v1 =	vld [tilespmem:s9+$0x12C20]  }
0x29: {  	v0 =	vld [tilespmem:s9+$0x12C30]  }
0x2a: {  	v2 =	vld [tilespmem:s9+$0x6400]  }
0x2b: {  	v4 =	vld [tilespmem:s9+$0x6410]  }
0x2c: {  	s10 =	simm.s32 $0x100;
	v3 =	vld [tilespmem:s9+$0x6420]  }
.LBB2_2:
0x2d: {  	s11 =	sshra.s32 s10, $0x2;
	p0 =	sne.s32 s10, $0xC700;
	v7 =	vld [tilespmem:s9+$0x6430];
	v8 =	vmov v1  }
0x2e: {  	v9 =	vld [tilespmem:s11+$0x12C00];
	v10 =	vmov v0  }
0x2f: {  	v11 =	vld [tilespmem:s11+$0x12C10];
	v2 =	vadd.f32 v5, v2  }
.Ltmp0:
0x30: {  	v1 =	vld [tilespmem:s11+$0x12C20];
	v4 =	vadd.f32 v6, v4;
	(pc) =	sbr.rel @p0 .LBB2_2-.Ltmp0, $4  }
0x31: {  	v0 =	vld [tilespmem:s11+$0x12C30];
	[tilespmem:s9+$0x6400] =	vst v2;
	v3 =	vadd.f32 v8, v3  }
0x32: {  	v2 =	vld [tilespmem:s11+$0x6400];
	[tilespmem:s9+$0x6410] =	vst v4;
	v7 =	vadd.f32 v10, v7  }
0x33: {  	v4 =	vld [tilespmem:s11+$0x6410];
	[tilespmem:s9+$0x6420] =	vst v3;
	v5 =	vmov v9  }
0x34: {  	s10 =	sadd.s32 $0x100, s10;
	v3 =	vld [tilespmem:s11+$0x6420];
	[tilespmem:s9+$0x6430] =	vst v7;
	v6 =	vmov v11;
	s9 =	smov.u32 s11  }
0x35: {  	v7 =	vld [tilespmem:s9+$0x6430];
	_ =	sdelay $0x1  }
0x36: {  	v2 =	vadd.f32 v5, v2  }
0x37: {  	v4 =	vadd.f32 v6, v4  }
0x38: {  	[tilespmem:s9+$0x6400] =	vst v2;
	v1 =	vadd.f32 v1, v3  }
0x39: {  	[tilespmem:s9+$0x6410] =	vst v4;
	v0 =	vadd.f32 v0, v7  }
0x3a: {  	[tilespmem:s9+$0x6420] =	vst v1  }
0x3b: {  	[tilespmem:s9+$0x6430] =	vst v0  }
0x3c: {  	[hbm4b:s7+s26] =	stream.strided.scatter [tilespmem:s21], [sflag:$0x5], $0x3200, s28, s26, $0x38;
	[tilespmem:$0x15E00] =	vst v63  }
0x3d: {  	s16 =	simm.s32 $0x258  }
0x3e: {  	[tilespmem:s30], [sflag:$0x4] =	stream.indirect.gather [hbm4b:s4+s20], $0x40, s16, s20, $0xb8;
	[tilespmem:$0x15E00] =	vst v63  }
0x3f: {  	_ =	swait.ge [sflag:s31], $0x3200  }
0x40: {  	[sflag:s31] =	ssyncset.done $0x0  }
0x41: {  	s9 =	simm.s32 $0x0;
	[sflag:s31] =	ssyncadd.s32 $0xFFFFCE00  }
0x42: {  	v5 =	vld [tilespmem:s9+$0x12C00]  }
0x43: {  	v6 =	vld [tilespmem:s9+$0x12C10]  }
0x44: {  	v1 =	vld [tilespmem:s9+$0x12C20]  }
0x45: {  	v0 =	vld [tilespmem:s9+$0x12C30]  }
0x46: {  	v2 =	vld [tilespmem:s9+$0x9600]  }
0x47: {  	v4 =	vld [tilespmem:s9+$0x9610]  }
0x48: {  	s10 =	simm.s32 $0x100;
	v3 =	vld [tilespmem:s9+$0x9620]  }
.LBB2_4:
0x49: {  	s11 =	sshra.s32 s10, $0x2;
	p0 =	sne.s32 s10, $0xC700;
	v7 =	vld [tilespmem:s9+$0x9630];
	v8 =	vmov v1  }
0x4a: {  	v9 =	vld [tilespmem:s11+$0x12C00];
	v10 =	vmov v0  }
0x4b: {  	v11 =	vld [tilespmem:s11+$0x12C10];
	v2 =	vadd.f32 v5, v2  }
.Ltmp1:
0x4c: {  	v1 =	vld [tilespmem:s11+$0x12C20];
	v4 =	vadd.f32 v6, v4;
	(pc) =	sbr.rel @p0 .LBB2_4-.Ltmp1, $4  }
0x4d: {  	v0 =	vld [tilespmem:s11+$0x12C30];
	[tilespmem:s9+$0x9600] =	vst v2;
	v3 =	vadd.f32 v8, v3  }
0x4e: {  	v2 =	vld [tilespmem:s11+$0x9600];
	[tilespmem:s9+$0x9610] =	vst v4;
	v7 =	vadd.f32 v10, v7  }
0x4f: {  	v4 =	vld [tilespmem:s11+$0x9610];
	[tilespmem:s9+$0x9620] =	vst v3;
	v5 =	vmov v9  }
0x50: {  	s10 =	sadd.s32 $0x100, s10;
	v3 =	vld [tilespmem:s11+$0x9620];
	[tilespmem:s9+$0x9630] =	vst v7;
	v6 =	vmov v11;
	s9 =	smov.u32 s11  }
0x51: {  	v7 =	vld [tilespmem:s9+$0x9630];
	_ =	sdelay $0x1  }
0x52: {  	v2 =	vadd.f32 v5, v2  }
0x53: {  	v4 =	vadd.f32 v6, v4  }
0x54: {  	[tilespmem:s9+$0x9600] =	vst v2;
	v1 =	vadd.f32 v1, v3  }
0x55: {  	[tilespmem:s9+$0x9610] =	vst v4;
	v0 =	vadd.f32 v0, v7  }
0x56: {  	[tilespmem:s9+$0x9620] =	vst v1  }
0x57: {  	s15 =	rddreg [dreg:$0x4];
	[tilespmem:s9+$0x9630] =	vst v0  }
0x58: {  	[hbm4b:s15+s26] =	stream.strided.scatter [tilespmem:s22], [sflag:$0x6], $0x3200, s28, s26, $0x38;
	[tilespmem:$0x15E00] =	vst v63  }
0x59: {  	_ =	swait.ge [sflag:s1], $0x3200  }
0x5a: {  	[sflag:s1] =	ssyncset.done $0x0  }
0x5b: {  	s16 =	simm.s32 $0x320;
	[sflag:s1] =	ssyncadd.s32 $0xFFFFCE00  }
0x5c: {  	[tilespmem:s21], [sflag:$0x1] =	stream.indirect.gather [hbm4b:s4+s20], $0x40, s16, s20, $0xb8;
	[tilespmem:$0x15E00] =	vst v63  }
0x5d: {  	_ =	swait.ge [sflag:s19], $0x3200  }
0x5e: {  	[sflag:s19] =	ssyncset.done $0x0  }
0x5f: {  	s9 =	simm.s32 $0x0;
	[sflag:s19] =	ssyncadd.s32 $0xFFFFCE00  }
0x60: {  	v5 =	vld [tilespmem:s9+$0x12C00]  }
0x61: {  	v6 =	vld [tilespmem:s9+$0x12C10]  }
0x62: {  	v1 =	vld [tilespmem:s9+$0x12C20]  }
0x63: {  	v0 =	vld [tilespmem:s9+$0x12C30]  }
0x64: {  	v2 =	vld [tilespmem:s9+$0xC800]  }
0x65: {  	v4 =	vld [tilespmem:s9+$0xC810]  }
0x66: {  	s10 =	simm.s32 $0x100;
	v3 =	vld [tilespmem:s9+$0xC820]  }
.LBB2_6:
0x67: {  	s11 =	sshra.s32 s10, $0x2;
	p0 =	sne.s32 s10, $0xC700;
	v7 =	vld [tilespmem:s9+$0xC830];
	v8 =	vmov v1  }
0x68: {  	v9 =	vld [tilespmem:s11+$0x12C00];
	v10 =	vmov v0  }
0x69: {  	v11 =	vld [tilespmem:s11+$0x12C10];
	v2 =	vadd.f32 v5, v2  }
.Ltmp2:
0x6a: {  	v1 =	vld [tilespmem:s11+$0x12C20];
	v4 =	vadd.f32 v6, v4;
	(pc) =	sbr.rel @p0 .LBB2_6-.Ltmp2, $4  }
0x6b: {  	v0 =	vld [tilespmem:s11+$0x12C30];
	[tilespmem:s9+$0xC800] =	vst v2;
	v3 =	vadd.f32 v8, v3  }
0x6c: {  	v2 =	vld [tilespmem:s11+$0xC800];
	[tilespmem:s9+$0xC810] =	vst v4;
	v7 =	vadd.f32 v10, v7  }
0x6d: {  	v4 =	vld [tilespmem:s11+$0xC810];
	[tilespmem:s9+$0xC820] =	vst v3;
	v5 =	vmov v9  }
0x6e: {  	s10 =	sadd.s32 $0x100, s10;
	v3 =	vld [tilespmem:s11+$0xC820];
	[tilespmem:s9+$0xC830] =	vst v7;
	v6 =	vmov v11;
	s9 =	smov.u32 s11  }
0x6f: {  	v7 =	vld [tilespmem:s9+$0xC830];
	_ =	sdelay $0x1  }
0x70: {  	v2 =	vadd.f32 v5, v2  }
0x71: {  	v4 =	vadd.f32 v6, v4  }
0x72: {  	[tilespmem:s9+$0xC800] =	vst v2;
	v1 =	vadd.f32 v1, v3  }
0x73: {  	[tilespmem:s9+$0xC810] =	vst v4;
	v0 =	vadd.f32 v0, v7  }
0x74: {  	[tilespmem:s9+$0xC820] =	vst v1  }
0x75: {  	s15 =	rddreg [dreg:$0x5];
	[tilespmem:s9+$0xC830] =	vst v0  }
0x76: {  	[hbm4b:s15+s26] =	stream.strided.scatter [tilespmem:s24], [sflag:$0x7], $0x3200, s28, s26, $0x38;
	[tilespmem:$0x15E00] =	vst v63  }
0x77: {  	_ =	swait.ge [sflag:s23], $0x3200  }
0x78: {  	[sflag:s23] =	ssyncset.done $0x0  }
0x79: {  	s16 =	simm.s32 $0x3E8;
	[sflag:s23] =	ssyncadd.s32 $0xFFFFCE00  }
0x7a: {  	[tilespmem:s22], [sflag:$0x2] =	stream.indirect.gather [hbm4b:s4+s20], $0x40, s16, s20, $0xb8;
	[tilespmem:$0x15E00] =	vst v63  }
0x7b: {  	_ =	swait.ge [sflag:s0], $0x3200  }
0x7c: {  	[sflag:s0] =	ssyncset.done $0x0  }
0x7d: {  	s9 =	simm.s32 $0x0;
	[sflag:s0] =	ssyncadd.s32 $0xFFFFCE00  }
0x7e: {  	v5 =	vld [tilespmem:s9+$0x12C00]  }
0x7f: {  	v6 =	vld [tilespmem:s9+$0x12C10]  }
0x80: {  	v1 =	vld [tilespmem:s9+$0x12C20]  }
0x81: {  	v0 =	vld [tilespmem:s9+$0x12C30]  }
0x82: {  	v2 =	vld [tilespmem:s9+$0xFA00]  }
0x83: {  	v4 =	vld [tilespmem:s9+$0xFA10]  }
0x84: {  	s10 =	simm.s32 $0x100;
	v3 =	vld [tilespmem:s9+$0xFA20]  }
.LBB2_8:
0x85: {  	s11 =	sshra.s32 s10, $0x2;
	p0 =	sne.s32 s10, $0xC700;
	v7 =	vld [tilespmem:s9+$0xFA30];
	v8 =	vmov v1  }
0x86: {  	v9 =	vld [tilespmem:s11+$0x12C00];
	v10 =	vmov v0  }
0x87: {  	v11 =	vld [tilespmem:s11+$0x12C10];
	v2 =	vadd.f32 v5, v2  }
.Ltmp3:
0x88: {  	v1 =	vld [tilespmem:s11+$0x12C20];
	v4 =	vadd.f32 v6, v4;
	(pc) =	sbr.rel @p0 .LBB2_8-.Ltmp3, $4  }
0x89: {  	v0 =	vld [tilespmem:s11+$0x12C30];
	[tilespmem:s9+$0xFA00] =	vst v2;
	v3 =	vadd.f32 v8, v3  }
0x8a: {  	v2 =	vld [tilespmem:s11+$0xFA00];
	[tilespmem:s9+$0xFA10] =	vst v4;
	v7 =	vadd.f32 v10, v7  }
0x8b: {  	v4 =	vld [tilespmem:s11+$0xFA10];
	[tilespmem:s9+$0xFA20] =	vst v3;
	v5 =	vmov v9  }
0x8c: {  	s10 =	sadd.s32 $0x100, s10;
	v3 =	vld [tilespmem:s11+$0xFA20];
	[tilespmem:s9+$0xFA30] =	vst v7;
	v6 =	vmov v11;
	s9 =	smov.u32 s11  }
0x8d: {  	v7 =	vld [tilespmem:s9+$0xFA30];
	_ =	sdelay $0x1  }
0x8e: {  	v2 =	vadd.f32 v5, v2  }
0x8f: {  	v4 =	vadd.f32 v6, v4  }
0x90: {  	[tilespmem:s9+$0xFA00] =	vst v2;
	v1 =	vadd.f32 v1, v3  }
0x91: {  	[tilespmem:s9+$0xFA10] =	vst v4;
	v0 =	vadd.f32 v0, v7  }
0x92: {  	[tilespmem:s9+$0xFA20] =	vst v1  }
0x93: {  	s16 =	rddreg [dreg:$0x6];
	[tilespmem:s9+$0xFA30] =	vst v0;
	s9 =	simm.s32 $0x1  }
0x94: {  	[hbm4b:s16+s26] =	stream.strided.scatter [tilespmem:s30], [sflag:$0x8], $0x3200, s28, s26, $0x38;
	[tilespmem:$0x15E00] =	vst v63  }
.LBB2_10:
0x95: {  	_ =	swait.ge [sflag:s29], $0x3200;
	s13 =	smul.u32 $0x320, s9  }
0x96: {  	[sflag:s29] =	ssyncset.done $0x0  }
0x97: {  	[sflag:s29] =	ssyncadd.s32 $0xFFFFCE00;
	s10 =	sadd.s32 $0x190, s13  }
0x98: {  	[tilespmem:s24], [sflag:$0x3] =	stream.indirect.gather [hbm4b:s4+s20], $0x40, s10, s20, $0xb8;
	[tilespmem:$0x15E00] =	vst v63  }
0x99: {  	_ =	swait.ge [sflag:s25], $0x3200  }
0x9a: {  	[sflag:s25] =	ssyncset.done $0x0  }
0x9b: {  	s11 =	simm.s32 $0x0;
	[sflag:s25] =	ssyncadd.s32 $0xFFFFCE00  }
0x9c: {  	v5 =	vld [tilespmem:s11+$0x12C00]  }
0x9d: {  	v6 =	vld [tilespmem:s11+$0x12C10]  }
0x9e: {  	v1 =	vld [tilespmem:s11+$0x12C20]  }
0x9f: {  	v0 =	vld [tilespmem:s11+$0x12C30]  }
0xa0: {  	v2 =	vld [tilespmem:s11+$0x6400]  }
0xa1: {  	v4 =	vld [tilespmem:s11+$0x6410]  }
0xa2: {  	s14 =	simm.s32 $0x100;
	v3 =	vld [tilespmem:s11+$0x6420]  }
.LBB2_11:
0xa3: {  	s15 =	sshra.s32 s14, $0x2;
	p0 =	sne.s32 s14, $0xC700;
	v7 =	vld [tilespmem:s11+$0x6430];
	v8 =	vmov v1  }
0xa4: {  	v9 =	vld [tilespmem:s15+$0x12C00];
	v10 =	vmov v0  }
0xa5: {  	v11 =	vld [tilespmem:s15+$0x12C10];
	v2 =	vadd.f32 v5, v2  }
.Ltmp4:
0xa6: {  	v1 =	vld [tilespmem:s15+$0x12C20];
	v4 =	vadd.f32 v6, v4;
	(pc) =	sbr.rel @p0 .LBB2_11-.Ltmp4, $4  }
0xa7: {  	v0 =	vld [tilespmem:s15+$0x12C30];
	[tilespmem:s11+$0x6400] =	vst v2;
	v3 =	vadd.f32 v8, v3  }
0xa8: {  	v2 =	vld [tilespmem:s15+$0x6400];
	[tilespmem:s11+$0x6410] =	vst v4;
	v7 =	vadd.f32 v10, v7  }
0xa9: {  	v4 =	vld [tilespmem:s15+$0x6410];
	[tilespmem:s11+$0x6420] =	vst v3;
	v5 =	vmov v9  }
0xaa: {  	s14 =	sadd.s32 $0x100, s14;
	v3 =	vld [tilespmem:s15+$0x6420];
	[tilespmem:s11+$0x6430] =	vst v7;
	v6 =	vmov v11;
	s11 =	smov.u32 s15  }
0xab: {  	v7 =	vld [tilespmem:s11+$0x6430];
	_ =	sdelay $0x1  }
0xac: {  	v2 =	vadd.f32 v5, v2  }
0xad: {  	v4 =	vadd.f32 v6, v4  }
0xae: {  	s14 =	sadd.s32 s2, s13;
	[tilespmem:s11+$0x6400] =	vst v2;
	v1 =	vadd.f32 v1, v3  }
0xaf: {  	s14 =	sshll.u32 s14, $0x4;
	[tilespmem:s11+$0x6410] =	vst v4;
	v0 =	vadd.f32 v0, v7  }
0xb0: {  	s14 =	sand.u32 $0x1FFFFE00, s14;
	[tilespmem:s11+$0x6420] =	vst v1  }
0xb1: {  	s16 =	sadd.s32 s5, s14;
	[tilespmem:s11+$0x6430] =	vst v0  }
0xb2: {  	[hbm4b:s16+s26] =	stream.strided.scatter [tilespmem:s21], [sflag:$0x5], $0x3200, s28, s26, $0x38;
	[tilespmem:$0x15E00] =	vst v63  }
0xb3: {  	_ =	swait.ge [sflag:s6], $0x3200  }
0xb4: {  	[sflag:s6] =	ssyncset.done $0x0  }
0xb5: {  	s11 =	sadd.s32 $0x258, s13;
	[sflag:s6] =	ssyncadd.s32 $0xFFFFCE00  }
0xb6: {  	[tilespmem:s30], [sflag:$0x4] =	stream.indirect.gather [hbm4b:s4+s20], $0x40, s11, s20, $0xb8;
	[tilespmem:$0x15E00] =	vst v63  }
0xb7: {  	_ =	swait.ge [sflag:s31], $0x3200  }
0xb8: {  	[sflag:s31] =	ssyncset.done $0x0  }
0xb9: {  	s14 =	simm.s32 $0x0;
	[sflag:s31] =	ssyncadd.s32 $0xFFFFCE00  }
0xba: {  	v5 =	vld [tilespmem:s14+$0x12C00]  }
0xbb: {  	v6 =	vld [tilespmem:s14+$0x12C10]  }
0xbc: {  	v1 =	vld [tilespmem:s14+$0x12C20]  }
0xbd: {  	v0 =	vld [tilespmem:s14+$0x12C30]  }
0xbe: {  	v2 =	vld [tilespmem:s14+$0x9600]  }
0xbf: {  	v4 =	vld [tilespmem:s14+$0x9610]  }
0xc0: {  	s15 =	simm.s32 $0x100;
	v3 =	vld [tilespmem:s14+$0x9620]  }
.LBB2_13:
0xc1: {  	s16 =	sshra.s32 s15, $0x2;
	p0 =	sne.s32 s15, $0xC700;
	v7 =	vld [tilespmem:s14+$0x9630];
	v8 =	vmov v1  }
0xc2: {  	v9 =	vld [tilespmem:s16+$0x12C00];
	v10 =	vmov v0  }
0xc3: {  	v11 =	vld [tilespmem:s16+$0x12C10];
	v2 =	vadd.f32 v5, v2  }
.Ltmp5:
0xc4: {  	v1 =	vld [tilespmem:s16+$0x12C20];
	v4 =	vadd.f32 v6, v4;
	(pc) =	sbr.rel @p0 .LBB2_13-.Ltmp5, $4  }
0xc5: {  	v0 =	vld [tilespmem:s16+$0x12C30];
	[tilespmem:s14+$0x9600] =	vst v2;
	v3 =	vadd.f32 v8, v3  }
0xc6: {  	v2 =	vld [tilespmem:s16+$0x9600];
	[tilespmem:s14+$0x9610] =	vst v4;
	v7 =	vadd.f32 v10, v7  }
0xc7: {  	v4 =	vld [tilespmem:s16+$0x9610];
	[tilespmem:s14+$0x9620] =	vst v3;
	v5 =	vmov v9  }
0xc8: {  	s15 =	sadd.s32 $0x100, s15;
	v3 =	vld [tilespmem:s16+$0x9620];
	[tilespmem:s14+$0x9630] =	vst v7;
	v6 =	vmov v11;
	s14 =	smov.u32 s16  }
0xc9: {  	v7 =	vld [tilespmem:s14+$0x9630];
	_ =	sdelay $0x1  }
0xca: {  	v2 =	vadd.f32 v5, v2  }
0xcb: {  	v4 =	vadd.f32 v6, v4  }
0xcc: {  	s13 =	sadd.s32 s13, s12;
	[tilespmem:s14+$0x9600] =	vst v2;
	v1 =	vadd.f32 v1, v3  }
0xcd: {  	s13 =	sshll.u32 s13, $0x4;
	[tilespmem:s14+$0x9610] =	vst v4;
	v0 =	vadd.f32 v0, v7  }
0xce: {  	s13 =	sand.u32 $0x1FFFFE80, s13;
	[tilespmem:s14+$0x9620] =	vst v1  }
0xcf: {  	s15 =	smul.u32 $0xC80, s9;
	s13 =	sadd.s32 s5, s13;
	[tilespmem:s14+$0x9630] =	vst v0  }
0xd0: {  	[hbm4b:s13+s26] =	stream.strided.scatter [tilespmem:s22], [sflag:$0x6], $0x3200, s28, s26, $0x38;
	[tilespmem:$0x15E00] =	vst v63  }
0xd1: {  	_ =	swait.ge [sflag:s1], $0x3200  }
0xd2: {  	s13 =	sshra.s32 s15, $0x2;
	[sflag:s1] =	ssyncset.done $0x0  }
0xd3: {  	s16 =	sadd.s32 $0x320, s13;
	[sflag:s1] =	ssyncadd.s32 $0xFFFFCE00  }
0xd4: {  	[tilespmem:s21], [sflag:$0x1] =	stream.indirect.gather [hbm4b:s4+s20], $0x40, s16, s20, $0xb8;
	[tilespmem:$0x15E00] =	vst v63  }
0xd5: {  	_ =	swait.ge [sflag:s19], $0x3200  }
0xd6: {  	[sflag:s19] =	ssyncset.done $0x0  }
0xd7: {  	s14 =	simm.s32 $0x0;
	[sflag:s19] =	ssyncadd.s32 $0xFFFFCE00  }
0xd8: {  	v5 =	vld [tilespmem:s14+$0x12C00]  }
0xd9: {  	v6 =	vld [tilespmem:s14+$0x12C10]  }
0xda: {  	v1 =	vld [tilespmem:s14+$0x12C20]  }
0xdb: {  	v0 =	vld [tilespmem:s14+$0x12C30]  }
0xdc: {  	v2 =	vld [tilespmem:s14+$0xC800]  }
0xdd: {  	v4 =	vld [tilespmem:s14+$0xC810]  }
0xde: {  	s15 =	simm.s32 $0x100;
	v3 =	vld [tilespmem:s14+$0xC820]  }
.LBB2_15:
0xdf: {  	s16 =	sshra.s32 s15, $0x2;
	p0 =	sne.s32 s15, $0xC700;
	v7 =	vld [tilespmem:s14+$0xC830];
	v8 =	vmov v1  }
0xe0: {  	v9 =	vld [tilespmem:s16+$0x12C00];
	v10 =	vmov v0  }
0xe1: {  	v11 =	vld [tilespmem:s16+$0x12C10];
	v2 =	vadd.f32 v5, v2  }
.Ltmp6:
0xe2: {  	v1 =	vld [tilespmem:s16+$0x12C20];
	v4 =	vadd.f32 v6, v4;
	(pc) =	sbr.rel @p0 .LBB2_15-.Ltmp6, $4  }
0xe3: {  	v0 =	vld [tilespmem:s16+$0x12C30];
	[tilespmem:s14+$0xC800] =	vst v2;
	v3 =	vadd.f32 v8, v3  }
0xe4: {  	v2 =	vld [tilespmem:s16+$0xC800];
	[tilespmem:s14+$0xC810] =	vst v4;
	v7 =	vadd.f32 v10, v7  }
0xe5: {  	v4 =	vld [tilespmem:s16+$0xC810];
	[tilespmem:s14+$0xC820] =	vst v3;
	v5 =	vmov v9  }
0xe6: {  	s15 =	sadd.s32 $0x100, s15;
	v3 =	vld [tilespmem:s16+$0xC820];
	[tilespmem:s14+$0xC830] =	vst v7;
	v6 =	vmov v11;
	s14 =	smov.u32 s16  }
0xe7: {  	v7 =	vld [tilespmem:s14+$0xC830];
	_ =	sdelay $0x1  }
0xe8: {  	v2 =	vadd.f32 v5, v2  }
0xe9: {  	v4 =	vadd.f32 v6, v4  }
0xea: {  	s10 =	sadd.s32 s2, s10;
	[tilespmem:s14+$0xC800] =	vst v2;
	v1 =	vadd.f32 v1, v3  }
0xeb: {  	s10 =	sshll.u32 s10, $0x4;
	[tilespmem:s14+$0xC810] =	vst v4;
	v0 =	vadd.f32 v0, v7  }
0xec: {  	s10 =	sand.u32 $0x1FFFFF00, s10;
	[tilespmem:s14+$0xC820] =	vst v1  }
0xed: {  	s10 =	sadd.s32 s5, s10;
	[tilespmem:s14+$0xC830] =	vst v0  }
0xee: {  	[hbm4b:s10+s26] =	stream.strided.scatter [tilespmem:s24], [sflag:$0x7], $0x3200, s28, s26, $0x38;
	[tilespmem:$0x15E00] =	vst v63  }
0xef: {  	_ =	swait.ge [sflag:s23], $0x3200  }
0xf0: {  	[sflag:s23] =	ssyncset.done $0x0  }
0xf1: {  	s16 =	sadd.s32 $0x3E8, s13;
	[sflag:s23] =	ssyncadd.s32 $0xFFFFCE00  }
0xf2: {  	[tilespmem:s22], [sflag:$0x2] =	stream.indirect.gather [hbm4b:s4+s20], $0x40, s16, s20, $0xb8;
	[tilespmem:$0x15E00] =	vst v63  }
0xf3: {  	_ =	swait.ge [sflag:s0], $0x3200  }
0xf4: {  	[sflag:s0] =	ssyncset.done $0x0  }
0xf5: {  	s10 =	simm.s32 $0x0;
	[sflag:s0] =	ssyncadd.s32 $0xFFFFCE00  }
0xf6: {  	v5 =	vld [tilespmem:s10+$0x12C00]  }
0xf7: {  	v6 =	vld [tilespmem:s10+$0x12C10]  }
0xf8: {  	v1 =	vld [tilespmem:s10+$0x12C20]  }
0xf9: {  	v0 =	vld [tilespmem:s10+$0x12C30]  }
0xfa: {  	v2 =	vld [tilespmem:s10+$0xFA00]  }
0xfb: {  	v4 =	vld [tilespmem:s10+$0xFA10]  }
0xfc: {  	s13 =	simm.s32 $0x100;
	v3 =	vld [tilespmem:s10+$0xFA20]  }
.LBB2_17:
0xfd: {  	s14 =	sshra.s32 s13, $0x2;
	p0 =	sne.s32 s13, $0xC700;
	v7 =	vld [tilespmem:s10+$0xFA30];
	v8 =	vmov v1  }
0xfe: {  	v9 =	vld [tilespmem:s14+$0x12C00];
	v10 =	vmov v0  }
0xff: {  	v11 =	vld [tilespmem:s14+$0x12C10];
	v2 =	vadd.f32 v5, v2  }
.Ltmp7:
0x100: {  	v1 =	vld [tilespmem:s14+$0x12C20];
	v4 =	vadd.f32 v6, v4;
	(pc) =	sbr.rel @p0 .LBB2_17-.Ltmp7, $4  }
0x101: {  	v0 =	vld [tilespmem:s14+$0x12C30];
	[tilespmem:s10+$0xFA00] =	vst v2;
	v3 =	vadd.f32 v8, v3  }
0x102: {  	v2 =	vld [tilespmem:s14+$0xFA00];
	[tilespmem:s10+$0xFA10] =	vst v4;
	v7 =	vadd.f32 v10, v7  }
0x103: {  	v4 =	vld [tilespmem:s14+$0xFA10];
	[tilespmem:s10+$0xFA20] =	vst v3;
	v5 =	vmov v9  }
0x104: {  	s13 =	sadd.s32 $0x100, s13;
	v3 =	vld [tilespmem:s14+$0xFA20];
	[tilespmem:s10+$0xFA30] =	vst v7;
	v6 =	vmov v11;
	s10 =	smov.u32 s14  }
0x105: {  	v7 =	vld [tilespmem:s10+$0xFA30];
	_ =	sdelay $0x1  }
0x106: {  	s9 =	sadd.s32 $0x1, s9;
	v2 =	vadd.f32 v5, v2  }
0x107: {  	p0 =	sne.s32 s9, $0x1F;
	v4 =	vadd.f32 v6, v4  }
.Ltmp8:
0x108: {  	s11 =	sadd.s32 s2, s11;
	[tilespmem:s10+$0xFA00] =	vst v2;
	v1 =	vadd.f32 v1, v3;
	(pc) =	sbr.rel @p0 .LBB2_10-.Ltmp8, $4  }
0x109: {  	s11 =	sshll.u32 s11, $0x4;
	[tilespmem:s10+$0xFA10] =	vst v4;
	v0 =	vadd.f32 v0, v7  }
0x10a: {  	s11 =	sand.u32 $0x1FFFFF80, s11;
	[tilespmem:s10+$0xFA20] =	vst v1  }
0x10b: {  	s16 =	sadd.s32 s5, s11;
	[tilespmem:s10+$0xFA30] =	vst v0  }
0x10c: {  	[hbm4b:s16+s26] =	stream.strided.scatter [tilespmem:s30], [sflag:$0x8], $0x3200, s28, s26, $0x38;
	[tilespmem:$0x15E00] =	vst v63  }
0x10d: {  	_ =	swait.ge [sflag:s29], $0x3200  }
0x10e: {  	[sflag:s29] =	ssyncset.done $0x0  }
0x10f: {  	s9 =	simm.s32 $0x6270;
	[sflag:s29] =	ssyncadd.s32 $0xFFFFCE00  }
0x110: {  	[tilespmem:s24], [sflag:$0x3] =	stream.indirect.gather [hbm4b:s4+s20], $0x40, s9, s20, $0xb8;
	[tilespmem:$0x15E00] =	vst v63  }
0x111: {  	_ =	swait.ge [sflag:s25], $0x3200  }
0x112: {  	[sflag:s25] =	ssyncset.done $0x0  }
0x113: {  	s9 =	simm.s32 $0x0;
	[sflag:s25] =	ssyncadd.s32 $0xFFFFCE00  }
0x114: {  	v5 =	vld [tilespmem:s9+$0x12C00]  }
0x115: {  	v6 =	vld [tilespmem:s9+$0x12C10]  }
0x116: {  	v1 =	vld [tilespmem:s9+$0x12C20]  }
0x117: {  	v0 =	vld [tilespmem:s9+$0x12C30]  }
0x118: {  	v2 =	vld [tilespmem:s9+$0x6400]  }
0x119: {  	v4 =	vld [tilespmem:s9+$0x6410]  }
0x11a: {  	s10 =	simm.s32 $0x100;
	v3 =	vld [tilespmem:s9+$0x6420]  }
.LBB2_20:
0x11b: {  	s11 =	sshra.s32 s10, $0x2;
	p0 =	sne.s32 s10, $0xC700;
	v7 =	vld [tilespmem:s9+$0x6430];
	v8 =	vmov v1  }
0x11c: {  	v9 =	vld [tilespmem:s11+$0x12C00];
	v10 =	vmov v0  }
0x11d: {  	v11 =	vld [tilespmem:s11+$0x12C10];
	v2 =	vadd.f32 v5, v2  }
.Ltmp9:
0x11e: {  	v1 =	vld [tilespmem:s11+$0x12C20];
	v4 =	vadd.f32 v6, v4;
	(pc) =	sbr.rel @p0 .LBB2_20-.Ltmp9, $4  }
0x11f: {  	v0 =	vld [tilespmem:s11+$0x12C30];
	[tilespmem:s9+$0x6400] =	vst v2;
	v3 =	vadd.f32 v8, v3  }
0x120: {  	v2 =	vld [tilespmem:s11+$0x6400];
	[tilespmem:s9+$0x6410] =	vst v4;
	v7 =	vadd.f32 v10, v7  }
0x121: {  	v4 =	vld [tilespmem:s11+$0x6410];
	[tilespmem:s9+$0x6420] =	vst v3;
	v5 =	vmov v9  }
0x122: {  	s10 =	sadd.s32 $0x100, s10;
	v3 =	vld [tilespmem:s11+$0x6420];
	[tilespmem:s9+$0x6430] =	vst v7;
	v6 =	vmov v11;
	s9 =	smov.u32 s11  }
0x123: {  	v7 =	vld [tilespmem:s9+$0x6430];
	_ =	sdelay $0x1  }
0x124: {  	v2 =	vadd.f32 v5, v2  }
0x125: {  	v4 =	vadd.f32 v6, v4  }
0x126: {  	[tilespmem:s9+$0x6400] =	vst v2;
	v1 =	vadd.f32 v1, v3  }
0x127: {  	[tilespmem:s9+$0x6410] =	vst v4;
	v0 =	vadd.f32 v0, v7  }
0x128: {  	[tilespmem:s9+$0x6420] =	vst v1  }
0x129: {  	s15 =	rddreg [dreg:$0x7];
	[tilespmem:s9+$0x6430] =	vst v0  }
0x12a: {  	[hbm4b:s15+s26] =	stream.strided.scatter [tilespmem:s21], [sflag:$0x5], $0x3200, s28, s26, $0x38;
	[tilespmem:$0x15E00] =	vst v63  }
0x12b: {  	_ =	swait.ge [sflag:s6], $0x3200  }
0x12c: {  	[sflag:s6] =	ssyncset.done $0x0  }
0x12d: {  	s16 =	simm.s32 $0x6338;
	[sflag:s6] =	ssyncadd.s32 $0xFFFFCE00  }
0x12e: {  	[tilespmem:s30], [sflag:$0x4] =	stream.indirect.gather [hbm4b:s4+s20], $0x40, s16, s20, $0xb8;
	[tilespmem:$0x15E00] =	vst v63  }
0x12f: {  	_ =	swait.ge [sflag:s31], $0x3200  }
0x130: {  	[sflag:s31] =	ssyncset.done $0x0  }
0x131: {  	s9 =	simm.s32 $0x0;
	[sflag:s31] =	ssyncadd.s32 $0xFFFFCE00  }
0x132: {  	v5 =	vld [tilespmem:s9+$0x12C00]  }
0x133: {  	v6 =	vld [tilespmem:s9+$0x12C10]  }
0x134: {  	v1 =	vld [tilespmem:s9+$0x12C20]  }
0x135: {  	v0 =	vld [tilespmem:s9+$0x12C30]  }
0x136: {  	v2 =	vld [tilespmem:s9+$0x9600]  }
0x137: {  	v4 =	vld [tilespmem:s9+$0x9610]  }
0x138: {  	s10 =	simm.s32 $0x100;
	v3 =	vld [tilespmem:s9+$0x9620]  }
.LBB2_22:
0x139: {  	s11 =	sshra.s32 s10, $0x2;
	p0 =	sne.s32 s10, $0xC700;
	v7 =	vld [tilespmem:s9+$0x9630];
	v8 =	vmov v1  }
0x13a: {  	v9 =	vld [tilespmem:s11+$0x12C00];
	v10 =	vmov v0  }
0x13b: {  	v11 =	vld [tilespmem:s11+$0x12C10];
	v2 =	vadd.f32 v5, v2  }
.Ltmp10:
0x13c: {  	v1 =	vld [tilespmem:s11+$0x12C20];
	v4 =	vadd.f32 v6, v4;
	(pc) =	sbr.rel @p0 .LBB2_22-.Ltmp10, $4  }
0x13d: {  	v0 =	vld [tilespmem:s11+$0x12C30];
	[tilespmem:s9+$0x9600] =	vst v2;
	v3 =	vadd.f32 v8, v3  }
0x13e: {  	v2 =	vld [tilespmem:s11+$0x9600];
	[tilespmem:s9+$0x9610] =	vst v4;
	v7 =	vadd.f32 v10, v7  }
0x13f: {  	v4 =	vld [tilespmem:s11+$0x9610];
	[tilespmem:s9+$0x9620] =	vst v3;
	v5 =	vmov v9  }
0x140: {  	s10 =	sadd.s32 $0x100, s10;
	v3 =	vld [tilespmem:s11+$0x9620];
	[tilespmem:s9+$0x9630] =	vst v7;
	v6 =	vmov v11;
	s9 =	smov.u32 s11  }
0x141: {  	v7 =	vld [tilespmem:s9+$0x9630];
	_ =	sdelay $0x1  }
0x142: {  	v2 =	vadd.f32 v5, v2  }
0x143: {  	v4 =	vadd.f32 v6, v4  }
0x144: {  	[tilespmem:s9+$0x9600] =	vst v2;
	v1 =	vadd.f32 v1, v3  }
0x145: {  	[tilespmem:s9+$0x9610] =	vst v4;
	v0 =	vadd.f32 v0, v7  }
0x146: {  	[tilespmem:s9+$0x9620] =	vst v1  }
0x147: {  	s16 =	rddreg [dreg:$0x8];
	[tilespmem:s9+$0x9630] =	vst v0  }
0x148: {  	[hbm4b:s16+s26] =	stream.strided.scatter [tilespmem:s22], [sflag:$0x6], $0x3200, s28, s26, $0x38;
	[tilespmem:$0x15E00] =	vst v63  }
0x149: {  	_ =	swait.ge [sflag:s19], $0x3200  }
0x14a: {  	[sflag:s19] =	ssyncset.done $0x0  }
0x14b: {  	s9 =	simm.s32 $0x0;
	[sflag:s19] =	ssyncadd.s32 $0xFFFFCE00  }
0x14c: {  	v5 =	vld [tilespmem:s9+$0x12C00]  }
0x14d: {  	v6 =	vld [tilespmem:s9+$0x12C10]  }
0x14e: {  	v1 =	vld [tilespmem:s9+$0x12C20]  }
0x14f: {  	v0 =	vld [tilespmem:s9+$0x12C30]  }
0x150: {  	v2 =	vld [tilespmem:s9+$0xC800]  }
0x151: {  	v4 =	vld [tilespmem:s9+$0xC810]  }
0x152: {  	s10 =	simm.s32 $0x100;
	v3 =	vld [tilespmem:s9+$0xC820]  }
.LBB2_24:
0x153: {  	s11 =	sshra.s32 s10, $0x2;
	p0 =	sne.s32 s10, $0xC700;
	v7 =	vld [tilespmem:s9+$0xC830];
	v8 =	vmov v1  }
0x154: {  	v9 =	vld [tilespmem:s11+$0x12C00];
	v10 =	vmov v0  }
0x155: {  	v11 =	vld [tilespmem:s11+$0x12C10];
	v2 =	vadd.f32 v5, v2  }
.Ltmp11:
0x156: {  	v1 =	vld [tilespmem:s11+$0x12C20];
	v4 =	vadd.f32 v6, v4;
	(pc) =	sbr.rel @p0 .LBB2_24-.Ltmp11, $4  }
0x157: {  	v0 =	vld [tilespmem:s11+$0x12C30];
	[tilespmem:s9+$0xC800] =	vst v2;
	v3 =	vadd.f32 v8, v3  }
0x158: {  	v2 =	vld [tilespmem:s11+$0xC800];
	[tilespmem:s9+$0xC810] =	vst v4;
	v7 =	vadd.f32 v10, v7  }
0x159: {  	v4 =	vld [tilespmem:s11+$0xC810];
	[tilespmem:s9+$0xC820] =	vst v3;
	v5 =	vmov v9  }
0x15a: {  	s10 =	sadd.s32 $0x100, s10;
	v3 =	vld [tilespmem:s11+$0xC820];
	[tilespmem:s9+$0xC830] =	vst v7;
	v6 =	vmov v11;
	s9 =	smov.u32 s11  }
0x15b: {  	v7 =	vld [tilespmem:s9+$0xC830];
	_ =	sdelay $0x1  }
0x15c: {  	v2 =	vadd.f32 v5, v2  }
0x15d: {  	v4 =	vadd.f32 v6, v4  }
0x15e: {  	[tilespmem:s9+$0xC800] =	vst v2;
	v1 =	vadd.f32 v1, v3  }
0x15f: {  	[tilespmem:s9+$0xC810] =	vst v4;
	v0 =	vadd.f32 v0, v7  }
0x160: {  	[tilespmem:s9+$0xC820] =	vst v1  }
0x161: {  	s16 =	rddreg [dreg:$0x9];
	[tilespmem:s9+$0xC830] =	vst v0  }
0x162: {  	[hbm4b:s16+s26] =	stream.strided.scatter [tilespmem:s24], [sflag:$0x7], $0x3200, s28, s26, $0x38;
	[tilespmem:$0x15E00] =	vst v63  }
0x163: {  	_ =	swait.ge [sflag:s0], $0x3200  }
0x164: {  	[sflag:s0] =	ssyncset.done $0x0  }
0x165: {  	s9 =	simm.s32 $0x0;
	[sflag:s0] =	ssyncadd.s32 $0xFFFFCE00  }
0x166: {  	v5 =	vld [tilespmem:s9+$0x12C00]  }
0x167: {  	v6 =	vld [tilespmem:s9+$0x12C10]  }
0x168: {  	v1 =	vld [tilespmem:s9+$0x12C20]  }
0x169: {  	v0 =	vld [tilespmem:s9+$0x12C30]  }
0x16a: {  	v2 =	vld [tilespmem:s9+$0xFA00]  }
0x16b: {  	v4 =	vld [tilespmem:s9+$0xFA10]  }
0x16c: {  	s10 =	simm.s32 $0x100;
	v3 =	vld [tilespmem:s9+$0xFA20]  }
.LBB2_26:
0x16d: {  	s11 =	sshra.s32 s10, $0x2;
	p0 =	sne.s32 s10, $0xC700;
	v7 =	vld [tilespmem:s9+$0xFA30];
	v8 =	vmov v1  }
0x16e: {  	v9 =	vld [tilespmem:s11+$0x12C00];
	v10 =	vmov v0  }
0x16f: {  	v11 =	vld [tilespmem:s11+$0x12C10];
	v2 =	vadd.f32 v5, v2  }
.Ltmp12:
0x170: {  	v1 =	vld [tilespmem:s11+$0x12C20];
	v4 =	vadd.f32 v6, v4;
	(pc) =	sbr.rel @p0 .LBB2_26-.Ltmp12, $4  }
0x171: {  	v0 =	vld [tilespmem:s11+$0x12C30];
	[tilespmem:s9+$0xFA00] =	vst v2;
	v3 =	vadd.f32 v8, v3  }
0x172: {  	v2 =	vld [tilespmem:s11+$0xFA00];
	[tilespmem:s9+$0xFA10] =	vst v4;
	v7 =	vadd.f32 v10, v7  }
0x173: {  	v4 =	vld [tilespmem:s11+$0xFA10];
	[tilespmem:s9+$0xFA20] =	vst v3;
	v5 =	vmov v9  }
0x174: {  	s10 =	sadd.s32 $0x100, s10;
	v3 =	vld [tilespmem:s11+$0xFA20];
	[tilespmem:s9+$0xFA30] =	vst v7;
	v6 =	vmov v11;
	s9 =	smov.u32 s11  }
0x175: {  	v7 =	vld [tilespmem:s9+$0xFA30];
	_ =	sdelay $0x1  }
0x176: {  	v2 =	vadd.f32 v5, v2  }
0x177: {  	v4 =	vadd.f32 v6, v4  }
0x178: {  	[tilespmem:s9+$0xFA00] =	vst v2;
	v1 =	vadd.f32 v1, v3  }
0x179: {  	[tilespmem:s9+$0xFA10] =	vst v4;
	v0 =	vadd.f32 v0, v7  }
0x17a: {  	[tilespmem:s9+$0xFA20] =	vst v1  }
0x17b: {  	s16 =	rddreg [dreg:$0xa];
	[tilespmem:s9+$0xFA30] =	vst v0  }
0x17c: {  	[hbm4b:s16+s26] =	stream.strided.scatter [tilespmem:s30], [sflag:$0x8], $0x3200, s28, s26, $0x38;
	[tilespmem:$0x15E00] =	vst v63  }
0x17d: {  	_ =	swait.ge [sflag:s1], $0x3200  }
0x17e: {  	[sflag:s1] =	ssyncset.done $0x0  }
0x17f: {  	[sflag:s1] =	ssyncadd.s32 $0xFFFFCE00  }
0x180: {  	_ =	swait.ge [sflag:s23], $0x3200  }
0x181: {  	[sflag:s23] =	ssyncset.done $0x0  }
0x182: {  	s8 =	sadd.s32 $0x1, s8;
	[sflag:s23] =	ssyncadd.s32 $0xFFFFCE00  }
0x183: {  	p0 =	sne.s32 s8, s17;
	_ =	swait.ge [sflag:s29], $0x3200  }
.Ltmp13:
0x184: {  	[sflag:s29] =	ssyncset.done $0x0;
	(pc) =	sbr.rel @p0 .LBB2_1-.Ltmp13, $4  }
0x185: {  	[sflag:s29] =	ssyncadd.s32 $0xFFFFCE00  }
0x186: {  	_ =	swait.ge [sflag:s6], $0x3200  }
0x187: {  	[sflag:s6] =	ssyncset.done $0x0  }
0x188: {  	[sflag:s6] =	ssyncadd.s32 $0xFFFFCE00  }
0x189: {  	_ =	sfence.sel $0x180000  }
0x18a: {  	[bflag:$0x0] =	sbarrier.arrive $0xFFFF  }
0x18b: {  	_ =	strace $0x90000047  }
0x18c: {  	s0 =	stileid.u32;
	[bflag:$0x2] =	sbarrier.arrive $0xFFFF  }
0x18d: {  	p0 =	sne.s32 s0, $0x0;
	s0 =	rddreg [dreg:$0x1]  }
0x18e: {  	s0 =	sadd.s32 @!p0 $0x100000, s0  }
0x18f: {  	[sflag:s0] =	ssyncadd.tile.s32 @!p0 $0x1;
	_ =	shalt  }
.Lfunc_end2:
_tile_overlayer_lowered:
.L_overlay_start_2:
0x190: {  	(tag) =	ssettag $0x2  }
0x191: {  	s0 =	rddreg [dreg:$0x0];
	s2 =	stileid.u32  }
0x192: {  	s1 =	rddreg [dreg:$0x1];
	p0 =	sne.s32 s2, $0x0  }
0x193: {  	s3 =	rddreg [dreg:$0x2];
	[bflag:$0x3] =	sbarrier.arrive $0xFFFF;
	s2 =	simm.s32 @!p0 $0x1C09  }
0x194: {  	[timem:s3], [sflag:s2] =	dma.local @!p0 [hbm:s0], s1  }
0x195: {  	s0 =	simm.s32 @!p0 $0x9  }
0x196: {  	_ =	swait.ge @!p0 [sflag:s0], s1  }
0x197: {  	s1 =	ssub.s32 @!p0 $0x0, s1;
	[sflag:s0] =	ssyncset.done @!p0 $0x0  }
0x198: {  	[sflag:s0] =	ssyncadd.s32 @!p0 s1  }
0x199: {  	[bflag:$0x3] =	sbarrier.arrive $0xFFFF  }
0x19a: {  	_ =	shalt  }

// kernel: sparse-core-data-format-call.cloned.1.call-start
scs
called_computation_lowered:
.L_overlay_start_0:
0x0: {  	s2 =	sld [smem:$0x3FD9]  }
0x1: {  	s3 =	sld [smem:$0x3FFE];
	_ =	sdelay $0x1  }
0x2: {  	s1 =	srdreg.scid  }
0x3: {  	s0 =	sand.u32 $0x1, s1  }
0x4: {  	s18 =	sshll.u32 s0, $0xA;
	s2 =	sadd.s32 s3, s2  }
0x5: {  	s2 =	sadd.s32 s2, s18  }
0x6: {  	[smem:$0x3FC6] =	sst s2  }
0x7: {  	_ = 	snop  }
0x8: {  	s2 =	sld [smem:$0x3FD0];
	(tm) =	ssettm $0x1  }
0x9: {  	s19 =	sld [smem:$0x3FFB];
	_ =	sdelay $0x3  }
0xa: {  	_ =	strace s19  }
0xb: {  	s3 =	sld [smem:$0x3FFC];
	_ =	sdelay $0x3  }
0xc: {  	_ =	strace s3  }
0xd: {  	s3 =	sld [smem:$0x3FFD];
	_ =	sdelay $0x3  }
0xe: {  	_ =	strace s3  }
0xf: {  	_ =	strace $0x8FFFFFFF  }
0x10: {  	s20 =	sld [smem:$0x3FDB];
	_ =	sdelay $0x1  }
0x11: {  	s4 =	simm.s32 $_scs_section_size  }
0x12: {  	s5 =	simm.s32 $_size__tile_overlayer_lowered;
	s6 =	simm.s32 $_tile_overlayer_lowered  }
0x13: {  	s23 =	simm.s32 $0x1BFF;
	s22 =	sshll.u32 s6, $0x1;
	s3 =	sadd.s32 s4, s20  }
0x14: {  	s7 =	simm.s32 $0x0;
	s21 =	sshll.u32 s5, $0x1;
	s5 =	sadd.s32 s22, s3  }
0x15: {  	[timem:s7], [sflag:s23] =	dma.local [hbm:s5], s21  }
0x16: {  	_ =	swait.ge [sflag:s23], s21  }
0x17: {  	s4 =	ssub.s32 $0x0, s21;
	[sflag:s23] =	ssyncset.done $0x0  }
0x18: {  	[sflag:s23] =	ssyncadd.s32 s4;
	_ =	sdelay $0x1  }
0x19: {  	s24 =	simm.s32 $0x1B8B  }
0x1a: {  	_ =	swait.ge [sflag:s24], $0x1  }
0x1b: {  	[sflag:s24] =	ssyncset.done $0x0  }
0x1c: {  	s26 =	simm.s32 $0x1B8E;
	s25 =	sld [smem:$0x3FFE];
	[sflag:s24] =	ssyncadd.s32 $0xFFFFFFFF  }
0x1d: {  	s27 =	simm.s32 $execute0_lowered;
	[smem:$0x3FD2] =	sst s26  }
0x1e: {  	s5 =	sshll.u32 s27, $0x1;
	_ =	strace $0x80000049;
	[dreg:$0x1] =	wrdreg $0xFFFFFFFF  }
0x1f: {  	s28 =	simm.s32 $_size_execute0_lowered;
	s3 =	sadd.s32 s3, s5;
	[dreg:$0x0] =	wrdreg $0x0  }
0x20: {  	s5 =	sshll.u32 s28, $0x1;
	[dreg:$0x2] =	wrdreg s3  }
0x21: {  	[dreg:$0x3] =	wrdreg s5  }
0x22: {  	[dreg:$0x4] =	wrdreg $0xC0  }
0x23: {  	_ =	task [dreg:s7], $0x5FFFF  }
0x24: {  	[dreg:$0x1] =	wrdreg $0xFFFFFFFF  }
0x25: {  	[dreg:$0x0] =	wrdreg $0x60  }
0x26: {  	[dreg:$0x2] =	wrdreg s25  }
0x27: {  	[dreg:$0x3] =	wrdreg s2  }
0x28: {  	[dreg:$0x4] =	wrdreg $0x9  }
0x29: {  	_ =	task.clear_ibuf [dreg:s7], $0x5FFFF;
	_ =	strace $0x90000049  }
0x2a: {  	s29 =	simm.s32 $0x9;
	_ =	strace $0x8000004B  }
0x2b: {  	_ =	swait.ge [sflag:s29], $0x1  }
0x2c: {  	[sflag:s29] =	ssyncadd.s32 $0xFFFFFFFF  }
0x2d: {  	_ =	strace $0x9000004B  }
0x2e: {  	_ =	sfence  }
0x2f: {  	s30 =	sld [smem:$0x0];
	_ =	sdelay $0x2  }
0x30: {  	s31 =	sshll.u32 s1, $0xD;
	s1 =	sshrl.u32 s1, $0x2  }
0x31: {  	s3 =	sand.u32 $0x4000, s31;
	s1 =	sadd.s32 s1, s30  }
0x32: {  	s0 =	sor.u32 s3, s0;
	s1 =	sshll.u32 s1, $0x11  }
0x33: {  	s0 =	sor.u32 s1, s0  }
0x34: {  	s0 =	sadd.s32 $0x8F2B, s0  }
0x35: {  	[sflag:s0] =	ssyncadd.remote.s32 $0x1  }
0x36: {  	_ =	sfence.sel $0xFFFF  }
0x37: {  	[dreg:$0x0] =	wrdreg $0xFFFFFFFF;
	(pc) =	sbr.abs _section_cstart, $3  }
0x38: {  	[dreg:$0x1] =	wrdreg $0xFFFFFFFF  }
0x39: {  	_ =	task.clear_ibuf [dreg:s7], $0x2FFFF;
	_ =	strace $0x9FFFFFFF  }
0x3a: {  	(tm) =	ssettm $0x7FFFFFFF  }
0x3b: {  	_ =	shalt  }
tec
execute0_lowered:
.L_overlay_start_1:
0x0: {  	(tag) =	ssettag $0x1  }
0x1: {  	s0 =	srdreg.scid  }
0x2: {  	s1 =	sshll.u32 s0, $0x4  }
0x3: {  	s0 =	stileid.u32;
	s1 =	sand.u32 $0x10, s1  }
0x4: {  	s1 =	sor.u32 s0, s1  }
0x5: {  	s6 =	rddreg [dreg:$0x0];
	s4 =	simm.s32 $0x1;
	s2 =	sshll.u32 s1, $0x7  }
0x6: {  	s7 =	simm.s32 $0x2;
	s12 =	simm.s32 $0x0;
	s1 =	ssub.s32 $0x1000, s2  }
0x7: {  	s8 =	simm.s32 $0x8000;
	s13 =	simm.s32 $0x0;
	s3 =	sand.u32 $0xF80, s1  }
0x8: {  	s9 =	simm.s32 $0x0;
	s5 =	sshrl.u32 s1, $0xC;
	p0 =	sne.s32 s3, $0x0  }
.Ltmp0:
0x9: {  	s1 =	rddreg [dreg:$0x2];
	s4 =	simm.s32 @!p0 $0x0;
	(pc) =	sbr.rel .LBB1_1-.Ltmp0, $4  }
0xa: {  	s11 =	simm.s32 $0x0;
	s3 =	rddreg [dreg:$0x1];
	s5 =	sadd.s32 s4, s5  }
0xb: {  	_ =	strace $0x8000004A;
	s4 =	simm.s32 $0x1;
	s5 =	smul.u32 $0xC8, s5  }
0xc: {  	s6 =	sadd.s32 $0xDD600, s6;
	s10 =	smov.u32 s2;
	[sflag:s4] =	ssyncpa.u1 $0x0  }
0xd: {  	p0 =	por $0x0, $0x0;
	[sflag:s7] =	ssyncpa.u1 $0x0;
	s7 =	sor.u32 $0x1, s5  }
.LBB1_4:
0xe: {  	s16 =	sshll.u32 s13, $0x3;
	s17 =	sand.u32 $0x78, s13  }
0xf: {  	s30 =	sand.u32 $0x7E00, s13;
	s12 =	sshll.u32 s12, $0xF;
	s16 =	sand.u32 $0xC00, s16  }
0x10: {  	[tilespmem:s15+$0x810 ss:$0x81] =	vst.msk $0xffff, v2;
	s31 =	sand.u32 $0x7, s13;
	s16 =	sor.u32 s17, s16;
	s17 =	sadd.s32 s3, s30  }
0x11: {  	[tilespmem:s15+$0x1020 ss:$0x81] =	vst.msk $0xffff, v0;
	s13 =	sshll.u32 s31, $0x12;
	s12 =	sadd.s32 s12, s17;
	s16 =	sshrl.u32 s16, $0x3  }
0x12: {  	[tilespmem:s15+$0x0 ss:$0x81] =	vst.msk $0xffff, v1;
	s13 =	sor.u32 $0x400, s13;
	s12 =	sadd.s32 s16, s12  }
0x13: {  	[hbm4b:s12+s13] =	stream.strided.scatter [tilespmem:s14], [sflag:$0x2], $0x2000, s8, s13, $0x20;
	[tilespmem:$0x8080] =	vst v63  }
.LBB1_5:
0x14: {  	s14 =	sadd.s32 $0x1, s9  }
0x15: {  	s12 =	sadd.s32 $0x1000, s10;
	s16 =	smov.u32 s10;
	p2 =	sgt.s32 s14, $0xC7  }
0x16: {  	s16 =	smov.u32 @p2 s12  }
0x17: {  	s14 =	simm.s32 @p2 $0x0;
	p2 =	sgt.s32 s16, $0xFFF  }
0x18: {  	s16 =	smov.u32 @p2 s2;
	p2 =	sne.s32 s11, s7  }
.Ltmp1:
0x19: {  	p1 =	slt.u32 s11, $0x2;
	(pc) =	sbr.rel @!p2 .LBB1_6-.Ltmp1, $4  }
0x1a: {  	s15 =	simm.s32 @!p1 $0x2  }
0x1b: {  	s13 =	smov.u32 s10;
	p0 =	por !p0, !p0;
	_ =	swait.ge @!p1 [sflag:s15], $0x2000  }
0x1c: {  	s12 =	smov.u32 s9;
	[sflag:s15] =	ssyncset.done @!p1 $0x0;
	s9 =	smov.u32 s14  }
0x1d: {  	s11 =	sadd.s32 $0x1, s11;
	[sflag:s15] =	ssyncadd.s32 @!p1 $0xFFFFE000;
	s10 =	smov.u32 s16  }
.LBB1_1:
0x1e: {  	p1 =	sge.u32 s11, s5  }
0x1f: {  	s14 =	sand.u32 @!p1 $0x1FFFFFF, s9  }
0x20: {  	s15 =	smulhi.u32 @!p1 $0x147AE15, s14;
	_ =	sdelay $0x1  }
0x21: {  	s15 =	smul.u32 @!p1 $0xC8, s15  }
0x22: {  	s16 =	sxor.u32 @!p1 $0xFFFFFFFF, s11;
	s17 =	smul.u32 @!p1 $0xC80, s10  }
0x23: {  	s31 =	sadd.s32 $0xFFFFFFFF, s11;
	s16 =	sshll.u32 @!p1 s16, $0xD;
	s14 =	ssub.s32 @!p1 s14, s15  }
0x24: {  	s15 =	sand.u32 @!p1 $0x2000, s16;
	s16 =	sadd.s32 @!p1 s6, s17;
	s14 =	sshll.u32 @!p1 s14, $0x4  }
0x25: {  	s17 =	simm.s32 @!p1 $0x6400;
	s14 =	sadd.s32 @!p1 s14, s16;
	s16 =	simm.s32 @!p1 $0x40  }
0x26: {  	[tilespmem:s15], [sflag:$0x1] =	stream.strided.gather @!p1 [hbm4b:s14+s16], $0x2000, s17, s16, $0x38;
	[tilespmem:$0x8080] =	vst v63  }
0x27: {  	p1 =	sge.u32 s31, s5  }
.Ltmp2:
0x28: {  	_ = 	snop;
	(pc) =	sbr.rel @p1 .LBB1_5-.Ltmp2, $1  }
0x29: {  	_ =	sdelay $0x3  }
0x2a: {  	s14 =	simm.s32 $0x1  }
0x2b: {  	_ =	swait.ge [sflag:s4], $0x2000;
	s14 =	simm.s32 @!p0 $0x0  }
0x2c: {  	[sflag:s4] =	ssyncset.done $0x0;
	s15 =	sshll.u32 s14, $0xD  }
0x2d: {  	[sflag:s4] =	ssyncadd.s32 $0xFFFFE000;
	s18 =	sor.u32 $0x20, s15  }
0x2e: {  	s14 =	smul.u32 $0x8100, s14;
	v3 =	vld [tilespmem:s18+$0x10]  }
0x2f: {  	s30 =	sand.u32 $0x1, s11;
	v2 =	vld [tilespmem:s18+$0xFFFFFFF0]  }
0x30: {  	s15 =	smul.u32 $0x8100, s30;
	s14 =	sshrl.u32 s14, $0x2;
	v0 =	vld [tilespmem:s18+$0x0]  }
0x31: {  	v1 =	vld [tilespmem:s18+$0xFFFFFFE0];
	s16 =	sor.u32 $0x4000, s14  }
0x32: {  	s31 =	sshrl.u32 s15, $0x2;
	s15 =	sadd.s32 $0x0, s16  }
0x33: {  	s17 =	simm.s32 $0x4;
	s18 =	sadd.s32 $0x40, s18;
	s14 =	sor.u32 $0x4000, s31;
	[tilespmem:s15+$0x1830 ss:$0x81] =	vst.msk $0xffff, v3  }
.LBB1_3:
0x34: {  	v3 =	vld [tilespmem:s18+$0x10];
	p1 =	sne.s32 s17, $0x1FC;
	[tilespmem:s15+$0x810 ss:$0x81] =	vst.msk $0xffff, v2;
	s19 =	smov.u32 s17;
	s17 =	sadd.s32 $0x4, s17  }
.Ltmp3:
0x35: {  	v2 =	vld [tilespmem:s18+$0xFFFFFFF0];
	[tilespmem:s15+$0x1020 ss:$0x81] =	vst.msk $0xffff, v0;
	(pc) =	sbr.rel @p1 .LBB1_3-.Ltmp3, $4  }
0x36: {  	v0 =	vld [tilespmem:s18+$0x0];
	[tilespmem:s15+$0x0 ss:$0x81] =	vst.msk $0xffff, v1  }
0x37: {  	s15 =	sshra.s32 s19, $0x2;
	v1 =	vld [tilespmem:s18+$0xFFFFFFE0]  }
0x38: {  	s15 =	sadd.s32 s15, s16  }
0x39: {  	s18 =	sadd.s32 $0x40, s18;
	[tilespmem:s15+$0x1830 ss:$0x81] =	vst.msk $0xffff, v3  }
.Ltmp4:
0x3a: {  	_ = 	snop;
	(pc) =	sbr.rel .LBB1_4-.Ltmp4, $1  }
0x3b: {  	_ =	sdelay $0x3  }
.LBB1_6:
0x3c: {  	_ =	sfence.sel $0x180000  }
0x3d: {  	s2 =	simm.s32 $0x1;
	[bflag:$0x0] =	sbarrier.arrive $0xFFFF  }
0x3e: {  	s31 =	simm.s32 $0x2;
	[sflag:s2] =	ssyncpa.u1 $0x1  }
0x3f: {  	[sflag:s31] =	ssyncpa.u1 $0x1  }
0x40: {  	p0 =	sne.s32 s0, $0x0;
	_ =	strace $0x9000004A  }
0x41: {  	s0 =	sadd.s32 @!p0 $0x100000, s1;
	[bflag:$0x2] =	sbarrier.arrive $0xFFFF  }
0x42: {  	[sflag:s0] =	ssyncadd.tile.s32 @!p0 $0x1;
	_ =	shalt  }
.Lfunc_end1:
_tile_overlayer_lowered:
.L_overlay_start_2:
0x43: {  	(tag) =	ssettag $0x2  }
0x44: {  	s0 =	rddreg [dreg:$0x0];
	s2 =	stileid.u32  }
0x45: {  	s1 =	rddreg [dreg:$0x1];
	p0 =	sne.s32 s2, $0x0  }
0x46: {  	s3 =	rddreg [dreg:$0x2];
	[bflag:$0x3] =	sbarrier.arrive $0xFFFF;
	s2 =	simm.s32 @!p0 $0x1C01  }
0x47: {  	[timem:s3], [sflag:s2] =	dma.local @!p0 [hbm:s0], s1  }
0x48: {  	s0 =	simm.s32 @!p0 $0x1  }
0x49: {  	_ =	swait.ge @!p0 [sflag:s0], s1  }
0x4a: {  	s1 =	ssub.s32 @!p0 $0x0, s1;
	[sflag:s0] =	ssyncset.done @!p0 $0x0  }
0x4b: {  	[sflag:s0] =	ssyncadd.s32 @!p0 s1  }
0x4c: {  	[bflag:$0x3] =	sbarrier.arrive $0xFFFF  }
0x4d: {  	_ =	shalt  }

</sc_bundles>
